<compile_context>
chip_gen: v7x
topology: tpu7x:2x2x1
jax: 0.10.2.dev20260603
libtpu: 0.0.44.dev20260713+nightly
codegen_flags: <defaults>
</compile_context>

<pallas_src>
import functools

import jax
import jax.numpy as jnp
from jax import lax
from jax.experimental import pallas as pl
from jax.experimental.pallas import tpu as pltpu
from jax.experimental.pallas import tpu_sc as plsc

_NUM_CLASSES = 1000
_HIDDEN = 1152
_BATCH = 16384
_ROWS = _NUM_CLASSES + 1

_NC = 2
_NS = 16
_NW = _NC * _NS
_BPW = _BATCH // _NW
_GRP = 8
_NGRP = _BPW // _GRP

_STG = 64
_STG_LAST = _ROWS - 15 * _STG

_mesh = plsc.VectorSubcoreMesh(core_axis_name="c", subcore_axis_name="s")


@functools.partial(
    pl.kernel,
    mesh=_mesh,
    out_type=jax.ShapeDtypeStruct((_BATCH, _HIDDEN), jnp.float32),
    scratch_types=[
        pltpu.VMEM_SHARED((_ROWS * _HIDDEN,), jnp.float32),
        pltpu.VMEM((2, _GRP, _HIDDEN), jnp.float32),
        pltpu.VMEM((_BPW,), jnp.int32),
        pltpu.VMEM((_BPW,), jnp.int32),
        pltpu.SemaphoreType.DMA,
        pltpu.SemaphoreType.DMA,
        pltpu.SemaphoreType.DMA,
    ],
)
def _embed(labels_hbm, force_hbm, table_hbm, out_hbm,
           table_sp, rowbuf, idx_v, frc_v, rsem, osem, ssem):
    cid = lax.axis_index("c")
    sid = lax.axis_index("s")
    wid = sid * _NC + cid
    base = pl.multiple_of(wid * _BPW, _BPW)

    @pl.when(sid < 15)
    def _():
        off = pl.multiple_of(sid * _STG * _HIDDEN, _STG * _HIDDEN)
        pltpu.async_copy(table_hbm.at[pl.ds(off, _STG * _HIDDEN)],
                         table_sp.at[pl.ds(off, _STG * _HIDDEN)], ssem)

    @pl.when(sid == 15)
    def _():
        pltpu.async_copy(
            table_hbm.at[pl.ds(15 * _STG * _HIDDEN, _STG_LAST * _HIDDEN)],
            table_sp.at[pl.ds(15 * _STG * _HIDDEN, _STG_LAST * _HIDDEN)], ssem)

    pltpu.sync_copy(labels_hbm.at[pl.ds(base, _BPW)], idx_v)
    pltpu.sync_copy(force_hbm.at[pl.ds(base, _BPW)], frc_v)

    for i in range(_BPW // 16):
        sl = pl.ds(i * 16, 16)
        idx_v[sl] = jnp.where(frc_v[sl] == 1, _NUM_CLASSES, idx_v[sl])

    @pl.when(sid < 15)
    def _():
        off = pl.multiple_of(sid * _STG * _HIDDEN, _STG * _HIDDEN)
        pltpu.make_async_copy(table_hbm.at[pl.ds(off, _STG * _HIDDEN)],
                              table_sp.at[pl.ds(off, _STG * _HIDDEN)],
                              ssem).wait()

    @pl.when(sid == 15)
    def _():
        pltpu.make_async_copy(
            table_hbm.at[pl.ds(15 * _STG * _HIDDEN, _STG_LAST * _HIDDEN)],
            table_sp.at[pl.ds(15 * _STG * _HIDDEN, _STG_LAST * _HIDDEN)],
            ssem).wait()

    plsc.subcore_barrier()

    def gather_group(g, b):
        idx16 = idx_v[pl.ds(pl.multiple_of(g * _GRP, _GRP), _GRP)]
        for r in range(_GRP):
            off = pl.multiple_of(idx16[r] * _HIDDEN, _HIDDEN)
            pltpu.async_copy(table_sp.at[pl.ds(off, _HIDDEN)],
                             rowbuf.at[b, r], rsem)
        pltpu.make_async_copy(
            out_hbm.at[pl.ds(0, _GRP)], rowbuf.at[b], rsem).wait()

    @pl.loop(0, _NGRP, step=2)
    def _(g0):
        for b in range(2):
            g = g0 + b

            @pl.when(g >= 2)
            def _():
                pltpu.make_async_copy(
                    out_hbm.at[pl.ds(0, _GRP)], rowbuf.at[b], osem).wait()

            gather_group(g, b)
            pltpu.async_copy(
                rowbuf.at[b], out_hbm.at[pl.ds(base + g * _GRP, _GRP)], osem)

    for b in range(2):
        pltpu.make_async_copy(
            out_hbm.at[pl.ds(0, _GRP)], rowbuf.at[b], osem).wait()


def kernel(labels, train, force_drop_ids, embedding_table):
    del train
    return _embed(labels.astype(jnp.int32),
                  force_drop_ids.astype(jnp.int32),
                  embedding_table.reshape(-1))

# --- scband reference (transcript-rebuilt; emitter-appended) ---
"""Pipeline reference for scband-label-embedder-50457275794040 (READ-ONLY COPY).

The authoritative reference and input builder live on the scoring server;
editing this copy changes nothing except your own understanding.
"""

import jax, jax.numpy as jnp
import numpy as np

NUM_CLASSES = 1000
HIDDEN = 1152
BATCH = 16384


def setup_inputs(seed: int = 0) -> dict:
    key = jax.random.key(seed)
    k1, k2, k3 = jax.random.split(key, 3)
    labels = jax.random.randint(k1, (BATCH,), 0, NUM_CLASSES, dtype=jnp.int64 if jax.config.jax_enable_x64 else jnp.int32)
    force_drop_ids = jax.random.randint(k2, (BATCH,), 0, 2, dtype=jnp.int32)
    # Embedding table for num_classes + 1 entries (last row is the 'null' class
    # used for classifier-free guidance dropout), init normal(0.02).
    embedding_table = jax.random.normal(k3, (NUM_CLASSES + 1, HIDDEN), dtype=jnp.float32) * 0.02
    return {
        "labels": labels,
        "train": True,
        "force_drop_ids": force_drop_ids,
        "embedding_table": embedding_table,
    }


def reference(labels, train, force_drop_ids, embedding_table):
    dropout_prob = 0.1
    has_dropout = dropout_prob > 0
    # token_drop with force_drop_ids provided: deterministic drop mask
    apply_drop = jnp.logical_or(jnp.logical_and(train, has_dropout), force_drop_ids is not None)
    drop_ids = jnp.logical_and(force_drop_ids == 1, apply_drop)
    labels = jnp.where(drop_ids, NUM_CLASSES, labels)
    embeddings = jnp.take(embedding_table, labels, axis=0)
    return embeddings

if __name__ == "__main__":
    import jax
    _d = setup_inputs()
    print(jax.jit(kernel)(*tuple(_d.values())))

</pallas_src>

<mosaic_0001>
#map = affine_map<(d0, d1) -> (0)>
#map1 = affine_map<(d0, d1) -> (0, 0)>
module attributes {stable_mosaic.version = 14 : i64} {
  func.func @_embed(%arg0: i32, %arg1: i32, %arg2: memref<16384xi32, #tpu.memory_space<hbm>>, %arg3: memref<16384xi32, #tpu.memory_space<hbm>>, %arg4: memref<1153152xf32, #tpu.memory_space<hbm>>, %arg5: memref<16384x1152xf32, #tpu.memory_space<hbm>>, %arg6: memref<1153152xf32, #tpu.memory_space<vmem_shared>>, %arg7: memref<2x8x1152xf32, #tpu.memory_space<vmem>>, %arg8: memref<512xi32, #tpu.memory_space<vmem>>, %arg9: memref<512xi32, #tpu.memory_space<vmem>>, %arg10: memref<!tpu.dma_semaphore, #tpu.memory_space<semaphore_mem>>, %arg11: memref<!tpu.dma_semaphore, #tpu.memory_space<semaphore_mem>>, %arg12: memref<!tpu.dma_semaphore, #tpu.memory_space<semaphore_mem>>) attributes {dimension_semantics = [#tpu.dimension_semantics<core_parallel>, #tpu.dimension_semantics<subcore_parallel>], iteration_bounds = array<i64: 2, 16>, scalar_prefetch = 0 : i64, scratch_operands = 7 : i64, tpu.core_type = #tpu.core_type<sc_vector_subcore>, window_params = [{transform_indices = #map}, {transform_indices = #map}, {transform_indices = #map}, {transform_indices = #map1}]} {
    %mul3A = arith.constant 2 : i32
    %mul3A_0 = arith.muli %arg1, %mul3A : i32
    %add3A = arith.addi %mul3A_0, %arg0 : i32
    %mul3A_1 = arith.constant 512 : i32
    %mul3A_2 = arith.muli %add3A, %mul3A_1 : i32
    %multiple_of3A = tpu.assume_multiple %mul3A_2, 512 : i32
    %lt3A = arith.constant 15 : i32
    %lt3A_3 = arith.cmpi slt, %arg1, %lt3A : i32
    %convert_element_type3A = arith.extui %lt3A_3 : i1 to i32
    %cond3A = arith.constant 0 : i32
    %cond3A_4 = arith.cmpi ne, %convert_element_type3A, %cond3A : i32
    scf.if %cond3A_4 {
      %mul3A_559 = arith.constant 64 : i32
      %mul3A_560 = arith.muli %arg1, %mul3A_559 : i32
      %mul3A_561 = arith.constant 1152 : i32
      %mul3A_562 = arith.muli %mul3A_560, %mul3A_561 : i32
      %multiple_of3A_563 = tpu.assume_multiple %mul3A_562, 73728 : i32
      %dma_start3A = tpu.memref_slice %arg6[%multiple_of3A_563] : memref<1153152xf32, #tpu.memory_space<vmem_shared>> -> memref<73728xf32, #tpu.memory_space<vmem_shared>>
      %dma_start3A_564 = tpu.memref_slice %arg4[%multiple_of3A_563] : memref<1153152xf32, #tpu.memory_space<hbm>> -> memref<73728xf32, #tpu.memory_space<hbm>>
      tpu.enqueue_dma source(%dma_start3A_564 : memref<73728xf32, #tpu.memory_space<hbm>>) target(%dma_start3A : memref<73728xf32, #tpu.memory_space<vmem_shared>>) target_semaphore(%arg12 : memref<!tpu.dma_semaphore, #tpu.memory_space<semaphore_mem>>)
    } else {
    }
    %eq3A = arith.constant 15 : i32
    %eq3A_5 = arith.cmpi eq, %arg1, %eq3A : i32
    %convert_element_type3A_6 = arith.extui %eq3A_5 : i1 to i32
    %cond3A_7 = arith.constant 0 : i32
    %cond3A_8 = arith.cmpi ne, %convert_element_type3A_6, %cond3A_7 : i32
    scf.if %cond3A_8 {
      %dma_start3A = arith.constant 1105920 : i32
      %dma_start3A_559 = tpu.memref_slice %arg6[%dma_start3A] : memref<1153152xf32, #tpu.memory_space<vmem_shared>> -> memref<47232xf32, #tpu.memory_space<vmem_shared>>
      %dma_start3A_560 = arith.constant 1105920 : i32
      %dma_start3A_561 = tpu.memref_slice %arg4[%dma_start3A_560] : memref<1153152xf32, #tpu.memory_space<hbm>> -> memref<47232xf32, #tpu.memory_space<hbm>>
      tpu.enqueue_dma source(%dma_start3A_561 : memref<47232xf32, #tpu.memory_space<hbm>>) target(%dma_start3A_559 : memref<47232xf32, #tpu.memory_space<vmem_shared>>) target_semaphore(%arg12 : memref<!tpu.dma_semaphore, #tpu.memory_space<semaphore_mem>>)
    } else {
    }
    "tpu.region"() ({
      %run_scoped3A = tpu.sem_alloc : memref<!tpu.dma_semaphore, #tpu.memory_space<semaphore_mem>>
      %dma_start3A = tpu.memref_slice %arg2[%multiple_of3A] : memref<16384xi32, #tpu.memory_space<hbm>> -> memref<512xi32, #tpu.memory_space<hbm>>
      %dma_start3A_559 = tpu.memref_slice %arg2[%multiple_of3A] : memref<16384xi32, #tpu.memory_space<hbm>> -> memref<512xi32, #tpu.memory_space<hbm>>
      tpu.enqueue_dma source(%dma_start3A_559 : memref<512xi32, #tpu.memory_space<hbm>>) target(%arg8 : memref<512xi32, #tpu.memory_space<vmem>>) target_semaphore(%run_scoped3A : memref<!tpu.dma_semaphore, #tpu.memory_space<semaphore_mem>>)
      %dma_wait3A_560 = tpu.memref_slice %arg2[%multiple_of3A] : memref<16384xi32, #tpu.memory_space<hbm>> -> memref<512xi32, #tpu.memory_space<hbm>>
      %dma_wait3A_561 = tpu.memref_slice %arg2[%multiple_of3A] : memref<16384xi32, #tpu.memory_space<hbm>> -> memref<512xi32, #tpu.memory_space<hbm>>
      tpu.wait_dma2 semaphore(%run_scoped3A : memref<!tpu.dma_semaphore, #tpu.memory_space<semaphore_mem>>) src(%dma_wait3A_561 : memref<512xi32, #tpu.memory_space<hbm>>) dst(%arg8 : memref<512xi32, #tpu.memory_space<vmem>>)
      tpu.yield
    }) : () -> ()
    "tpu.region"() ({
      %run_scoped3A = tpu.sem_alloc : memref<!tpu.dma_semaphore, #tpu.memory_space<semaphore_mem>>
      %dma_start3A = tpu.memref_slice %arg3[%multiple_of3A] : memref<16384xi32, #tpu.memory_space<hbm>> -> memref<512xi32, #tpu.memory_space<hbm>>
      %dma_start3A_559 = tpu.memref_slice %arg3[%multiple_of3A] : memref<16384xi32, #tpu.memory_space<hbm>> -> memref<512xi32, #tpu.memory_space<hbm>>
      tpu.enqueue_dma source(%dma_start3A_559 : memref<512xi32, #tpu.memory_space<hbm>>) target(%arg9 : memref<512xi32, #tpu.memory_space<vmem>>) target_semaphore(%run_scoped3A : memref<!tpu.dma_semaphore, #tpu.memory_space<semaphore_mem>>)
      %dma_wait3A_560 = tpu.memref_slice %arg3[%multiple_of3A] : memref<16384xi32, #tpu.memory_space<hbm>> -> memref<512xi32, #tpu.memory_space<hbm>>
      %dma_wait3A_561 = tpu.memref_slice %arg3[%multiple_of3A] : memref<16384xi32, #tpu.memory_space<hbm>> -> memref<512xi32, #tpu.memory_space<hbm>>
      tpu.wait_dma2 semaphore(%run_scoped3A : memref<!tpu.dma_semaphore, #tpu.memory_space<semaphore_mem>>) src(%dma_wait3A_561 : memref<512xi32, #tpu.memory_space<hbm>>) dst(%arg9 : memref<512xi32, #tpu.memory_space<vmem>>)
      tpu.yield
    }) : () -> ()
    %get3A = arith.constant 0 : index
    %get3A_9 = tpu.vector_load %arg9[%get3A] {strides = array<i32>} : memref<512xi32, #tpu.memory_space<vmem>>, vector<16xi32>,
    %get3A_10 = vector.shape_cast %get3A_9 : vector<16xi32> to vector<16xi32>
    %eq3A_11 = arith.constant 1 : i32
    %eq3A_12 = vector.broadcast %eq3A_11 : i32 to vector<16xi32>
    %eq3A_13 = arith.cmpi eq, %get3A_10, %eq3A_12 : vector<16xi32>
    %get3A_14 = arith.constant 0 : index
    %get3A_15 = tpu.vector_load %arg8[%get3A_14] {strides = array<i32>} : memref<512xi32, #tpu.memory_space<vmem>>, vector<16xi32>,
    %get3A_16 = vector.shape_cast %get3A_15 : vector<16xi32> to vector<16xi32>
    %jit3A = arith.constant 1000 : i32
    %broadcast_in_dim3A = vector.broadcast %jit3A : i32 to vector<16xi32>
    %select_n3A = arith.select %eq3A_13, %broadcast_in_dim3A, %get3A_16 : vector<16xi1>, vector<16xi32>
    %swap3A = arith.constant 0 : index
    %swap3A_17 = tpu.vector_load %arg8[%swap3A] {strides = array<i32>} : memref<512xi32, #tpu.memory_space<vmem>>, vector<16xi32>,
    %swap3A_18 = vector.shape_cast %swap3A_17 : vector<16xi32> to vector<16xi32>
    %swap3A_19 = vector.shape_cast %select_n3A : vector<16xi32> to vector<16xi32>
    tpu.vector_store %arg8[%swap3A], %swap3A_19 {strides = array<i32>} : memref<512xi32, #tpu.memory_space<vmem>>, vector<16xi32>,
    %get3A_20 = arith.constant 16 : index
    %get3A_21 = tpu.vector_load %arg9[%get3A_20] {strides = array<i32>} : memref<512xi32, #tpu.memory_space<vmem>>, vector<16xi32>,
    %get3A_22 = vector.shape_cast %get3A_21 : vector<16xi32> to vector<16xi32>
    %eq3A_23 = arith.constant 1 : i32
    %eq3A_24 = vector.broadcast %eq3A_23 : i32 to vector<16xi32>
    %eq3A_25 = arith.cmpi eq, %get3A_22, %eq3A_24 : vector<16xi32>
    %get3A_26 = arith.constant 16 : index
    %get3A_27 = tpu.vector_load %arg8[%get3A_26] {strides = array<i32>} : memref<512xi32, #tpu.memory_space<vmem>>, vector<16xi32>,
    %get3A_28 = vector.shape_cast %get3A_27 : vector<16xi32> to vector<16xi32>
    %jit3A_29 = arith.constant 1000 : i32
    %broadcast_in_dim3A_30 = vector.broadcast %jit3A_29 : i32 to vector<16xi32>
    %select_n3A_31 = arith.select %eq3A_25, %broadcast_in_dim3A_30, %get3A_28 : vector<16xi1>, vector<16xi32>
    %swap3A_32 = arith.constant 16 : index
    %swap3A_33 = tpu.vector_load %arg8[%swap3A_32] {strides = array<i32>} : memref<512xi32, #tpu.memory_space<vmem>>, vector<16xi32>,
    %swap3A_34 = vector.shape_cast %swap3A_33 : vector<16xi32> to vector<16xi32>
    %swap3A_35 = vector.shape_cast %select_n3A_31 : vector<16xi32> to vector<16xi32>
    tpu.vector_store %arg8[%swap3A_32], %swap3A_35 {strides = array<i32>} : memref<512xi32, #tpu.memory_space<vmem>>, vector<16xi32>,
    %get3A_36 = arith.constant 32 : index
    %get3A_37 = tpu.vector_load %arg9[%get3A_36] {strides = array<i32>} : memref<512xi32, #tpu.memory_space<vmem>>, vector<16xi32>,
    %get3A_38 = vector.shape_cast %get3A_37 : vector<16xi32> to vector<16xi32>
    %eq3A_39 = arith.constant 1 : i32
    %eq3A_40 = vector.broadcast %eq3A_39 : i32 to vector<16xi32>
    %eq3A_41 = arith.cmpi eq, %get3A_38, %eq3A_40 : vector<16xi32>
    %get3A_42 = arith.constant 32 : index
    %get3A_43 = tpu.vector_load %arg8[%get3A_42] {strides = array<i32>} : memref<512xi32, #tpu.memory_space<vmem>>, vector<16xi32>,
    %get3A_44 = vector.shape_cast %get3A_43 : vector<16xi32> to vector<16xi32>
    %jit3A_45 = arith.constant 1000 : i32
    %broadcast_in_dim3A_46 = vector.broadcast %jit3A_45 : i32 to vector<16xi32>
    %select_n3A_47 = arith.select %eq3A_41, %broadcast_in_dim3A_46, %get3A_44 : vector<16xi1>, vector<16xi32>
    %swap3A_48 = arith.constant 32 : index
    %swap3A_49 = tpu.vector_load %arg8[%swap3A_48] {strides = array<i32>} : memref<512xi32, #tpu.memory_space<vmem>>, vector<16xi32>,
    %swap3A_50 = vector.shape_cast %swap3A_49 : vector<16xi32> to vector<16xi32>
    %swap3A_51 = vector.shape_cast %select_n3A_47 : vector<16xi32> to vector<16xi32>
    tpu.vector_store %arg8[%swap3A_48], %swap3A_51 {strides = array<i32>} : memref<512xi32, #tpu.memory_space<vmem>>, vector<16xi32>,
    %get3A_52 = arith.constant 48 : index
    %get3A_53 = tpu.vector_load %arg9[%get3A_52] {strides = array<i32>} : memref<512xi32, #tpu.memory_space<vmem>>, vector<16xi32>,
    %get3A_54 = vector.shape_cast %get3A_53 : vector<16xi32> to vector<16xi32>
    %eq3A_55 = arith.constant 1 : i32
    %eq3A_56 = vector.broadcast %eq3A_55 : i32 to vector<16xi32>
    %eq3A_57 = arith.cmpi eq, %get3A_54, %eq3A_56 : vector<16xi32>
    %get3A_58 = arith.constant 48 : index
    %get3A_59 = tpu.vector_load %arg8[%get3A_58] {strides = array<i32>} : memref<512xi32, #tpu.memory_space<vmem>>, vector<16xi32>,
    %get3A_60 = vector.shape_cast %get3A_59 : vector<16xi32> to vector<16xi32>
    %jit3A_61 = arith.constant 1000 : i32
    %broadcast_in_dim3A_62 = vector.broadcast %jit3A_61 : i32 to vector<16xi32>
    %select_n3A_63 = arith.select %eq3A_57, %broadcast_in_dim3A_62, %get3A_60 : vector<16xi1>, vector<16xi32>
    %swap3A_64 = arith.constant 48 : index
    %swap3A_65 = tpu.vector_load %arg8[%swap3A_64] {strides = array<i32>} : memref<512xi32, #tpu.memory_space<vmem>>, vector<16xi32>,
    %swap3A_66 = vector.shape_cast %swap3A_65 : vector<16xi32> to vector<16xi32>
    %swap3A_67 = vector.shape_cast %select_n3A_63 : vector<16xi32> to vector<16xi32>
    tpu.vector_store %arg8[%swap3A_64], %swap3A_67 {strides = array<i32>} : memref<512xi32, #tpu.memory_space<vmem>>, vector<16xi32>,
    %get3A_68 = arith.constant 64 : index
    %get3A_69 = tpu.vector_load %arg9[%get3A_68] {strides = array<i32>} : memref<512xi32, #tpu.memory_space<vmem>>, vector<16xi32>,
    %get3A_70 = vector.shape_cast %get3A_69 : vector<16xi32> to vector<16xi32>
    %eq3A_71 = arith.constant 1 : i32
    %eq3A_72 = vector.broadcast %eq3A_71 : i32 to vector<16xi32>
    %eq3A_73 = arith.cmpi eq, %get3A_70, %eq3A_72 : vector<16xi32>
    %get3A_74 = arith.constant 64 : index
    %get3A_75 = tpu.vector_load %arg8[%get3A_74] {strides = array<i32>} : memref<512xi32, #tpu.memory_space<vmem>>, vector<16xi32>,
    %get3A_76 = vector.shape_cast %get3A_75 : vector<16xi32> to vector<16xi32>
    %jit3A_77 = arith.constant 1000 : i32
    %broadcast_in_dim3A_78 = vector.broadcast %jit3A_77 : i32 to vector<16xi32>
    %select_n3A_79 = arith.select %eq3A_73, %broadcast_in_dim3A_78, %get3A_76 : vector<16xi1>, vector<16xi32>
    %swap3A_80 = arith.constant 64 : index
    %swap3A_81 = tpu.vector_load %arg8[%swap3A_80] {strides = array<i32>} : memref<512xi32, #tpu.memory_space<vmem>>, vector<16xi32>,
    %swap3A_82 = vector.shape_cast %swap3A_81 : vector<16xi32> to vector<16xi32>
    %swap3A_83 = vector.shape_cast %select_n3A_79 : vector<16xi32> to vector<16xi32>
    tpu.vector_store %arg8[%swap3A_80], %swap3A_83 {strides = array<i32>} : memref<512xi32, #tpu.memory_space<vmem>>, vector<16xi32>,
    %get3A_84 = arith.constant 80 : index
    %get3A_85 = tpu.vector_load %arg9[%get3A_84] {strides = array<i32>} : memref<512xi32, #tpu.memory_space<vmem>>, vector<16xi32>,
    %get3A_86 = vector.shape_cast %get3A_85 : vector<16xi32> to vector<16xi32>
    %eq3A_87 = arith.constant 1 : i32
    %eq3A_88 = vector.broadcast %eq3A_87 : i32 to vector<16xi32>
    %eq3A_89 = arith.cmpi eq, %get3A_86, %eq3A_88 : vector<16xi32>
    %get3A_90 = arith.constant 80 : index
    %get3A_91 = tpu.vector_load %arg8[%get3A_90] {strides = array<i32>} : memref<512xi32, #tpu.memory_space<vmem>>, vector<16xi32>,
    %get3A_92 = vector.shape_cast %get3A_91 : vector<16xi32> to vector<16xi32>
    %jit3A_93 = arith.constant 1000 : i32
    %broadcast_in_dim3A_94 = vector.broadcast %jit3A_93 : i32 to vector<16xi32>
    %select_n3A_95 = arith.select %eq3A_89, %broadcast_in_dim3A_94, %get3A_92 : vector<16xi1>, vector<16xi32>
    %swap3A_96 = arith.constant 80 : index
    %swap3A_97 = tpu.vector_load %arg8[%swap3A_96] {strides = array<i32>} : memref<512xi32, #tpu.memory_space<vmem>>, vector<16xi32>,
    %swap3A_98 = vector.shape_cast %swap3A_97 : vector<16xi32> to vector<16xi32>
    %swap3A_99 = vector.shape_cast %select_n3A_95 : vector<16xi32> to vector<16xi32>
    tpu.vector_store %arg8[%swap3A_96], %swap3A_99 {strides = array<i32>} : memref<512xi32, #tpu.memory_space<vmem>>, vector<16xi32>,
    %get3A_100 = arith.constant 96 : index
    %get3A_101 = tpu.vector_load %arg9[%get3A_100] {strides = array<i32>} : memref<512xi32, #tpu.memory_space<vmem>>, vector<16xi32>,
    %get3A_102 = vector.shape_cast %get3A_101 : vector<16xi32> to vector<16xi32>
    %eq3A_103 = arith.constant 1 : i32
    %eq3A_104 = vector.broadcast %eq3A_103 : i32 to vector<16xi32>
    %eq3A_105 = arith.cmpi eq, %get3A_102, %eq3A_104 : vector<16xi32>
    %get3A_106 = arith.constant 96 : index
    %get3A_107 = tpu.vector_load %arg8[%get3A_106] {strides = array<i32>} : memref<512xi32, #tpu.memory_space<vmem>>, vector<16xi32>,
    %get3A_108 = vector.shape_cast %get3A_107 : vector<16xi32> to vector<16xi32>
    %jit3A_109 = arith.constant 1000 : i32
    %broadcast_in_dim3A_110 = vector.broadcast %jit3A_109 : i32 to vector<16xi32>
    %select_n3A_111 = arith.select %eq3A_105, %broadcast_in_dim3A_110, %get3A_108 : vector<16xi1>, vector<16xi32>
    %swap3A_112 = arith.constant 96 : index
    %swap3A_113 = tpu.vector_load %arg8[%swap3A_112] {strides = array<i32>} : memref<512xi32, #tpu.memory_space<vmem>>, vector<16xi32>,
    %swap3A_114 = vector.shape_cast %swap3A_113 : vector<16xi32> to vector<16xi32>
    %swap3A_115 = vector.shape_cast %select_n3A_111 : vector<16xi32> to vector<16xi32>
    tpu.vector_store %arg8[%swap3A_112], %swap3A_115 {strides = array<i32>} : memref<512xi32, #tpu.memory_space<vmem>>, vector<16xi32>,
    %get3A_116 = arith.constant 112 : index
    %get3A_117 = tpu.vector_load %arg9[%get3A_116] {strides = array<i32>} : memref<512xi32, #tpu.memory_space<vmem>>, vector<16xi32>,
    %get3A_118 = vector.shape_cast %get3A_117 : vector<16xi32> to vector<16xi32>
    %eq3A_119 = arith.constant 1 : i32
    %eq3A_120 = vector.broadcast %eq3A_119 : i32 to vector<16xi32>
    %eq3A_121 = arith.cmpi eq, %get3A_118, %eq3A_120 : vector<16xi32>
    %get3A_122 = arith.constant 112 : index
    %get3A_123 = tpu.vector_load %arg8[%get3A_122] {strides = array<i32>} : memref<512xi32, #tpu.memory_space<vmem>>, vector<16xi32>,
    %get3A_124 = vector.shape_cast %get3A_123 : vector<16xi32> to vector<16xi32>
    %jit3A_125 = arith.constant 1000 : i32
    %broadcast_in_dim3A_126 = vector.broadcast %jit3A_125 : i32 to vector<16xi32>
    %select_n3A_127 = arith.select %eq3A_121, %broadcast_in_dim3A_126, %get3A_124 : vector<16xi1>, vector<16xi32>
    %swap3A_128 = arith.constant 112 : index
    %swap3A_129 = tpu.vector_load %arg8[%swap3A_128] {strides = array<i32>} : memref<512xi32, #tpu.memory_space<vmem>>, vector<16xi32>,
    %swap3A_130 = vector.shape_cast %swap3A_129 : vector<16xi32> to vector<16xi32>
    %swap3A_131 = vector.shape_cast %select_n3A_127 : vector<16xi32> to vector<16xi32>
    tpu.vector_store %arg8[%swap3A_128], %swap3A_131 {strides = array<i32>} : memref<512xi32, #tpu.memory_space<vmem>>, vector<16xi32>,
    %get3A_132 = arith.constant 128 : index
    %get3A_133 = tpu.vector_load %arg9[%get3A_132] {strides = array<i32>} : memref<512xi32, #tpu.memory_space<vmem>>, vector<16xi32>,
    %get3A_134 = vector.shape_cast %get3A_133 : vector<16xi32> to vector<16xi32>
    %eq3A_135 = arith.constant 1 : i32
    %eq3A_136 = vector.broadcast %eq3A_135 : i32 to vector<16xi32>
    %eq3A_137 = arith.cmpi eq, %get3A_134, %eq3A_136 : vector<16xi32>
    %get3A_138 = arith.constant 128 : index
    %get3A_139 = tpu.vector_load %arg8[%get3A_138] {strides = array<i32>} : memref<512xi32, #tpu.memory_space<vmem>>, vector<16xi32>,
    %get3A_140 = vector.shape_cast %get3A_139 : vector<16xi32> to vector<16xi32>
    %jit3A_141 = arith.constant 1000 : i32
    %broadcast_in_dim3A_142 = vector.broadcast %jit3A_141 : i32 to vector<16xi32>
    %select_n3A_143 = arith.select %eq3A_137, %broadcast_in_dim3A_142, %get3A_140 : vector<16xi1>, vector<16xi32>
    %swap3A_144 = arith.constant 128 : index
    %swap3A_145 = tpu.vector_load %arg8[%swap3A_144] {strides = array<i32>} : memref<512xi32, #tpu.memory_space<vmem>>, vector<16xi32>,
    %swap3A_146 = vector.shape_cast %swap3A_145 : vector<16xi32> to vector<16xi32>
    %swap3A_147 = vector.shape_cast %select_n3A_143 : vector<16xi32> to vector<16xi32>
    tpu.vector_store %arg8[%swap3A_144], %swap3A_147 {strides = array<i32>} : memref<512xi32, #tpu.memory_space<vmem>>, vector<16xi32>,
    %get3A_148 = arith.constant 144 : index
    %get3A_149 = tpu.vector_load %arg9[%get3A_148] {strides = array<i32>} : memref<512xi32, #tpu.memory_space<vmem>>, vector<16xi32>,
    %get3A_150 = vector.shape_cast %get3A_149 : vector<16xi32> to vector<16xi32>
    %eq3A_151 = arith.constant 1 : i32
    %eq3A_152 = vector.broadcast %eq3A_151 : i32 to vector<16xi32>
    %eq3A_153 = arith.cmpi eq, %get3A_150, %eq3A_152 : vector<16xi32>
    %get3A_154 = arith.constant 144 : index
    %get3A_155 = tpu.vector_load %arg8[%get3A_154] {strides = array<i32>} : memref<512xi32, #tpu.memory_space<vmem>>, vector<16xi32>,
    %get3A_156 = vector.shape_cast %get3A_155 : vector<16xi32> to vector<16xi32>
    %jit3A_157 = arith.constant 1000 : i32
    %broadcast_in_dim3A_158 = vector.broadcast %jit3A_157 : i32 to vector<16xi32>
    %select_n3A_159 = arith.select %eq3A_153, %broadcast_in_dim3A_158, %get3A_156 : vector<16xi1>, vector<16xi32>
    %swap3A_160 = arith.constant 144 : index
    %swap3A_161 = tpu.vector_load %arg8[%swap3A_160] {strides = array<i32>} : memref<512xi32, #tpu.memory_space<vmem>>, vector<16xi32>,
    %swap3A_162 = vector.shape_cast %swap3A_161 : vector<16xi32> to vector<16xi32>
    %swap3A_163 = vector.shape_cast %select_n3A_159 : vector<16xi32> to vector<16xi32>
    tpu.vector_store %arg8[%swap3A_160], %swap3A_163 {strides = array<i32>} : memref<512xi32, #tpu.memory_space<vmem>>, vector<16xi32>,
    %get3A_164 = arith.constant 160 : index
    %get3A_165 = tpu.vector_load %arg9[%get3A_164] {strides = array<i32>} : memref<512xi32, #tpu.memory_space<vmem>>, vector<16xi32>,
    %get3A_166 = vector.shape_cast %get3A_165 : vector<16xi32> to vector<16xi32>
    %eq3A_167 = arith.constant 1 : i32
    %eq3A_168 = vector.broadcast %eq3A_167 : i32 to vector<16xi32>
    %eq3A_169 = arith.cmpi eq, %get3A_166, %eq3A_168 : vector<16xi32>
    %get3A_170 = arith.constant 160 : index
    %get3A_171 = tpu.vector_load %arg8[%get3A_170] {strides = array<i32>} : memref<512xi32, #tpu.memory_space<vmem>>, vector<16xi32>,
    %get3A_172 = vector.shape_cast %get3A_171 : vector<16xi32> to vector<16xi32>
    %jit3A_173 = arith.constant 1000 : i32
    %broadcast_in_dim3A_174 = vector.broadcast %jit3A_173 : i32 to vector<16xi32>
    %select_n3A_175 = arith.select %eq3A_169, %broadcast_in_dim3A_174, %get3A_172 : vector<16xi1>, vector<16xi32>
    %swap3A_176 = arith.constant 160 : index
    %swap3A_177 = tpu.vector_load %arg8[%swap3A_176] {strides = array<i32>} : memref<512xi32, #tpu.memory_space<vmem>>, vector<16xi32>,
    %swap3A_178 = vector.shape_cast %swap3A_177 : vector<16xi32> to vector<16xi32>
    %swap3A_179 = vector.shape_cast %select_n3A_175 : vector<16xi32> to vector<16xi32>
    tpu.vector_store %arg8[%swap3A_176], %swap3A_179 {strides = array<i32>} : memref<512xi32, #tpu.memory_space<vmem>>, vector<16xi32>,
    %get3A_180 = arith.constant 176 : index
    %get3A_181 = tpu.vector_load %arg9[%get3A_180] {strides = array<i32>} : memref<512xi32, #tpu.memory_space<vmem>>, vector<16xi32>,
    %get3A_182 = vector.shape_cast %get3A_181 : vector<16xi32> to vector<16xi32>
    %eq3A_183 = arith.constant 1 : i32
    %eq3A_184 = vector.broadcast %eq3A_183 : i32 to vector<16xi32>
    %eq3A_185 = arith.cmpi eq, %get3A_182, %eq3A_184 : vector<16xi32>
    %get3A_186 = arith.constant 176 : index
    %get3A_187 = tpu.vector_load %arg8[%get3A_186] {strides = array<i32>} : memref<512xi32, #tpu.memory_space<vmem>>, vector<16xi32>,
    %get3A_188 = vector.shape_cast %get3A_187 : vector<16xi32> to vector<16xi32>
    %jit3A_189 = arith.constant 1000 : i32
    %broadcast_in_dim3A_190 = vector.broadcast %jit3A_189 : i32 to vector<16xi32>
    %select_n3A_191 = arith.select %eq3A_185, %broadcast_in_dim3A_190, %get3A_188 : vector<16xi1>, vector<16xi32>
    %swap3A_192 = arith.constant 176 : index
    %swap3A_193 = tpu.vector_load %arg8[%swap3A_192] {strides = array<i32>} : memref<512xi32, #tpu.memory_space<vmem>>, vector<16xi32>,
    %swap3A_194 = vector.shape_cast %swap3A_193 : vector<16xi32> to vector<16xi32>
    %swap3A_195 = vector.shape_cast %select_n3A_191 : vector<16xi32> to vector<16xi32>
    tpu.vector_store %arg8[%swap3A_192], %swap3A_195 {strides = array<i32>} : memref<512xi32, #tpu.memory_space<vmem>>, vector<16xi32>,
    %get3A_196 = arith.constant 192 : index
    %get3A_197 = tpu.vector_load %arg9[%get3A_196] {strides = array<i32>} : memref<512xi32, #tpu.memory_space<vmem>>, vector<16xi32>,
    %get3A_198 = vector.shape_cast %get3A_197 : vector<16xi32> to vector<16xi32>
    %eq3A_199 = arith.constant 1 : i32
    %eq3A_200 = vector.broadcast %eq3A_199 : i32 to vector<16xi32>
    %eq3A_201 = arith.cmpi eq, %get3A_198, %eq3A_200 : vector<16xi32>
    %get3A_202 = arith.constant 192 : index
    %get3A_203 = tpu.vector_load %arg8[%get3A_202] {strides = array<i32>} : memref<512xi32, #tpu.memory_space<vmem>>, vector<16xi32>,
    %get3A_204 = vector.shape_cast %get3A_203 : vector<16xi32> to vector<16xi32>
    %jit3A_205 = arith.constant 1000 : i32
    %broadcast_in_dim3A_206 = vector.broadcast %jit3A_205 : i32 to vector<16xi32>
    %select_n3A_207 = arith.select %eq3A_201, %broadcast_in_dim3A_206, %get3A_204 : vector<16xi1>, vector<16xi32>
    %swap3A_208 = arith.constant 192 : index
    %swap3A_209 = tpu.vector_load %arg8[%swap3A_208] {strides = array<i32>} : memref<512xi32, #tpu.memory_space<vmem>>, vector<16xi32>,
    %swap3A_210 = vector.shape_cast %swap3A_209 : vector<16xi32> to vector<16xi32>
    %swap3A_211 = vector.shape_cast %select_n3A_207 : vector<16xi32> to vector<16xi32>
    tpu.vector_store %arg8[%swap3A_208], %swap3A_211 {strides = array<i32>} : memref<512xi32, #tpu.memory_space<vmem>>, vector<16xi32>,
    %get3A_212 = arith.constant 208 : index
    %get3A_213 = tpu.vector_load %arg9[%get3A_212] {strides = array<i32>} : memref<512xi32, #tpu.memory_space<vmem>>, vector<16xi32>,
    %get3A_214 = vector.shape_cast %get3A_213 : vector<16xi32> to vector<16xi32>
    %eq3A_215 = arith.constant 1 : i32
    %eq3A_216 = vector.broadcast %eq3A_215 : i32 to vector<16xi32>
    %eq3A_217 = arith.cmpi eq, %get3A_214, %eq3A_216 : vector<16xi32>
    %get3A_218 = arith.constant 208 : index
    %get3A_219 = tpu.vector_load %arg8[%get3A_218] {strides = array<i32>} : memref<512xi32, #tpu.memory_space<vmem>>, vector<16xi32>,
    %get3A_220 = vector.shape_cast %get3A_219 : vector<16xi32> to vector<16xi32>
    %jit3A_221 = arith.constant 1000 : i32
    %broadcast_in_dim3A_222 = vector.broadcast %jit3A_221 : i32 to vector<16xi32>
    %select_n3A_223 = arith.select %eq3A_217, %broadcast_in_dim3A_222, %get3A_220 : vector<16xi1>, vector<16xi32>
    %swap3A_224 = arith.constant 208 : index
    %swap3A_225 = tpu.vector_load %arg8[%swap3A_224] {strides = array<i32>} : memref<512xi32, #tpu.memory_space<vmem>>, vector<16xi32>,
    %swap3A_226 = vector.shape_cast %swap3A_225 : vector<16xi32> to vector<16xi32>
    %swap3A_227 = vector.shape_cast %select_n3A_223 : vector<16xi32> to vector<16xi32>
    tpu.vector_store %arg8[%swap3A_224], %swap3A_227 {strides = array<i32>} : memref<512xi32, #tpu.memory_space<vmem>>, vector<16xi32>,
    %get3A_228 = arith.constant 224 : index
    %get3A_229 = tpu.vector_load %arg9[%get3A_228] {strides = array<i32>} : memref<512xi32, #tpu.memory_space<vmem>>, vector<16xi32>,
    %get3A_230 = vector.shape_cast %get3A_229 : vector<16xi32> to vector<16xi32>
    %eq3A_231 = arith.constant 1 : i32
    %eq3A_232 = vector.broadcast %eq3A_231 : i32 to vector<16xi32>
    %eq3A_233 = arith.cmpi eq, %get3A_230, %eq3A_232 : vector<16xi32>
    %get3A_234 = arith.constant 224 : index
    %get3A_235 = tpu.vector_load %arg8[%get3A_234] {strides = array<i32>} : memref<512xi32, #tpu.memory_space<vmem>>, vector<16xi32>,
    %get3A_236 = vector.shape_cast %get3A_235 : vector<16xi32> to vector<16xi32>
    %jit3A_237 = arith.constant 1000 : i32
    %broadcast_in_dim3A_238 = vector.broadcast %jit3A_237 : i32 to vector<16xi32>
    %select_n3A_239 = arith.select %eq3A_233, %broadcast_in_dim3A_238, %get3A_236 : vector<16xi1>, vector<16xi32>
    %swap3A_240 = arith.constant 224 : index
    %swap3A_241 = tpu.vector_load %arg8[%swap3A_240] {strides = array<i32>} : memref<512xi32, #tpu.memory_space<vmem>>, vector<16xi32>,
    %swap3A_242 = vector.shape_cast %swap3A_241 : vector<16xi32> to vector<16xi32>
    %swap3A_243 = vector.shape_cast %select_n3A_239 : vector<16xi32> to vector<16xi32>
    tpu.vector_store %arg8[%swap3A_240], %swap3A_243 {strides = array<i32>} : memref<512xi32, #tpu.memory_space<vmem>>, vector<16xi32>,
    %get3A_244 = arith.constant 240 : index
    %get3A_245 = tpu.vector_load %arg9[%get3A_244] {strides = array<i32>} : memref<512xi32, #tpu.memory_space<vmem>>, vector<16xi32>,
    %get3A_246 = vector.shape_cast %get3A_245 : vector<16xi32> to vector<16xi32>
    %eq3A_247 = arith.constant 1 : i32
    %eq3A_248 = vector.broadcast %eq3A_247 : i32 to vector<16xi32>
    %eq3A_249 = arith.cmpi eq, %get3A_246, %eq3A_248 : vector<16xi32>
    %get3A_250 = arith.constant 240 : index
    %get3A_251 = tpu.vector_load %arg8[%get3A_250] {strides = array<i32>} : memref<512xi32, #tpu.memory_space<vmem>>, vector<16xi32>,
    %get3A_252 = vector.shape_cast %get3A_251 : vector<16xi32> to vector<16xi32>
    %jit3A_253 = arith.constant 1000 : i32
    %broadcast_in_dim3A_254 = vector.broadcast %jit3A_253 : i32 to vector<16xi32>
    %select_n3A_255 = arith.select %eq3A_249, %broadcast_in_dim3A_254, %get3A_252 : vector<16xi1>, vector<16xi32>
    %swap3A_256 = arith.constant 240 : index
    %swap3A_257 = tpu.vector_load %arg8[%swap3A_256] {strides = array<i32>} : memref<512xi32, #tpu.memory_space<vmem>>, vector<16xi32>,
    %swap3A_258 = vector.shape_cast %swap3A_257 : vector<16xi32> to vector<16xi32>
    %swap3A_259 = vector.shape_cast %select_n3A_255 : vector<16xi32> to vector<16xi32>
    tpu.vector_store %arg8[%swap3A_256], %swap3A_259 {strides = array<i32>} : memref<512xi32, #tpu.memory_space<vmem>>, vector<16xi32>,
    %get3A_260 = arith.constant 256 : index
    %get3A_261 = tpu.vector_load %arg9[%get3A_260] {strides = array<i32>} : memref<512xi32, #tpu.memory_space<vmem>>, vector<16xi32>,
    %get3A_262 = vector.shape_cast %get3A_261 : vector<16xi32> to vector<16xi32>
    %eq3A_263 = arith.constant 1 : i32
    %eq3A_264 = vector.broadcast %eq3A_263 : i32 to vector<16xi32>
    %eq3A_265 = arith.cmpi eq, %get3A_262, %eq3A_264 : vector<16xi32>
    %get3A_266 = arith.constant 256 : index
    %get3A_267 = tpu.vector_load %arg8[%get3A_266] {strides = array<i32>} : memref<512xi32, #tpu.memory_space<vmem>>, vector<16xi32>,
    %get3A_268 = vector.shape_cast %get3A_267 : vector<16xi32> to vector<16xi32>
    %jit3A_269 = arith.constant 1000 : i32
    %broadcast_in_dim3A_270 = vector.broadcast %jit3A_269 : i32 to vector<16xi32>
    %select_n3A_271 = arith.select %eq3A_265, %broadcast_in_dim3A_270, %get3A_268 : vector<16xi1>, vector<16xi32>
    %swap3A_272 = arith.constant 256 : index
    %swap3A_273 = tpu.vector_load %arg8[%swap3A_272] {strides = array<i32>} : memref<512xi32, #tpu.memory_space<vmem>>, vector<16xi32>,
    %swap3A_274 = vector.shape_cast %swap3A_273 : vector<16xi32> to vector<16xi32>
    %swap3A_275 = vector.shape_cast %select_n3A_271 : vector<16xi32> to vector<16xi32>
    tpu.vector_store %arg8[%swap3A_272], %swap3A_275 {strides = array<i32>} : memref<512xi32, #tpu.memory_space<vmem>>, vector<16xi32>,
    %get3A_276 = arith.constant 272 : index
    %get3A_277 = tpu.vector_load %arg9[%get3A_276] {strides = array<i32>} : memref<512xi32, #tpu.memory_space<vmem>>, vector<16xi32>,
    %get3A_278 = vector.shape_cast %get3A_277 : vector<16xi32> to vector<16xi32>
    %eq3A_279 = arith.constant 1 : i32
    %eq3A_280 = vector.broadcast %eq3A_279 : i32 to vector<16xi32>
    %eq3A_281 = arith.cmpi eq, %get3A_278, %eq3A_280 : vector<16xi32>
    %get3A_282 = arith.constant 272 : index
    %get3A_283 = tpu.vector_load %arg8[%get3A_282] {strides = array<i32>} : memref<512xi32, #tpu.memory_space<vmem>>, vector<16xi32>,
    %get3A_284 = vector.shape_cast %get3A_283 : vector<16xi32> to vector<16xi32>
    %jit3A_285 = arith.constant 1000 : i32
    %broadcast_in_dim3A_286 = vector.broadcast %jit3A_285 : i32 to vector<16xi32>
    %select_n3A_287 = arith.select %eq3A_281, %broadcast_in_dim3A_286, %get3A_284 : vector<16xi1>, vector<16xi32>
    %swap3A_288 = arith.constant 272 : index
    %swap3A_289 = tpu.vector_load %arg8[%swap3A_288] {strides = array<i32>} : memref<512xi32, #tpu.memory_space<vmem>>, vector<16xi32>,
    %swap3A_290 = vector.shape_cast %swap3A_289 : vector<16xi32> to vector<16xi32>
    %swap3A_291 = vector.shape_cast %select_n3A_287 : vector<16xi32> to vector<16xi32>
    tpu.vector_store %arg8[%swap3A_288], %swap3A_291 {strides = array<i32>} : memref<512xi32, #tpu.memory_space<vmem>>, vector<16xi32>,
    %get3A_292 = arith.constant 288 : index
    %get3A_293 = tpu.vector_load %arg9[%get3A_292] {strides = array<i32>} : memref<512xi32, #tpu.memory_space<vmem>>, vector<16xi32>,
    %get3A_294 = vector.shape_cast %get3A_293 : vector<16xi32> to vector<16xi32>
    %eq3A_295 = arith.constant 1 : i32
    %eq3A_296 = vector.broadcast %eq3A_295 : i32 to vector<16xi32>
    %eq3A_297 = arith.cmpi eq, %get3A_294, %eq3A_296 : vector<16xi32>
    %get3A_298 = arith.constant 288 : index
    %get3A_299 = tpu.vector_load %arg8[%get3A_298] {strides = array<i32>} : memref<512xi32, #tpu.memory_space<vmem>>, vector<16xi32>,
    %get3A_300 = vector.shape_cast %get3A_299 : vector<16xi32> to vector<16xi32>
    %jit3A_301 = arith.constant 1000 : i32
    %broadcast_in_dim3A_302 = vector.broadcast %jit3A_301 : i32 to vector<16xi32>
    %select_n3A_303 = arith.select %eq3A_297, %broadcast_in_dim3A_302, %get3A_300 : vector<16xi1>, vector<16xi32>
    %swap3A_304 = arith.constant 288 : index
    %swap3A_305 = tpu.vector_load %arg8[%swap3A_304] {strides = array<i32>} : memref<512xi32, #tpu.memory_space<vmem>>, vector<16xi32>,
    %swap3A_306 = vector.shape_cast %swap3A_305 : vector<16xi32> to vector<16xi32>
    %swap3A_307 = vector.shape_cast %select_n3A_303 : vector<16xi32> to vector<16xi32>
    tpu.vector_store %arg8[%swap3A_304], %swap3A_307 {strides = array<i32>} : memref<512xi32, #tpu.memory_space<vmem>>, vector<16xi32>,
    %get3A_308 = arith.constant 304 : index
    %get3A_309 = tpu.vector_load %arg9[%get3A_308] {strides = array<i32>} : memref<512xi32, #tpu.memory_space<vmem>>, vector<16xi32>,
    %get3A_310 = vector.shape_cast %get3A_309 : vector<16xi32> to vector<16xi32>
    %eq3A_311 = arith.constant 1 : i32
    %eq3A_312 = vector.broadcast %eq3A_311 : i32 to vector<16xi32>
    %eq3A_313 = arith.cmpi eq, %get3A_310, %eq3A_312 : vector<16xi32>
    %get3A_314 = arith.constant 304 : index
    %get3A_315 = tpu.vector_load %arg8[%get3A_314] {strides = array<i32>} : memref<512xi32, #tpu.memory_space<vmem>>, vector<16xi32>,
    %get3A_316 = vector.shape_cast %get3A_315 : vector<16xi32> to vector<16xi32>
    %jit3A_317 = arith.constant 1000 : i32
    %broadcast_in_dim3A_318 = vector.broadcast %jit3A_317 : i32 to vector<16xi32>
    %select_n3A_319 = arith.select %eq3A_313, %broadcast_in_dim3A_318, %get3A_316 : vector<16xi1>, vector<16xi32>
    %swap3A_320 = arith.constant 304 : index
    %swap3A_321 = tpu.vector_load %arg8[%swap3A_320] {strides = array<i32>} : memref<512xi32, #tpu.memory_space<vmem>>, vector<16xi32>,
    %swap3A_322 = vector.shape_cast %swap3A_321 : vector<16xi32> to vector<16xi32>
    %swap3A_323 = vector.shape_cast %select_n3A_319 : vector<16xi32> to vector<16xi32>
    tpu.vector_store %arg8[%swap3A_320], %swap3A_323 {strides = array<i32>} : memref<512xi32, #tpu.memory_space<vmem>>, vector<16xi32>,
    %get3A_324 = arith.constant 320 : index
    %get3A_325 = tpu.vector_load %arg9[%get3A_324] {strides = array<i32>} : memref<512xi32, #tpu.memory_space<vmem>>, vector<16xi32>,
    %get3A_326 = vector.shape_cast %get3A_325 : vector<16xi32> to vector<16xi32>
    %eq3A_327 = arith.constant 1 : i32
    %eq3A_328 = vector.broadcast %eq3A_327 : i32 to vector<16xi32>
    %eq3A_329 = arith.cmpi eq, %get3A_326, %eq3A_328 : vector<16xi32>
    %get3A_330 = arith.constant 320 : index
    %get3A_331 = tpu.vector_load %arg8[%get3A_330] {strides = array<i32>} : memref<512xi32, #tpu.memory_space<vmem>>, vector<16xi32>,
    %get3A_332 = vector.shape_cast %get3A_331 : vector<16xi32> to vector<16xi32>
    %jit3A_333 = arith.constant 1000 : i32
    %broadcast_in_dim3A_334 = vector.broadcast %jit3A_333 : i32 to vector<16xi32>
    %select_n3A_335 = arith.select %eq3A_329, %broadcast_in_dim3A_334, %get3A_332 : vector<16xi1>, vector<16xi32>
    %swap3A_336 = arith.constant 320 : index
    %swap3A_337 = tpu.vector_load %arg8[%swap3A_336] {strides = array<i32>} : memref<512xi32, #tpu.memory_space<vmem>>, vector<16xi32>,
    %swap3A_338 = vector.shape_cast %swap3A_337 : vector<16xi32> to vector<16xi32>
    %swap3A_339 = vector.shape_cast %select_n3A_335 : vector<16xi32> to vector<16xi32>
    tpu.vector_store %arg8[%swap3A_336], %swap3A_339 {strides = array<i32>} : memref<512xi32, #tpu.memory_space<vmem>>, vector<16xi32>,
    %get3A_340 = arith.constant 336 : index
    %get3A_341 = tpu.vector_load %arg9[%get3A_340] {strides = array<i32>} : memref<512xi32, #tpu.memory_space<vmem>>, vector<16xi32>,
    %get3A_342 = vector.shape_cast %get3A_341 : vector<16xi32> to vector<16xi32>
    %eq3A_343 = arith.constant 1 : i32
    %eq3A_344 = vector.broadcast %eq3A_343 : i32 to vector<16xi32>
    %eq3A_345 = arith.cmpi eq, %get3A_342, %eq3A_344 : vector<16xi32>
    %get3A_346 = arith.constant 336 : index
    %get3A_347 = tpu.vector_load %arg8[%get3A_346] {strides = array<i32>} : memref<512xi32, #tpu.memory_space<vmem>>, vector<16xi32>,
    %get3A_348 = vector.shape_cast %get3A_347 : vector<16xi32> to vector<16xi32>
    %jit3A_349 = arith.constant 1000 : i32
    %broadcast_in_dim3A_350 = vector.broadcast %jit3A_349 : i32 to vector<16xi32>
    %select_n3A_351 = arith.select %eq3A_345, %broadcast_in_dim3A_350, %get3A_348 : vector<16xi1>, vector<16xi32>
    %swap3A_352 = arith.constant 336 : index
    %swap3A_353 = tpu.vector_load %arg8[%swap3A_352] {strides = array<i32>} : memref<512xi32, #tpu.memory_space<vmem>>, vector<16xi32>,
    %swap3A_354 = vector.shape_cast %swap3A_353 : vector<16xi32> to vector<16xi32>
    %swap3A_355 = vector.shape_cast %select_n3A_351 : vector<16xi32> to vector<16xi32>
    tpu.vector_store %arg8[%swap3A_352], %swap3A_355 {strides = array<i32>} : memref<512xi32, #tpu.memory_space<vmem>>, vector<16xi32>,
    %get3A_356 = arith.constant 352 : index
    %get3A_357 = tpu.vector_load %arg9[%get3A_356] {strides = array<i32>} : memref<512xi32, #tpu.memory_space<vmem>>, vector<16xi32>,
    %get3A_358 = vector.shape_cast %get3A_357 : vector<16xi32> to vector<16xi32>
    %eq3A_359 = arith.constant 1 : i32
    %eq3A_360 = vector.broadcast %eq3A_359 : i32 to vector<16xi32>
    %eq3A_361 = arith.cmpi eq, %get3A_358, %eq3A_360 : vector<16xi32>
    %get3A_362 = arith.constant 352 : index
    %get3A_363 = tpu.vector_load %arg8[%get3A_362] {strides = array<i32>} : memref<512xi32, #tpu.memory_space<vmem>>, vector<16xi32>,
    %get3A_364 = vector.shape_cast %get3A_363 : vector<16xi32> to vector<16xi32>
    %jit3A_365 = arith.constant 1000 : i32
    %broadcast_in_dim3A_366 = vector.broadcast %jit3A_365 : i32 to vector<16xi32>
    %select_n3A_367 = arith.select %eq3A_361, %broadcast_in_dim3A_366, %get3A_364 : vector<16xi1>, vector<16xi32>
    %swap3A_368 = arith.constant 352 : index
    %swap3A_369 = tpu.vector_load %arg8[%swap3A_368] {strides = array<i32>} : memref<512xi32, #tpu.memory_space<vmem>>, vector<16xi32>,
    %swap3A_370 = vector.shape_cast %swap3A_369 : vector<16xi32> to vector<16xi32>
    %swap3A_371 = vector.shape_cast %select_n3A_367 : vector<16xi32> to vector<16xi32>
    tpu.vector_store %arg8[%swap3A_368], %swap3A_371 {strides = array<i32>} : memref<512xi32, #tpu.memory_space<vmem>>, vector<16xi32>,
    %get3A_372 = arith.constant 368 : index
    %get3A_373 = tpu.vector_load %arg9[%get3A_372] {strides = array<i32>} : memref<512xi32, #tpu.memory_space<vmem>>, vector<16xi32>,
    %get3A_374 = vector.shape_cast %get3A_373 : vector<16xi32> to vector<16xi32>
    %eq3A_375 = arith.constant 1 : i32
    %eq3A_376 = vector.broadcast %eq3A_375 : i32 to vector<16xi32>
    %eq3A_377 = arith.cmpi eq, %get3A_374, %eq3A_376 : vector<16xi32>
    %get3A_378 = arith.constant 368 : index
    %get3A_379 = tpu.vector_load %arg8[%get3A_378] {strides = array<i32>} : memref<512xi32, #tpu.memory_space<vmem>>, vector<16xi32>,
    %get3A_380 = vector.shape_cast %get3A_379 : vector<16xi32> to vector<16xi32>
    %jit3A_381 = arith.constant 1000 : i32
    %broadcast_in_dim3A_382 = vector.broadcast %jit3A_381 : i32 to vector<16xi32>
    %select_n3A_383 = arith.select %eq3A_377, %broadcast_in_dim3A_382, %get3A_380 : vector<16xi1>, vector<16xi32>
    %swap3A_384 = arith.constant 368 : index
    %swap3A_385 = tpu.vector_load %arg8[%swap3A_384] {strides = array<i32>} : memref<512xi32, #tpu.memory_space<vmem>>, vector<16xi32>,
    %swap3A_386 = vector.shape_cast %swap3A_385 : vector<16xi32> to vector<16xi32>
    %swap3A_387 = vector.shape_cast %select_n3A_383 : vector<16xi32> to vector<16xi32>
    tpu.vector_store %arg8[%swap3A_384], %swap3A_387 {strides = array<i32>} : memref<512xi32, #tpu.memory_space<vmem>>, vector<16xi32>,
    %get3A_388 = arith.constant 384 : index
    %get3A_389 = tpu.vector_load %arg9[%get3A_388] {strides = array<i32>} : memref<512xi32, #tpu.memory_space<vmem>>, vector<16xi32>,
    %get3A_390 = vector.shape_cast %get3A_389 : vector<16xi32> to vector<16xi32>
    %eq3A_391 = arith.constant 1 : i32
    %eq3A_392 = vector.broadcast %eq3A_391 : i32 to vector<16xi32>
    %eq3A_393 = arith.cmpi eq, %get3A_390, %eq3A_392 : vector<16xi32>
    %get3A_394 = arith.constant 384 : index
    %get3A_395 = tpu.vector_load %arg8[%get3A_394] {strides = array<i32>} : memref<512xi32, #tpu.memory_space<vmem>>, vector<16xi32>,
    %get3A_396 = vector.shape_cast %get3A_395 : vector<16xi32> to vector<16xi32>
    %jit3A_397 = arith.constant 1000 : i32
    %broadcast_in_dim3A_398 = vector.broadcast %jit3A_397 : i32 to vector<16xi32>
    %select_n3A_399 = arith.select %eq3A_393, %broadcast_in_dim3A_398, %get3A_396 : vector<16xi1>, vector<16xi32>
    %swap3A_400 = arith.constant 384 : index
    %swap3A_401 = tpu.vector_load %arg8[%swap3A_400] {strides = array<i32>} : memref<512xi32, #tpu.memory_space<vmem>>, vector<16xi32>,
    %swap3A_402 = vector.shape_cast %swap3A_401 : vector<16xi32> to vector<16xi32>
    %swap3A_403 = vector.shape_cast %select_n3A_399 : vector<16xi32> to vector<16xi32>
    tpu.vector_store %arg8[%swap3A_400], %swap3A_403 {strides = array<i32>} : memref<512xi32, #tpu.memory_space<vmem>>, vector<16xi32>,
    %get3A_404 = arith.constant 400 : index
    %get3A_405 = tpu.vector_load %arg9[%get3A_404] {strides = array<i32>} : memref<512xi32, #tpu.memory_space<vmem>>, vector<16xi32>,
    %get3A_406 = vector.shape_cast %get3A_405 : vector<16xi32> to vector<16xi32>
    %eq3A_407 = arith.constant 1 : i32
    %eq3A_408 = vector.broadcast %eq3A_407 : i32 to vector<16xi32>
    %eq3A_409 = arith.cmpi eq, %get3A_406, %eq3A_408 : vector<16xi32>
    %get3A_410 = arith.constant 400 : index
    %get3A_411 = tpu.vector_load %arg8[%get3A_410] {strides = array<i32>} : memref<512xi32, #tpu.memory_space<vmem>>, vector<16xi32>,
    %get3A_412 = vector.shape_cast %get3A_411 : vector<16xi32> to vector<16xi32>
    %jit3A_413 = arith.constant 1000 : i32
    %broadcast_in_dim3A_414 = vector.broadcast %jit3A_413 : i32 to vector<16xi32>
    %select_n3A_415 = arith.select %eq3A_409, %broadcast_in_dim3A_414, %get3A_412 : vector<16xi1>, vector<16xi32>
    %swap3A_416 = arith.constant 400 : index
    %swap3A_417 = tpu.vector_load %arg8[%swap3A_416] {strides = array<i32>} : memref<512xi32, #tpu.memory_space<vmem>>, vector<16xi32>,
    %swap3A_418 = vector.shape_cast %swap3A_417 : vector<16xi32> to vector<16xi32>
    %swap3A_419 = vector.shape_cast %select_n3A_415 : vector<16xi32> to vector<16xi32>
    tpu.vector_store %arg8[%swap3A_416], %swap3A_419 {strides = array<i32>} : memref<512xi32, #tpu.memory_space<vmem>>, vector<16xi32>,
    %get3A_420 = arith.constant 416 : index
    %get3A_421 = tpu.vector_load %arg9[%get3A_420] {strides = array<i32>} : memref<512xi32, #tpu.memory_space<vmem>>, vector<16xi32>,
    %get3A_422 = vector.shape_cast %get3A_421 : vector<16xi32> to vector<16xi32>
    %eq3A_423 = arith.constant 1 : i32
    %eq3A_424 = vector.broadcast %eq3A_423 : i32 to vector<16xi32>
    %eq3A_425 = arith.cmpi eq, %get3A_422, %eq3A_424 : vector<16xi32>
    %get3A_426 = arith.constant 416 : index
    %get3A_427 = tpu.vector_load %arg8[%get3A_426] {strides = array<i32>} : memref<512xi32, #tpu.memory_space<vmem>>, vector<16xi32>,
    %get3A_428 = vector.shape_cast %get3A_427 : vector<16xi32> to vector<16xi32>
    %jit3A_429 = arith.constant 1000 : i32
    %broadcast_in_dim3A_430 = vector.broadcast %jit3A_429 : i32 to vector<16xi32>
    %select_n3A_431 = arith.select %eq3A_425, %broadcast_in_dim3A_430, %get3A_428 : vector<16xi1>, vector<16xi32>
    %swap3A_432 = arith.constant 416 : index
    %swap3A_433 = tpu.vector_load %arg8[%swap3A_432] {strides = array<i32>} : memref<512xi32, #tpu.memory_space<vmem>>, vector<16xi32>,
    %swap3A_434 = vector.shape_cast %swap3A_433 : vector<16xi32> to vector<16xi32>
    %swap3A_435 = vector.shape_cast %select_n3A_431 : vector<16xi32> to vector<16xi32>
    tpu.vector_store %arg8[%swap3A_432], %swap3A_435 {strides = array<i32>} : memref<512xi32, #tpu.memory_space<vmem>>, vector<16xi32>,
    %get3A_436 = arith.constant 432 : index
    %get3A_437 = tpu.vector_load %arg9[%get3A_436] {strides = array<i32>} : memref<512xi32, #tpu.memory_space<vmem>>, vector<16xi32>,
    %get3A_438 = vector.shape_cast %get3A_437 : vector<16xi32> to vector<16xi32>
    %eq3A_439 = arith.constant 1 : i32
    %eq3A_440 = vector.broadcast %eq3A_439 : i32 to vector<16xi32>
    %eq3A_441 = arith.cmpi eq, %get3A_438, %eq3A_440 : vector<16xi32>
    %get3A_442 = arith.constant 432 : index
    %get3A_443 = tpu.vector_load %arg8[%get3A_442] {strides = array<i32>} : memref<512xi32, #tpu.memory_space<vmem>>, vector<16xi32>,
    %get3A_444 = vector.shape_cast %get3A_443 : vector<16xi32> to vector<16xi32>
    %jit3A_445 = arith.constant 1000 : i32
    %broadcast_in_dim3A_446 = vector.broadcast %jit3A_445 : i32 to vector<16xi32>
    %select_n3A_447 = arith.select %eq3A_441, %broadcast_in_dim3A_446, %get3A_444 : vector<16xi1>, vector<16xi32>
    %swap3A_448 = arith.constant 432 : index
    %swap3A_449 = tpu.vector_load %arg8[%swap3A_448] {strides = array<i32>} : memref<512xi32, #tpu.memory_space<vmem>>, vector<16xi32>,
    %swap3A_450 = vector.shape_cast %swap3A_449 : vector<16xi32> to vector<16xi32>
    %swap3A_451 = vector.shape_cast %select_n3A_447 : vector<16xi32> to vector<16xi32>
    tpu.vector_store %arg8[%swap3A_448], %swap3A_451 {strides = array<i32>} : memref<512xi32, #tpu.memory_space<vmem>>, vector<16xi32>,
    %get3A_452 = arith.constant 448 : index
    %get3A_453 = tpu.vector_load %arg9[%get3A_452] {strides = array<i32>} : memref<512xi32, #tpu.memory_space<vmem>>, vector<16xi32>,
    %get3A_454 = vector.shape_cast %get3A_453 : vector<16xi32> to vector<16xi32>
    %eq3A_455 = arith.constant 1 : i32
    %eq3A_456 = vector.broadcast %eq3A_455 : i32 to vector<16xi32>
    %eq3A_457 = arith.cmpi eq, %get3A_454, %eq3A_456 : vector<16xi32>
    %get3A_458 = arith.constant 448 : index
    %get3A_459 = tpu.vector_load %arg8[%get3A_458] {strides = array<i32>} : memref<512xi32, #tpu.memory_space<vmem>>, vector<16xi32>,
    %get3A_460 = vector.shape_cast %get3A_459 : vector<16xi32> to vector<16xi32>
    %jit3A_461 = arith.constant 1000 : i32
    %broadcast_in_dim3A_462 = vector.broadcast %jit3A_461 : i32 to vector<16xi32>
    %select_n3A_463 = arith.select %eq3A_457, %broadcast_in_dim3A_462, %get3A_460 : vector<16xi1>, vector<16xi32>
    %swap3A_464 = arith.constant 448 : index
    %swap3A_465 = tpu.vector_load %arg8[%swap3A_464] {strides = array<i32>} : memref<512xi32, #tpu.memory_space<vmem>>, vector<16xi32>,
    %swap3A_466 = vector.shape_cast %swap3A_465 : vector<16xi32> to vector<16xi32>
    %swap3A_467 = vector.shape_cast %select_n3A_463 : vector<16xi32> to vector<16xi32>
    tpu.vector_store %arg8[%swap3A_464], %swap3A_467 {strides = array<i32>} : memref<512xi32, #tpu.memory_space<vmem>>, vector<16xi32>,
    %get3A_468 = arith.constant 464 : index
    %get3A_469 = tpu.vector_load %arg9[%get3A_468] {strides = array<i32>} : memref<512xi32, #tpu.memory_space<vmem>>, vector<16xi32>,
    %get3A_470 = vector.shape_cast %get3A_469 : vector<16xi32> to vector<16xi32>
    %eq3A_471 = arith.constant 1 : i32
    %eq3A_472 = vector.broadcast %eq3A_471 : i32 to vector<16xi32>
    %eq3A_473 = arith.cmpi eq, %get3A_470, %eq3A_472 : vector<16xi32>
    %get3A_474 = arith.constant 464 : index
    %get3A_475 = tpu.vector_load %arg8[%get3A_474] {strides = array<i32>} : memref<512xi32, #tpu.memory_space<vmem>>, vector<16xi32>,
    %get3A_476 = vector.shape_cast %get3A_475 : vector<16xi32> to vector<16xi32>
    %jit3A_477 = arith.constant 1000 : i32
    %broadcast_in_dim3A_478 = vector.broadcast %jit3A_477 : i32 to vector<16xi32>
    %select_n3A_479 = arith.select %eq3A_473, %broadcast_in_dim3A_478, %get3A_476 : vector<16xi1>, vector<16xi32>
    %swap3A_480 = arith.constant 464 : index
    %swap3A_481 = tpu.vector_load %arg8[%swap3A_480] {strides = array<i32>} : memref<512xi32, #tpu.memory_space<vmem>>, vector<16xi32>,
    %swap3A_482 = vector.shape_cast %swap3A_481 : vector<16xi32> to vector<16xi32>
    %swap3A_483 = vector.shape_cast %select_n3A_479 : vector<16xi32> to vector<16xi32>
    tpu.vector_store %arg8[%swap3A_480], %swap3A_483 {strides = array<i32>} : memref<512xi32, #tpu.memory_space<vmem>>, vector<16xi32>,
    %get3A_484 = arith.constant 480 : index
    %get3A_485 = tpu.vector_load %arg9[%get3A_484] {strides = array<i32>} : memref<512xi32, #tpu.memory_space<vmem>>, vector<16xi32>,
    %get3A_486 = vector.shape_cast %get3A_485 : vector<16xi32> to vector<16xi32>
    %eq3A_487 = arith.constant 1 : i32
    %eq3A_488 = vector.broadcast %eq3A_487 : i32 to vector<16xi32>
    %eq3A_489 = arith.cmpi eq, %get3A_486, %eq3A_488 : vector<16xi32>
    %get3A_490 = arith.constant 480 : index
    %get3A_491 = tpu.vector_load %arg8[%get3A_490] {strides = array<i32>} : memref<512xi32, #tpu.memory_space<vmem>>, vector<16xi32>,
    %get3A_492 = vector.shape_cast %get3A_491 : vector<16xi32> to vector<16xi32>
    %jit3A_493 = arith.constant 1000 : i32
    %broadcast_in_dim3A_494 = vector.broadcast %jit3A_493 : i32 to vector<16xi32>
    %select_n3A_495 = arith.select %eq3A_489, %broadcast_in_dim3A_494, %get3A_492 : vector<16xi1>, vector<16xi32>
    %swap3A_496 = arith.constant 480 : index
    %swap3A_497 = tpu.vector_load %arg8[%swap3A_496] {strides = array<i32>} : memref<512xi32, #tpu.memory_space<vmem>>, vector<16xi32>,
    %swap3A_498 = vector.shape_cast %swap3A_497 : vector<16xi32> to vector<16xi32>
    %swap3A_499 = vector.shape_cast %select_n3A_495 : vector<16xi32> to vector<16xi32>
    tpu.vector_store %arg8[%swap3A_496], %swap3A_499 {strides = array<i32>} : memref<512xi32, #tpu.memory_space<vmem>>, vector<16xi32>,
    %get3A_500 = arith.constant 496 : index
    %get3A_501 = tpu.vector_load %arg9[%get3A_500] {strides = array<i32>} : memref<512xi32, #tpu.memory_space<vmem>>, vector<16xi32>,
    %get3A_502 = vector.shape_cast %get3A_501 : vector<16xi32> to vector<16xi32>
    %eq3A_503 = arith.constant 1 : i32
    %eq3A_504 = vector.broadcast %eq3A_503 : i32 to vector<16xi32>
    %eq3A_505 = arith.cmpi eq, %get3A_502, %eq3A_504 : vector<16xi32>
    %get3A_506 = arith.constant 496 : index
    %get3A_507 = tpu.vector_load %arg8[%get3A_506] {strides = array<i32>} : memref<512xi32, #tpu.memory_space<vmem>>, vector<16xi32>,
    %get3A_508 = vector.shape_cast %get3A_507 : vector<16xi32> to vector<16xi32>
    %jit3A_509 = arith.constant 1000 : i32
    %broadcast_in_dim3A_510 = vector.broadcast %jit3A_509 : i32 to vector<16xi32>
    %select_n3A_511 = arith.select %eq3A_505, %broadcast_in_dim3A_510, %get3A_508 : vector<16xi1>, vector<16xi32>
    %swap3A_512 = arith.constant 496 : index
    %swap3A_513 = tpu.vector_load %arg8[%swap3A_512] {strides = array<i32>} : memref<512xi32, #tpu.memory_space<vmem>>, vector<16xi32>,
    %swap3A_514 = vector.shape_cast %swap3A_513 : vector<16xi32> to vector<16xi32>
    %swap3A_515 = vector.shape_cast %select_n3A_511 : vector<16xi32> to vector<16xi32>
    tpu.vector_store %arg8[%swap3A_512], %swap3A_515 {strides = array<i32>} : memref<512xi32, #tpu.memory_space<vmem>>, vector<16xi32>,
    %lt3A_516 = arith.constant 15 : i32
    %lt3A_517 = arith.cmpi slt, %arg1, %lt3A_516 : i32
    %convert_element_type3A_518 = arith.extui %lt3A_517 : i1 to i32
    %cond3A_519 = arith.constant 0 : i32
    %cond3A_520 = arith.cmpi ne, %convert_element_type3A_518, %cond3A_519 : i32
    scf.if %cond3A_520 {
      %mul3A_559 = arith.constant 64 : i32
      %mul3A_560 = arith.muli %arg1, %mul3A_559 : i32
      %mul3A_561 = arith.constant 1152 : i32
      %mul3A_562 = arith.muli %mul3A_560, %mul3A_561 : i32
      %multiple_of3A_563 = tpu.assume_multiple %mul3A_562, 73728 : i32
      %dma_wait3A_564 = tpu.memref_slice %arg6[%multiple_of3A_563] : memref<1153152xf32, #tpu.memory_space<vmem_shared>> -> memref<73728xf32, #tpu.memory_space<vmem_shared>>
      %dma_wait3A_565 = tpu.memref_slice %arg4[%multiple_of3A_563] : memref<1153152xf32, #tpu.memory_space<hbm>> -> memref<73728xf32, #tpu.memory_space<hbm>>
      tpu.wait_dma2 semaphore(%arg12 : memref<!tpu.dma_semaphore, #tpu.memory_space<semaphore_mem>>) src(%dma_wait3A_565 : memref<73728xf32, #tpu.memory_space<hbm>>) dst(%dma_wait3A_564 : memref<73728xf32, #tpu.memory_space<vmem_shared>>)
    } else {
    }
    %eq3A_521 = arith.constant 15 : i32
    %eq3A_522 = arith.cmpi eq, %arg1, %eq3A_521 : i32
    %convert_element_type3A_523 = arith.extui %eq3A_522 : i1 to i32
    %cond3A_524 = arith.constant 0 : i32
    %cond3A_525 = arith.cmpi ne, %convert_element_type3A_523, %cond3A_524 : i32
    scf.if %cond3A_525 {
      %dma_wait3A_559 = arith.constant 1105920 : i32
      %dma_wait3A_560 = tpu.memref_slice %arg6[%dma_wait3A_559] : memref<1153152xf32, #tpu.memory_space<vmem_shared>> -> memref<47232xf32, #tpu.memory_space<vmem_shared>>
      %dma_wait3A_561 = arith.constant 1105920 : i32
      %dma_wait3A_562 = tpu.memref_slice %arg4[%dma_wait3A_561] : memref<1153152xf32, #tpu.memory_space<hbm>> -> memref<47232xf32, #tpu.memory_space<hbm>>
      tpu.wait_dma2 semaphore(%arg12 : memref<!tpu.dma_semaphore, #tpu.memory_space<semaphore_mem>>) src(%dma_wait3A_562 : memref<47232xf32, #tpu.memory_space<hbm>>) dst(%dma_wait3A_560 : memref<47232xf32, #tpu.memory_space<vmem_shared>>)
    } else {
    }
    %barrier3A = arith.constant 0 : index
    tpu.barrier barrier_id(%barrier3A)
    %scan3A = arith.constant 0 : i32
    %scan3A_526 = arith.constant 32 : i32
    %scan3A_527 = arith.addi %scan3A, %scan3A_526 : i32
    %scan3A_528 = arith.constant 1 : i32
    scf.for %scan3A_559 = %scan3A to %scan3A_527 step %scan3A_528  : i32 {
      %mul3A_560 = arith.constant 2 : i32
      %mul3A_561 = arith.muli %scan3A_559, %mul3A_560 : i32
      %add3A_562 = arith.constant 0 : i32
      %add3A_563 = arith.addi %add3A_562, %mul3A_561 : i32
      %add3A_564 = arith.constant 0 : i32
      %add3A_565 = arith.addi %add3A_563, %add3A_564 : i32
      %ge3A = arith.constant 2 : i32
      %ge3A_566 = arith.cmpi sge, %add3A_565, %ge3A : i32
      %convert_element_type3A_567 = arith.extui %ge3A_566 : i1 to i32
      %cond3A_568 = arith.constant 0 : i32
      %cond3A_569 = arith.cmpi ne, %convert_element_type3A_567, %cond3A_568 : i32
      scf.if %cond3A_569 {
        %dma_wait3A_888 = arith.constant 0 : i32
        %dma_wait3A_889 = arith.constant 0 : i32
        %dma_wait3A_890 = arith.constant 0 : i32
        %dma_wait3A_891 = tpu.memref_slice %arg7[%dma_wait3A_888, %dma_wait3A_889, %dma_wait3A_890] : memref<2x8x1152xf32, #tpu.memory_space<vmem>> -> memref<1x8x1152xf32, #tpu.memory_space<vmem>>
        %dma_wait3A_892 = tpu.memref_squeeze %dma_wait3A_891 : memref<1x8x1152xf32, #tpu.memory_space<vmem>> -> memref<8x1152xf32, #tpu.memory_space<vmem>>
        %dma_wait3A_893 = arith.constant 0 : i32
        %dma_wait3A_894 = arith.constant 0 : i32
        %dma_wait3A_895 = tpu.memref_slice %arg5[%dma_wait3A_893, %dma_wait3A_894] : memref<16384x1152xf32, #tpu.memory_space<hbm>> -> memref<8x1152xf32, #tpu.memory_space<hbm>>
        %dma_wait3A_896 = arith.constant 0 : i32
        %dma_wait3A_897 = arith.constant 0 : i32
        %dma_wait3A_898 = tpu.memref_slice %arg7[%dma_wait3A_888, %dma_wait3A_896, %dma_wait3A_897] : memref<2x8x1152xf32, #tpu.memory_space<vmem>> -> memref<1x8x1152xf32, #tpu.memory_space<vmem>>
        %dma_wait3A_899 = tpu.memref_squeeze %dma_wait3A_898 : memref<1x8x1152xf32, #tpu.memory_space<vmem>> -> memref<8x1152xf32, #tpu.memory_space<vmem>>
        %dma_wait3A_900 = arith.constant 0 : i32
        %dma_wait3A_901 = arith.constant 0 : i32
        %dma_wait3A_902 = tpu.memref_slice %arg5[%dma_wait3A_900, %dma_wait3A_901] : memref<16384x1152xf32, #tpu.memory_space<hbm>> -> memref<8x1152xf32, #tpu.memory_space<hbm>>
        tpu.wait_dma2 semaphore(%arg11 : memref<!tpu.dma_semaphore, #tpu.memory_space<semaphore_mem>>) src(%dma_wait3A_902 : memref<8x1152xf32, #tpu.memory_space<hbm>>) dst(%dma_wait3A_899 : memref<8x1152xf32, #tpu.memory_space<vmem>>)
      } else {
      }
      %mul3A_570 = arith.constant 8 : i32
      %mul3A_571 = arith.muli %add3A_565, %mul3A_570 : i32
      %multiple_of3A_572 = tpu.assume_multiple %mul3A_571, 8 : i32
      %get3A_573 = arith.index_cast %multiple_of3A_572 : i32 to index
      %get3A_574 = tpu.vector_load %arg8[%get3A_573] {strides = array<i32>} : memref<512xi32, #tpu.memory_space<vmem>>, vector<8xi32>,
      %get3A_575 = vector.shape_cast %get3A_574 : vector<8xi32> to vector<8xi32>
      %slice3A = vector.extract_strided_slice %get3A_575 {offsets = [0], sizes = [1], strides = [1]} : vector<8xi32> to vector<1xi32>
      %squeeze3A = vector.extract %slice3A[0] : i32 from vector<1xi32>
      %mul3A_576 = arith.constant 1152 : i32
      %mul3A_577 = arith.muli %squeeze3A, %mul3A_576 : i32
      %multiple_of3A_578 = tpu.assume_multiple %mul3A_577, 1152 : i32
      %dma_start3A = arith.constant 0 : i32
      %dma_start3A_579 = arith.constant 0 : i32
      %dma_start3A_580 = arith.constant 0 : i32
      %dma_start3A_581 = tpu.memref_slice %arg7[%dma_start3A, %dma_start3A_579, %dma_start3A_580] : memref<2x8x1152xf32, #tpu.memory_space<vmem>> -> memref<1x1x1152xf32, #tpu.memory_space<vmem>>
      %dma_start3A_582 = tpu.memref_squeeze %dma_start3A_581 : memref<1x1x1152xf32, #tpu.memory_space<vmem>> -> memref<1152xf32, #tpu.memory_space<vmem>>
      %dma_start3A_583 = tpu.memref_slice %arg6[%multiple_of3A_578] : memref<1153152xf32, #tpu.memory_space<vmem_shared>> -> memref<1152xf32, #tpu.memory_space<vmem_shared>>
      %dma_start3A_584 = arith.constant 0 : i32
      %dma_start3A_585 = tpu.memref_slice %arg7[%dma_start3A, %dma_start3A_579, %dma_start3A_584] : memref<2x8x1152xf32, #tpu.memory_space<vmem>> -> memref<1x1x1152xf32, #tpu.memory_space<vmem>>
      %dma_start3A_586 = tpu.memref_squeeze %dma_start3A_585 : memref<1x1x1152xf32, #tpu.memory_space<vmem>> -> memref<1152xf32, #tpu.memory_space<vmem>>
      %dma_start3A_587 = tpu.memref_slice %arg6[%multiple_of3A_578] : memref<1153152xf32, #tpu.memory_space<vmem_shared>> -> memref<1152xf32, #tpu.memory_space<vmem_shared>>
      tpu.enqueue_dma source(%dma_start3A_587 : memref<1152xf32, #tpu.memory_space<vmem_shared>>) target(%dma_start3A_586 : memref<1152xf32, #tpu.memory_space<vmem>>) target_semaphore(%arg10 : memref<!tpu.dma_semaphore, #tpu.memory_space<semaphore_mem>>)
      %slice3A_588 = vector.extract_strided_slice %get3A_575 {offsets = [1], sizes = [1], strides = [1]} : vector<8xi32> to vector<1xi32>
      %squeeze3A_589 = vector.extract %slice3A_588[0] : i32 from vector<1xi32>
      %mul3A_590 = arith.constant 1152 : i32
      %mul3A_591 = arith.muli %squeeze3A_589, %mul3A_590 : i32
      %multiple_of3A_592 = tpu.assume_multiple %mul3A_591, 1152 : i32
      %dma_start3A_593 = arith.constant 0 : i32
      %dma_start3A_594 = arith.constant 1 : i32
      %dma_start3A_595 = arith.constant 0 : i32
      %dma_start3A_596 = tpu.memref_slice %arg7[%dma_start3A_593, %dma_start3A_594, %dma_start3A_595] : memref<2x8x1152xf32, #tpu.memory_space<vmem>> -> memref<1x1x1152xf32, #tpu.memory_space<vmem>>
      %dma_start3A_597 = tpu.memref_squeeze %dma_start3A_596 : memref<1x1x1152xf32, #tpu.memory_space<vmem>> -> memref<1152xf32, #tpu.memory_space<vmem>>
      %dma_start3A_598 = tpu.memref_slice %arg6[%multiple_of3A_592] : memref<1153152xf32, #tpu.memory_space<vmem_shared>> -> memref<1152xf32, #tpu.memory_space<vmem_shared>>
      %dma_start3A_599 = arith.constant 0 : i32
      %dma_start3A_600 = tpu.memref_slice %arg7[%dma_start3A_593, %dma_start3A_594, %dma_start3A_599] : memref<2x8x1152xf32, #tpu.memory_space<vmem>> -> memref<1x1x1152xf32, #tpu.memory_space<vmem>>
      %dma_start3A_601 = tpu.memref_squeeze %dma_start3A_600 : memref<1x1x1152xf32, #tpu.memory_space<vmem>> -> memref<1152xf32, #tpu.memory_space<vmem>>
      %dma_start3A_602 = tpu.memref_slice %arg6[%multiple_of3A_592] : memref<1153152xf32, #tpu.memory_space<vmem_shared>> -> memref<1152xf32, #tpu.memory_space<vmem_shared>>
      tpu.enqueue_dma source(%dma_start3A_602 : memref<1152xf32, #tpu.memory_space<vmem_shared>>) target(%dma_start3A_601 : memref<1152xf32, #tpu.memory_space<vmem>>) target_semaphore(%arg10 : memref<!tpu.dma_semaphore, #tpu.memory_space<semaphore_mem>>)
      %slice3A_603 = vector.extract_strided_slice %get3A_575 {offsets = [2], sizes = [1], strides = [1]} : vector<8xi32> to vector<1xi32>
      %squeeze3A_604 = vector.extract %slice3A_603[0] : i32 from vector<1xi32>
      %mul3A_605 = arith.constant 1152 : i32
      %mul3A_606 = arith.muli %squeeze3A_604, %mul3A_605 : i32
      %multiple_of3A_607 = tpu.assume_multiple %mul3A_606, 1152 : i32
      %dma_start3A_608 = arith.constant 0 : i32
      %dma_start3A_609 = arith.constant 2 : i32
      %dma_start3A_610 = arith.constant 0 : i32
      %dma_start3A_611 = tpu.memref_slice %arg7[%dma_start3A_608, %dma_start3A_609, %dma_start3A_610] : memref<2x8x1152xf32, #tpu.memory_space<vmem>> -> memref<1x1x1152xf32, #tpu.memory_space<vmem>>
      %dma_start3A_612 = tpu.memref_squeeze %dma_start3A_611 : memref<1x1x1152xf32, #tpu.memory_space<vmem>> -> memref<1152xf32, #tpu.memory_space<vmem>>
      %dma_start3A_613 = tpu.memref_slice %arg6[%multiple_of3A_607] : memref<1153152xf32, #tpu.memory_space<vmem_shared>> -> memref<1152xf32, #tpu.memory_space<vmem_shared>>
      %dma_start3A_614 = arith.constant 0 : i32
      %dma_start3A_615 = tpu.memref_slice %arg7[%dma_start3A_608, %dma_start3A_609, %dma_start3A_614] : memref<2x8x1152xf32, #tpu.memory_space<vmem>> -> memref<1x1x1152xf32, #tpu.memory_space<vmem>>
      %dma_start3A_616 = tpu.memref_squeeze %dma_start3A_615 : memref<1x1x1152xf32, #tpu.memory_space<vmem>> -> memref<1152xf32, #tpu.memory_space<vmem>>
      %dma_start3A_617 = tpu.memref_slice %arg6[%multiple_of3A_607] : memref<1153152xf32, #tpu.memory_space<vmem_shared>> -> memref<1152xf32, #tpu.memory_space<vmem_shared>>
      tpu.enqueue_dma source(%dma_start3A_617 : memref<1152xf32, #tpu.memory_space<vmem_shared>>) target(%dma_start3A_616 : memref<1152xf32, #tpu.memory_space<vmem>>) target_semaphore(%arg10 : memref<!tpu.dma_semaphore, #tpu.memory_space<semaphore_mem>>)
      %slice3A_618 = vector.extract_strided_slice %get3A_575 {offsets = [3], sizes = [1], strides = [1]} : vector<8xi32> to vector<1xi32>
      %squeeze3A_619 = vector.extract %slice3A_618[0] : i32 from vector<1xi32>
      %mul3A_620 = arith.constant 1152 : i32
      %mul3A_621 = arith.muli %squeeze3A_619, %mul3A_620 : i32
      %multiple_of3A_622 = tpu.assume_multiple %mul3A_621, 1152 : i32
      %dma_start3A_623 = arith.constant 0 : i32
      %dma_start3A_624 = arith.constant 3 : i32
      %dma_start3A_625 = arith.constant 0 : i32
      %dma_start3A_626 = tpu.memref_slice %arg7[%dma_start3A_623, %dma_start3A_624, %dma_start3A_625] : memref<2x8x1152xf32, #tpu.memory_space<vmem>> -> memref<1x1x1152xf32, #tpu.memory_space<vmem>>
      %dma_start3A_627 = tpu.memref_squeeze %dma_start3A_626 : memref<1x1x1152xf32, #tpu.memory_space<vmem>> -> memref<1152xf32, #tpu.memory_space<vmem>>
      %dma_start3A_628 = tpu.memref_slice %arg6[%multiple_of3A_622] : memref<1153152xf32, #tpu.memory_space<vmem_shared>> -> memref<1152xf32, #tpu.memory_space<vmem_shared>>
      %dma_start3A_629 = arith.constant 0 : i32
      %dma_start3A_630 = tpu.memref_slice %arg7[%dma_start3A_623, %dma_start3A_624, %dma_start3A_629] : memref<2x8x1152xf32, #tpu.memory_space<vmem>> -> memref<1x1x1152xf32, #tpu.memory_space<vmem>>
      %dma_start3A_631 = tpu.memref_squeeze %dma_start3A_630 : memref<1x1x1152xf32, #tpu.memory_space<vmem>> -> memref<1152xf32, #tpu.memory_space<vmem>>
      %dma_start3A_632 = tpu.memref_slice %arg6[%multiple_of3A_622] : memref<1153152xf32, #tpu.memory_space<vmem_shared>> -> memref<1152xf32, #tpu.memory_space<vmem_shared>>
      tpu.enqueue_dma source(%dma_start3A_632 : memref<1152xf32, #tpu.memory_space<vmem_shared>>) target(%dma_start3A_631 : memref<1152xf32, #tpu.memory_space<vmem>>) target_semaphore(%arg10 : memref<!tpu.dma_semaphore, #tpu.memory_space<semaphore_mem>>)
      %slice3A_633 = vector.extract_strided_slice %get3A_575 {offsets = [4], sizes = [1], strides = [1]} : vector<8xi32> to vector<1xi32>
      %squeeze3A_634 = vector.extract %slice3A_633[0] : i32 from vector<1xi32>
      %mul3A_635 = arith.constant 1152 : i32
      %mul3A_636 = arith.muli %squeeze3A_634, %mul3A_635 : i32
      %multiple_of3A_637 = tpu.assume_multiple %mul3A_636, 1152 : i32
      %dma_start3A_638 = arith.constant 0 : i32
      %dma_start3A_639 = arith.constant 4 : i32
      %dma_start3A_640 = arith.constant 0 : i32
      %dma_start3A_641 = tpu.memref_slice %arg7[%dma_start3A_638, %dma_start3A_639, %dma_start3A_640] : memref<2x8x1152xf32, #tpu.memory_space<vmem>> -> memref<1x1x1152xf32, #tpu.memory_space<vmem>>
      %dma_start3A_642 = tpu.memref_squeeze %dma_start3A_641 : memref<1x1x1152xf32, #tpu.memory_space<vmem>> -> memref<1152xf32, #tpu.memory_space<vmem>>
      %dma_start3A_643 = tpu.memref_slice %arg6[%multiple_of3A_637] : memref<1153152xf32, #tpu.memory_space<vmem_shared>> -> memref<1152xf32, #tpu.memory_space<vmem_shared>>
      %dma_start3A_644 = arith.constant 0 : i32
      %dma_start3A_645 = tpu.memref_slice %arg7[%dma_start3A_638, %dma_start3A_639, %dma_start3A_644] : memref<2x8x1152xf32, #tpu.memory_space<vmem>> -> memref<1x1x1152xf32, #tpu.memory_space<vmem>>
      %dma_start3A_646 = tpu.memref_squeeze %dma_start3A_645 : memref<1x1x1152xf32, #tpu.memory_space<vmem>> -> memref<1152xf32, #tpu.memory_space<vmem>>
      %dma_start3A_647 = tpu.memref_slice %arg6[%multiple_of3A_637] : memref<1153152xf32, #tpu.memory_space<vmem_shared>> -> memref<1152xf32, #tpu.memory_space<vmem_shared>>
      tpu.enqueue_dma source(%dma_start3A_647 : memref<1152xf32, #tpu.memory_space<vmem_shared>>) target(%dma_start3A_646 : memref<1152xf32, #tpu.memory_space<vmem>>) target_semaphore(%arg10 : memref<!tpu.dma_semaphore, #tpu.memory_space<semaphore_mem>>)
      %slice3A_648 = vector.extract_strided_slice %get3A_575 {offsets = [5], sizes = [1], strides = [1]} : vector<8xi32> to vector<1xi32>
      %squeeze3A_649 = vector.extract %slice3A_648[0] : i32 from vector<1xi32>
      %mul3A_650 = arith.constant 1152 : i32
      %mul3A_651 = arith.muli %squeeze3A_649, %mul3A_650 : i32
      %multiple_of3A_652 = tpu.assume_multiple %mul3A_651, 1152 : i32
      %dma_start3A_653 = arith.constant 0 : i32
      %dma_start3A_654 = arith.constant 5 : i32
      %dma_start3A_655 = arith.constant 0 : i32
      %dma_start3A_656 = tpu.memref_slice %arg7[%dma_start3A_653, %dma_start3A_654, %dma_start3A_655] : memref<2x8x1152xf32, #tpu.memory_space<vmem>> -> memref<1x1x1152xf32, #tpu.memory_space<vmem>>
      %dma_start3A_657 = tpu.memref_squeeze %dma_start3A_656 : memref<1x1x1152xf32, #tpu.memory_space<vmem>> -> memref<1152xf32, #tpu.memory_space<vmem>>
      %dma_start3A_658 = tpu.memref_slice %arg6[%multiple_of3A_652] : memref<1153152xf32, #tpu.memory_space<vmem_shared>> -> memref<1152xf32, #tpu.memory_space<vmem_shared>>
      %dma_start3A_659 = arith.constant 0 : i32
      %dma_start3A_660 = tpu.memref_slice %arg7[%dma_start3A_653, %dma_start3A_654, %dma_start3A_659] : memref<2x8x1152xf32, #tpu.memory_space<vmem>> -> memref<1x1x1152xf32, #tpu.memory_space<vmem>>
      %dma_start3A_661 = tpu.memref_squeeze %dma_start3A_660 : memref<1x1x1152xf32, #tpu.memory_space<vmem>> -> memref<1152xf32, #tpu.memory_space<vmem>>
      %dma_start3A_662 = tpu.memref_slice %arg6[%multiple_of3A_652] : memref<1153152xf32, #tpu.memory_space<vmem_shared>> -> memref<1152xf32, #tpu.memory_space<vmem_shared>>
      tpu.enqueue_dma source(%dma_start3A_662 : memref<1152xf32, #tpu.memory_space<vmem_shared>>) target(%dma_start3A_661 : memref<1152xf32, #tpu.memory_space<vmem>>) target_semaphore(%arg10 : memref<!tpu.dma_semaphore, #tpu.memory_space<semaphore_mem>>)
      %slice3A_663 = vector.extract_strided_slice %get3A_575 {offsets = [6], sizes = [1], strides = [1]} : vector<8xi32> to vector<1xi32>
      %squeeze3A_664 = vector.extract %slice3A_663[0] : i32 from vector<1xi32>
      %mul3A_665 = arith.constant 1152 : i32
      %mul3A_666 = arith.muli %squeeze3A_664, %mul3A_665 : i32
      %multiple_of3A_667 = tpu.assume_multiple %mul3A_666, 1152 : i32
      %dma_start3A_668 = arith.constant 0 : i32
      %dma_start3A_669 = arith.constant 6 : i32
      %dma_start3A_670 = arith.constant 0 : i32
      %dma_start3A_671 = tpu.memref_slice %arg7[%dma_start3A_668, %dma_start3A_669, %dma_start3A_670] : memref<2x8x1152xf32, #tpu.memory_space<vmem>> -> memref<1x1x1152xf32, #tpu.memory_space<vmem>>
      %dma_start3A_672 = tpu.memref_squeeze %dma_start3A_671 : memref<1x1x1152xf32, #tpu.memory_space<vmem>> -> memref<1152xf32, #tpu.memory_space<vmem>>
      %dma_start3A_673 = tpu.memref_slice %arg6[%multiple_of3A_667] : memref<1153152xf32, #tpu.memory_space<vmem_shared>> -> memref<1152xf32, #tpu.memory_space<vmem_shared>>
      %dma_start3A_674 = arith.constant 0 : i32
      %dma_start3A_675 = tpu.memref_slice %arg7[%dma_start3A_668, %dma_start3A_669, %dma_start3A_674] : memref<2x8x1152xf32, #tpu.memory_space<vmem>> -> memref<1x1x1152xf32, #tpu.memory_space<vmem>>
      %dma_start3A_676 = tpu.memref_squeeze %dma_start3A_675 : memref<1x1x1152xf32, #tpu.memory_space<vmem>> -> memref<1152xf32, #tpu.memory_space<vmem>>
      %dma_start3A_677 = tpu.memref_slice %arg6[%multiple_of3A_667] : memref<1153152xf32, #tpu.memory_space<vmem_shared>> -> memref<1152xf32, #tpu.memory_space<vmem_shared>>
      tpu.enqueue_dma source(%dma_start3A_677 : memref<1152xf32, #tpu.memory_space<vmem_shared>>) target(%dma_start3A_676 : memref<1152xf32, #tpu.memory_space<vmem>>) target_semaphore(%arg10 : memref<!tpu.dma_semaphore, #tpu.memory_space<semaphore_mem>>)
      %slice3A_678 = vector.extract_strided_slice %get3A_575 {offsets = [7], sizes = [1], strides = [1]} : vector<8xi32> to vector<1xi32>
      %squeeze3A_679 = vector.extract %slice3A_678[0] : i32 from vector<1xi32>
      %mul3A_680 = arith.constant 1152 : i32
      %mul3A_681 = arith.muli %squeeze3A_679, %mul3A_680 : i32
      %multiple_of3A_682 = tpu.assume_multiple %mul3A_681, 1152 : i32
      %dma_start3A_683 = arith.constant 0 : i32
      %dma_start3A_684 = arith.constant 7 : i32
      %dma_start3A_685 = arith.constant 0 : i32
      %dma_start3A_686 = tpu.memref_slice %arg7[%dma_start3A_683, %dma_start3A_684, %dma_start3A_685] : memref<2x8x1152xf32, #tpu.memory_space<vmem>> -> memref<1x1x1152xf32, #tpu.memory_space<vmem>>
      %dma_start3A_687 = tpu.memref_squeeze %dma_start3A_686 : memref<1x1x1152xf32, #tpu.memory_space<vmem>> -> memref<1152xf32, #tpu.memory_space<vmem>>
      %dma_start3A_688 = tpu.memref_slice %arg6[%multiple_of3A_682] : memref<1153152xf32, #tpu.memory_space<vmem_shared>> -> memref<1152xf32, #tpu.memory_space<vmem_shared>>
      %dma_start3A_689 = arith.constant 0 : i32
      %dma_start3A_690 = tpu.memref_slice %arg7[%dma_start3A_683, %dma_start3A_684, %dma_start3A_689] : memref<2x8x1152xf32, #tpu.memory_space<vmem>> -> memref<1x1x1152xf32, #tpu.memory_space<vmem>>
      %dma_start3A_691 = tpu.memref_squeeze %dma_start3A_690 : memref<1x1x1152xf32, #tpu.memory_space<vmem>> -> memref<1152xf32, #tpu.memory_space<vmem>>
      %dma_start3A_692 = tpu.memref_slice %arg6[%multiple_of3A_682] : memref<1153152xf32, #tpu.memory_space<vmem_shared>> -> memref<1152xf32, #tpu.memory_space<vmem_shared>>
      tpu.enqueue_dma source(%dma_start3A_692 : memref<1152xf32, #tpu.memory_space<vmem_shared>>) target(%dma_start3A_691 : memref<1152xf32, #tpu.memory_space<vmem>>) target_semaphore(%arg10 : memref<!tpu.dma_semaphore, #tpu.memory_space<semaphore_mem>>)
      %dma_wait3A_693 = arith.constant 0 : i32
      %dma_wait3A_694 = arith.constant 0 : i32
      %dma_wait3A_695 = arith.constant 0 : i32
      %dma_wait3A_696 = tpu.memref_slice %arg7[%dma_wait3A_693, %dma_wait3A_694, %dma_wait3A_695] : memref<2x8x1152xf32, #tpu.memory_space<vmem>> -> memref<1x8x1152xf32, #tpu.memory_space<vmem>>
      %dma_wait3A_697 = tpu.memref_squeeze %dma_wait3A_696 : memref<1x8x1152xf32, #tpu.memory_space<vmem>> -> memref<8x1152xf32, #tpu.memory_space<vmem>>
      %dma_wait3A_698 = arith.constant 0 : i32
      %dma_wait3A_699 = arith.constant 0 : i32
      %dma_wait3A_700 = tpu.memref_slice %arg5[%dma_wait3A_698, %dma_wait3A_699] : memref<16384x1152xf32, #tpu.memory_space<hbm>> -> memref<8x1152xf32, #tpu.memory_space<hbm>>
      %dma_wait3A_701 = arith.constant 0 : i32
      %dma_wait3A_702 = arith.constant 0 : i32
      %dma_wait3A_703 = tpu.memref_slice %arg7[%dma_wait3A_693, %dma_wait3A_701, %dma_wait3A_702] : memref<2x8x1152xf32, #tpu.memory_space<vmem>> -> memref<1x8x1152xf32, #tpu.memory_space<vmem>>
      %dma_wait3A_704 = tpu.memref_squeeze %dma_wait3A_703 : memref<1x8x1152xf32, #tpu.memory_space<vmem>> -> memref<8x1152xf32, #tpu.memory_space<vmem>>
      %dma_wait3A_705 = arith.constant 0 : i32
      %dma_wait3A_706 = arith.constant 0 : i32
      %dma_wait3A_707 = tpu.memref_slice %arg5[%dma_wait3A_705, %dma_wait3A_706] : memref<16384x1152xf32, #tpu.memory_space<hbm>> -> memref<8x1152xf32, #tpu.memory_space<hbm>>
      tpu.wait_dma2 semaphore(%arg10 : memref<!tpu.dma_semaphore, #tpu.memory_space<semaphore_mem>>) src(%dma_wait3A_707 : memref<8x1152xf32, #tpu.memory_space<hbm>>) dst(%dma_wait3A_704 : memref<8x1152xf32, #tpu.memory_space<vmem>>)
      %mul3A_708 = arith.constant 8 : i32
      %mul3A_709 = arith.muli %add3A_565, %mul3A_708 : i32
      %add3A_710 = arith.addi %multiple_of3A, %mul3A_709 : i32
      %dma_start3A_711 = arith.constant 0 : i32
      %dma_start3A_712 = arith.constant 0 : i32
      %dma_start3A_713 = arith.constant 0 : i32
      %dma_start3A_714 = tpu.memref_slice %arg7[%dma_start3A_711, %dma_start3A_712, %dma_start3A_713] : memref<2x8x1152xf32, #tpu.memory_space<vmem>> -> memref<1x8x1152xf32, #tpu.memory_space<vmem>>
      %dma_start3A_715 = tpu.memref_squeeze %dma_start3A_714 : memref<1x8x1152xf32, #tpu.memory_space<vmem>> -> memref<8x1152xf32, #tpu.memory_space<vmem>>
      %dma_start3A_716 = arith.constant 0 : i32
      %dma_start3A_717 = tpu.memref_slice %arg5[%add3A_710, %dma_start3A_716] : memref<16384x1152xf32, #tpu.memory_space<hbm>> -> memref<8x1152xf32, #tpu.memory_space<hbm>>
      %dma_start3A_718 = arith.constant 0 : i32
      %dma_start3A_719 = tpu.memref_slice %arg5[%add3A_710, %dma_start3A_718] : memref<16384x1152xf32, #tpu.memory_space<hbm>> -> memref<8x1152xf32, #tpu.memory_space<hbm>>
      %dma_start3A_720 = arith.constant 0 : i32
      %dma_start3A_721 = arith.constant 0 : i32
      %dma_start3A_722 = tpu.memref_slice %arg7[%dma_start3A_711, %dma_start3A_720, %dma_start3A_721] : memref<2x8x1152xf32, #tpu.memory_space<vmem>> -> memref<1x8x1152xf32, #tpu.memory_space<vmem>>
      %dma_start3A_723 = tpu.memref_squeeze %dma_start3A_722 : memref<1x8x1152xf32, #tpu.memory_space<vmem>> -> memref<8x1152xf32, #tpu.memory_space<vmem>>
      tpu.enqueue_dma source(%dma_start3A_723 : memref<8x1152xf32, #tpu.memory_space<vmem>>) target(%dma_start3A_719 : memref<8x1152xf32, #tpu.memory_space<hbm>>) target_semaphore(%arg11 : memref<!tpu.dma_semaphore, #tpu.memory_space<semaphore_mem>>)
      %add3A_724 = arith.constant 1 : i32
      %add3A_725 = arith.addi %add3A_563, %add3A_724 : i32
      %ge3A_726 = arith.constant 2 : i32
      %ge3A_727 = arith.cmpi sge, %add3A_725, %ge3A_726 : i32
      %convert_element_type3A_728 = arith.extui %ge3A_727 : i1 to i32
      %cond3A_729 = arith.constant 0 : i32
      %cond3A_730 = arith.cmpi ne, %convert_element_type3A_728, %cond3A_729 : i32
      scf.if %cond3A_730 {
        %dma_wait3A_888 = arith.constant 1 : i32
        %dma_wait3A_889 = arith.constant 0 : i32
        %dma_wait3A_890 = arith.constant 0 : i32
        %dma_wait3A_891 = tpu.memref_slice %arg7[%dma_wait3A_888, %dma_wait3A_889, %dma_wait3A_890] : memref<2x8x1152xf32, #tpu.memory_space<vmem>> -> memref<1x8x1152xf32, #tpu.memory_space<vmem>>
        %dma_wait3A_892 = tpu.memref_squeeze %dma_wait3A_891 : memref<1x8x1152xf32, #tpu.memory_space<vmem>> -> memref<8x1152xf32, #tpu.memory_space<vmem>>
        %dma_wait3A_893 = arith.constant 0 : i32
        %dma_wait3A_894 = arith.constant 0 : i32
        %dma_wait3A_895 = tpu.memref_slice %arg5[%dma_wait3A_893, %dma_wait3A_894] : memref<16384x1152xf32, #tpu.memory_space<hbm>> -> memref<8x1152xf32, #tpu.memory_space<hbm>>
        %dma_wait3A_896 = arith.constant 0 : i32
        %dma_wait3A_897 = arith.constant 0 : i32
        %dma_wait3A_898 = tpu.memref_slice %arg7[%dma_wait3A_888, %dma_wait3A_896, %dma_wait3A_897] : memref<2x8x1152xf32, #tpu.memory_space<vmem>> -> memref<1x8x1152xf32, #tpu.memory_space<vmem>>
        %dma_wait3A_899 = tpu.memref_squeeze %dma_wait3A_898 : memref<1x8x1152xf32, #tpu.memory_space<vmem>> -> memref<8x1152xf32, #tpu.memory_space<vmem>>
        %dma_wait3A_900 = arith.constant 0 : i32
        %dma_wait3A_901 = arith.constant 0 : i32
        %dma_wait3A_902 = tpu.memref_slice %arg5[%dma_wait3A_900, %dma_wait3A_901] : memref<16384x1152xf32, #tpu.memory_space<hbm>> -> memref<8x1152xf32, #tpu.memory_space<hbm>>
        tpu.wait_dma2 semaphore(%arg11 : memref<!tpu.dma_semaphore, #tpu.memory_space<semaphore_mem>>) src(%dma_wait3A_902 : memref<8x1152xf32, #tpu.memory_space<hbm>>) dst(%dma_wait3A_899 : memref<8x1152xf32, #tpu.memory_space<vmem>>)
      } else {
      }
      %mul3A_731 = arith.constant 8 : i32
      %mul3A_732 = arith.muli %add3A_725, %mul3A_731 : i32
      %multiple_of3A_733 = tpu.assume_multiple %mul3A_732, 8 : i32
      %get3A_734 = arith.index_cast %multiple_of3A_733 : i32 to index
      %get3A_735 = tpu.vector_load %arg8[%get3A_734] {strides = array<i32>} : memref<512xi32, #tpu.memory_space<vmem>>, vector<8xi32>,
      %get3A_736 = vector.shape_cast %get3A_735 : vector<8xi32> to vector<8xi32>
      %slice3A_737 = vector.extract_strided_slice %get3A_736 {offsets = [0], sizes = [1], strides = [1]} : vector<8xi32> to vector<1xi32>
      %squeeze3A_738 = vector.extract %slice3A_737[0] : i32 from vector<1xi32>
      %mul3A_739 = arith.constant 1152 : i32
      %mul3A_740 = arith.muli %squeeze3A_738, %mul3A_739 : i32
      %multiple_of3A_741 = tpu.assume_multiple %mul3A_740, 1152 : i32
      %dma_start3A_742 = arith.constant 1 : i32
      %dma_start3A_743 = arith.constant 0 : i32
      %dma_start3A_744 = arith.constant 0 : i32
      %dma_start3A_745 = tpu.memref_slice %arg7[%dma_start3A_742, %dma_start3A_743, %dma_start3A_744] : memref<2x8x1152xf32, #tpu.memory_space<vmem>> -> memref<1x1x1152xf32, #tpu.memory_space<vmem>>
      %dma_start3A_746 = tpu.memref_squeeze %dma_start3A_745 : memref<1x1x1152xf32, #tpu.memory_space<vmem>> -> memref<1152xf32, #tpu.memory_space<vmem>>
      %dma_start3A_747 = tpu.memref_slice %arg6[%multiple_of3A_741] : memref<1153152xf32, #tpu.memory_space<vmem_shared>> -> memref<1152xf32, #tpu.memory_space<vmem_shared>>
      %dma_start3A_748 = arith.constant 0 : i32
      %dma_start3A_749 = tpu.memref_slice %arg7[%dma_start3A_742, %dma_start3A_743, %dma_start3A_748] : memref<2x8x1152xf32, #tpu.memory_space<vmem>> -> memref<1x1x1152xf32, #tpu.memory_space<vmem>>
      %dma_start3A_750 = tpu.memref_squeeze %dma_start3A_749 : memref<1x1x1152xf32, #tpu.memory_space<vmem>> -> memref<1152xf32, #tpu.memory_space<vmem>>
      %dma_start3A_751 = tpu.memref_slice %arg6[%multiple_of3A_741] : memref<1153152xf32, #tpu.memory_space<vmem_shared>> -> memref<1152xf32, #tpu.memory_space<vmem_shared>>
      tpu.enqueue_dma source(%dma_start3A_751 : memref<1152xf32, #tpu.memory_space<vmem_shared>>) target(%dma_start3A_750 : memref<1152xf32, #tpu.memory_space<vmem>>) target_semaphore(%arg10 : memref<!tpu.dma_semaphore, #tpu.memory_space<semaphore_mem>>)
      %slice3A_752 = vector.extract_strided_slice %get3A_736 {offsets = [1], sizes = [1], strides = [1]} : vector<8xi32> to vector<1xi32>
      %squeeze3A_753 = vector.extract %slice3A_752[0] : i32 from vector<1xi32>
      %mul3A_754 = arith.constant 1152 : i32
      %mul3A_755 = arith.muli %squeeze3A_753, %mul3A_754 : i32
      %multiple_of3A_756 = tpu.assume_multiple %mul3A_755, 1152 : i32
      %dma_start3A_757 = arith.constant 1 : i32
      %dma_start3A_758 = arith.constant 1 : i32
      %dma_start3A_759 = arith.constant 0 : i32
      %dma_start3A_760 = tpu.memref_slice %arg7[%dma_start3A_757, %dma_start3A_758, %dma_start3A_759] : memref<2x8x1152xf32, #tpu.memory_space<vmem>> -> memref<1x1x1152xf32, #tpu.memory_space<vmem>>
      %dma_start3A_761 = tpu.memref_squeeze %dma_start3A_760 : memref<1x1x1152xf32, #tpu.memory_space<vmem>> -> memref<1152xf32, #tpu.memory_space<vmem>>
      %dma_start3A_762 = tpu.memref_slice %arg6[%multiple_of3A_756] : memref<1153152xf32, #tpu.memory_space<vmem_shared>> -> memref<1152xf32, #tpu.memory_space<vmem_shared>>
      %dma_start3A_763 = arith.constant 0 : i32
      %dma_start3A_764 = tpu.memref_slice %arg7[%dma_start3A_757, %dma_start3A_758, %dma_start3A_763] : memref<2x8x1152xf32, #tpu.memory_space<vmem>> -> memref<1x1x1152xf32, #tpu.memory_space<vmem>>
      %dma_start3A_765 = tpu.memref_squeeze %dma_start3A_764 : memref<1x1x1152xf32, #tpu.memory_space<vmem>> -> memref<1152xf32, #tpu.memory_space<vmem>>
      %dma_start3A_766 = tpu.memref_slice %arg6[%multiple_of3A_756] : memref<1153152xf32, #tpu.memory_space<vmem_shared>> -> memref<1152xf32, #tpu.memory_space<vmem_shared>>
      tpu.enqueue_dma source(%dma_start3A_766 : memref<1152xf32, #tpu.memory_space<vmem_shared>>) target(%dma_start3A_765 : memref<1152xf32, #tpu.memory_space<vmem>>) target_semaphore(%arg10 : memref<!tpu.dma_semaphore, #tpu.memory_space<semaphore_mem>>)
      %slice3A_767 = vector.extract_strided_slice %get3A_736 {offsets = [2], sizes = [1], strides = [1]} : vector<8xi32> to vector<1xi32>
      %squeeze3A_768 = vector.extract %slice3A_767[0] : i32 from vector<1xi32>
      %mul3A_769 = arith.constant 1152 : i32
      %mul3A_770 = arith.muli %squeeze3A_768, %mul3A_769 : i32
      %multiple_of3A_771 = tpu.assume_multiple %mul3A_770, 1152 : i32
      %dma_start3A_772 = arith.constant 1 : i32
      %dma_start3A_773 = arith.constant 2 : i32
      %dma_start3A_774 = arith.constant 0 : i32
      %dma_start3A_775 = tpu.memref_slice %arg7[%dma_start3A_772, %dma_start3A_773, %dma_start3A_774] : memref<2x8x1152xf32, #tpu.memory_space<vmem>> -> memref<1x1x1152xf32, #tpu.memory_space<vmem>>
      %dma_start3A_776 = tpu.memref_squeeze %dma_start3A_775 : memref<1x1x1152xf32, #tpu.memory_space<vmem>> -> memref<1152xf32, #tpu.memory_space<vmem>>
      %dma_start3A_777 = tpu.memref_slice %arg6[%multiple_of3A_771] : memref<1153152xf32, #tpu.memory_space<vmem_shared>> -> memref<1152xf32, #tpu.memory_space<vmem_shared>>
      %dma_start3A_778 = arith.constant 0 : i32
      %dma_start3A_779 = tpu.memref_slice %arg7[%dma_start3A_772, %dma_start3A_773, %dma_start3A_778] : memref<2x8x1152xf32, #tpu.memory_space<vmem>> -> memref<1x1x1152xf32, #tpu.memory_space<vmem>>
      %dma_start3A_780 = tpu.memref_squeeze %dma_start3A_779 : memref<1x1x1152xf32, #tpu.memory_space<vmem>> -> memref<1152xf32, #tpu.memory_space<vmem>>
      %dma_start3A_781 = tpu.memref_slice %arg6[%multiple_of3A_771] : memref<1153152xf32, #tpu.memory_space<vmem_shared>> -> memref<1152xf32, #tpu.memory_space<vmem_shared>>
      tpu.enqueue_dma source(%dma_start3A_781 : memref<1152xf32, #tpu.memory_space<vmem_shared>>) target(%dma_start3A_780 : memref<1152xf32, #tpu.memory_space<vmem>>) target_semaphore(%arg10 : memref<!tpu.dma_semaphore, #tpu.memory_space<semaphore_mem>>)
      %slice3A_782 = vector.extract_strided_slice %get3A_736 {offsets = [3], sizes = [1], strides = [1]} : vector<8xi32> to vector<1xi32>
      %squeeze3A_783 = vector.extract %slice3A_782[0] : i32 from vector<1xi32>
      %mul3A_784 = arith.constant 1152 : i32
      %mul3A_785 = arith.muli %squeeze3A_783, %mul3A_784 : i32
      %multiple_of3A_786 = tpu.assume_multiple %mul3A_785, 1152 : i32
      %dma_start3A_787 = arith.constant 1 : i32
      %dma_start3A_788 = arith.constant 3 : i32
      %dma_start3A_789 = arith.constant 0 : i32
      %dma_start3A_790 = tpu.memref_slice %arg7[%dma_start3A_787, %dma_start3A_788, %dma_start3A_789] : memref<2x8x1152xf32, #tpu.memory_space<vmem>> -> memref<1x1x1152xf32, #tpu.memory_space<vmem>>
      %dma_start3A_791 = tpu.memref_squeeze %dma_start3A_790 : memref<1x1x1152xf32, #tpu.memory_space<vmem>> -> memref<1152xf32, #tpu.memory_space<vmem>>
      %dma_start3A_792 = tpu.memref_slice %arg6[%multiple_of3A_786] : memref<1153152xf32, #tpu.memory_space<vmem_shared>> -> memref<1152xf32, #tpu.memory_space<vmem_shared>>
      %dma_start3A_793 = arith.constant 0 : i32
      %dma_start3A_794 = tpu.memref_slice %arg7[%dma_start3A_787, %dma_start3A_788, %dma_start3A_793] : memref<2x8x1152xf32, #tpu.memory_space<vmem>> -> memref<1x1x1152xf32, #tpu.memory_space<vmem>>
      %dma_start3A_795 = tpu.memref_squeeze %dma_start3A_794 : memref<1x1x1152xf32, #tpu.memory_space<vmem>> -> memref<1152xf32, #tpu.memory_space<vmem>>
      %dma_start3A_796 = tpu.memref_slice %arg6[%multiple_of3A_786] : memref<1153152xf32, #tpu.memory_space<vmem_shared>> -> memref<1152xf32, #tpu.memory_space<vmem_shared>>
      tpu.enqueue_dma source(%dma_start3A_796 : memref<1152xf32, #tpu.memory_space<vmem_shared>>) target(%dma_start3A_795 : memref<1152xf32, #tpu.memory_space<vmem>>) target_semaphore(%arg10 : memref<!tpu.dma_semaphore, #tpu.memory_space<semaphore_mem>>)
      %slice3A_797 = vector.extract_strided_slice %get3A_736 {offsets = [4], sizes = [1], strides = [1]} : vector<8xi32> to vector<1xi32>
      %squeeze3A_798 = vector.extract %slice3A_797[0] : i32 from vector<1xi32>
      %mul3A_799 = arith.constant 1152 : i32
      %mul3A_800 = arith.muli %squeeze3A_798, %mul3A_799 : i32
      %multiple_of3A_801 = tpu.assume_multiple %mul3A_800, 1152 : i32
      %dma_start3A_802 = arith.constant 1 : i32
      %dma_start3A_803 = arith.constant 4 : i32
      %dma_start3A_804 = arith.constant 0 : i32
      %dma_start3A_805 = tpu.memref_slice %arg7[%dma_start3A_802, %dma_start3A_803, %dma_start3A_804] : memref<2x8x1152xf32, #tpu.memory_space<vmem>> -> memref<1x1x1152xf32, #tpu.memory_space<vmem>>
      %dma_start3A_806 = tpu.memref_squeeze %dma_start3A_805 : memref<1x1x1152xf32, #tpu.memory_space<vmem>> -> memref<1152xf32, #tpu.memory_space<vmem>>
      %dma_start3A_807 = tpu.memref_slice %arg6[%multiple_of3A_801] : memref<1153152xf32, #tpu.memory_space<vmem_shared>> -> memref<1152xf32, #tpu.memory_space<vmem_shared>>
      %dma_start3A_808 = arith.constant 0 : i32
      %dma_start3A_809 = tpu.memref_slice %arg7[%dma_start3A_802, %dma_start3A_803, %dma_start3A_808] : memref<2x8x1152xf32, #tpu.memory_space<vmem>> -> memref<1x1x1152xf32, #tpu.memory_space<vmem>>
      %dma_start3A_810 = tpu.memref_squeeze %dma_start3A_809 : memref<1x1x1152xf32, #tpu.memory_space<vmem>> -> memref<1152xf32, #tpu.memory_space<vmem>>
      %dma_start3A_811 = tpu.memref_slice %arg6[%multiple_of3A_801] : memref<1153152xf32, #tpu.memory_space<vmem_shared>> -> memref<1152xf32, #tpu.memory_space<vmem_shared>>
      tpu.enqueue_dma source(%dma_start3A_811 : memref<1152xf32, #tpu.memory_space<vmem_shared>>) target(%dma_start3A_810 : memref<1152xf32, #tpu.memory_space<vmem>>) target_semaphore(%arg10 : memref<!tpu.dma_semaphore, #tpu.memory_space<semaphore_mem>>)
      %slice3A_812 = vector.extract_strided_slice %get3A_736 {offsets = [5], sizes = [1], strides = [1]} : vector<8xi32> to vector<1xi32>
      %squeeze3A_813 = vector.extract %slice3A_812[0] : i32 from vector<1xi32>
      %mul3A_814 = arith.constant 1152 : i32
      %mul3A_815 = arith.muli %squeeze3A_813, %mul3A_814 : i32
      %multiple_of3A_816 = tpu.assume_multiple %mul3A_815, 1152 : i32
      %dma_start3A_817 = arith.constant 1 : i32
      %dma_start3A_818 = arith.constant 5 : i32
      %dma_start3A_819 = arith.constant 0 : i32
      %dma_start3A_820 = tpu.memref_slice %arg7[%dma_start3A_817, %dma_start3A_818, %dma_start3A_819] : memref<2x8x1152xf32, #tpu.memory_space<vmem>> -> memref<1x1x1152xf32, #tpu.memory_space<vmem>>
      %dma_start3A_821 = tpu.memref_squeeze %dma_start3A_820 : memref<1x1x1152xf32, #tpu.memory_space<vmem>> -> memref<1152xf32, #tpu.memory_space<vmem>>
      %dma_start3A_822 = tpu.memref_slice %arg6[%multiple_of3A_816] : memref<1153152xf32, #tpu.memory_space<vmem_shared>> -> memref<1152xf32, #tpu.memory_space<vmem_shared>>
      %dma_start3A_823 = arith.constant 0 : i32
      %dma_start3A_824 = tpu.memref_slice %arg7[%dma_start3A_817, %dma_start3A_818, %dma_start3A_823] : memref<2x8x1152xf32, #tpu.memory_space<vmem>> -> memref<1x1x1152xf32, #tpu.memory_space<vmem>>
      %dma_start3A_825 = tpu.memref_squeeze %dma_start3A_824 : memref<1x1x1152xf32, #tpu.memory_space<vmem>> -> memref<1152xf32, #tpu.memory_space<vmem>>
      %dma_start3A_826 = tpu.memref_slice %arg6[%multiple_of3A_816] : memref<1153152xf32, #tpu.memory_space<vmem_shared>> -> memref<1152xf32, #tpu.memory_space<vmem_shared>>
      tpu.enqueue_dma source(%dma_start3A_826 : memref<1152xf32, #tpu.memory_space<vmem_shared>>) target(%dma_start3A_825 : memref<1152xf32, #tpu.memory_space<vmem>>) target_semaphore(%arg10 : memref<!tpu.dma_semaphore, #tpu.memory_space<semaphore_mem>>)
      %slice3A_827 = vector.extract_strided_slice %get3A_736 {offsets = [6], sizes = [1], strides = [1]} : vector<8xi32> to vector<1xi32>
      %squeeze3A_828 = vector.extract %slice3A_827[0] : i32 from vector<1xi32>
      %mul3A_829 = arith.constant 1152 : i32
      %mul3A_830 = arith.muli %squeeze3A_828, %mul3A_829 : i32
      %multiple_of3A_831 = tpu.assume_multiple %mul3A_830, 1152 : i32
      %dma_start3A_832 = arith.constant 1 : i32
      %dma_start3A_833 = arith.constant 6 : i32
      %dma_start3A_834 = arith.constant 0 : i32
      %dma_start3A_835 = tpu.memref_slice %arg7[%dma_start3A_832, %dma_start3A_833, %dma_start3A_834] : memref<2x8x1152xf32, #tpu.memory_space<vmem>> -> memref<1x1x1152xf32, #tpu.memory_space<vmem>>
      %dma_start3A_836 = tpu.memref_squeeze %dma_start3A_835 : memref<1x1x1152xf32, #tpu.memory_space<vmem>> -> memref<1152xf32, #tpu.memory_space<vmem>>
      %dma_start3A_837 = tpu.memref_slice %arg6[%multiple_of3A_831] : memref<1153152xf32, #tpu.memory_space<vmem_shared>> -> memref<1152xf32, #tpu.memory_space<vmem_shared>>
      %dma_start3A_838 = arith.constant 0 : i32
      %dma_start3A_839 = tpu.memref_slice %arg7[%dma_start3A_832, %dma_start3A_833, %dma_start3A_838] : memref<2x8x1152xf32, #tpu.memory_space<vmem>> -> memref<1x1x1152xf32, #tpu.memory_space<vmem>>
      %dma_start3A_840 = tpu.memref_squeeze %dma_start3A_839 : memref<1x1x1152xf32, #tpu.memory_space<vmem>> -> memref<1152xf32, #tpu.memory_space<vmem>>
      %dma_start3A_841 = tpu.memref_slice %arg6[%multiple_of3A_831] : memref<1153152xf32, #tpu.memory_space<vmem_shared>> -> memref<1152xf32, #tpu.memory_space<vmem_shared>>
      tpu.enqueue_dma source(%dma_start3A_841 : memref<1152xf32, #tpu.memory_space<vmem_shared>>) target(%dma_start3A_840 : memref<1152xf32, #tpu.memory_space<vmem>>) target_semaphore(%arg10 : memref<!tpu.dma_semaphore, #tpu.memory_space<semaphore_mem>>)
      %slice3A_842 = vector.extract_strided_slice %get3A_736 {offsets = [7], sizes = [1], strides = [1]} : vector<8xi32> to vector<1xi32>
      %squeeze3A_843 = vector.extract %slice3A_842[0] : i32 from vector<1xi32>
      %mul3A_844 = arith.constant 1152 : i32
      %mul3A_845 = arith.muli %squeeze3A_843, %mul3A_844 : i32
      %multiple_of3A_846 = tpu.assume_multiple %mul3A_845, 1152 : i32
      %dma_start3A_847 = arith.constant 1 : i32
      %dma_start3A_848 = arith.constant 7 : i32
      %dma_start3A_849 = arith.constant 0 : i32
      %dma_start3A_850 = tpu.memref_slice %arg7[%dma_start3A_847, %dma_start3A_848, %dma_start3A_849] : memref<2x8x1152xf32, #tpu.memory_space<vmem>> -> memref<1x1x1152xf32, #tpu.memory_space<vmem>>
      %dma_start3A_851 = tpu.memref_squeeze %dma_start3A_850 : memref<1x1x1152xf32, #tpu.memory_space<vmem>> -> memref<1152xf32, #tpu.memory_space<vmem>>
      %dma_start3A_852 = tpu.memref_slice %arg6[%multiple_of3A_846] : memref<1153152xf32, #tpu.memory_space<vmem_shared>> -> memref<1152xf32, #tpu.memory_space<vmem_shared>>
      %dma_start3A_853 = arith.constant 0 : i32
      %dma_start3A_854 = tpu.memref_slice %arg7[%dma_start3A_847, %dma_start3A_848, %dma_start3A_853] : memref<2x8x1152xf32, #tpu.memory_space<vmem>> -> memref<1x1x1152xf32, #tpu.memory_space<vmem>>
      %dma_start3A_855 = tpu.memref_squeeze %dma_start3A_854 : memref<1x1x1152xf32, #tpu.memory_space<vmem>> -> memref<1152xf32, #tpu.memory_space<vmem>>
      %dma_start3A_856 = tpu.memref_slice %arg6[%multiple_of3A_846] : memref<1153152xf32, #tpu.memory_space<vmem_shared>> -> memref<1152xf32, #tpu.memory_space<vmem_shared>>
      tpu.enqueue_dma source(%dma_start3A_856 : memref<1152xf32, #tpu.memory_space<vmem_shared>>) target(%dma_start3A_855 : memref<1152xf32, #tpu.memory_space<vmem>>) target_semaphore(%arg10 : memref<!tpu.dma_semaphore, #tpu.memory_space<semaphore_mem>>)
      %dma_wait3A_857 = arith.constant 1 : i32
      %dma_wait3A_858 = arith.constant 0 : i32
      %dma_wait3A_859 = arith.constant 0 : i32
      %dma_wait3A_860 = tpu.memref_slice %arg7[%dma_wait3A_857, %dma_wait3A_858, %dma_wait3A_859] : memref<2x8x1152xf32, #tpu.memory_space<vmem>> -> memref<1x8x1152xf32, #tpu.memory_space<vmem>>
      %dma_wait3A_861 = tpu.memref_squeeze %dma_wait3A_860 : memref<1x8x1152xf32, #tpu.memory_space<vmem>> -> memref<8x1152xf32, #tpu.memory_space<vmem>>
      %dma_wait3A_862 = arith.constant 0 : i32
      %dma_wait3A_863 = arith.constant 0 : i32
      %dma_wait3A_864 = tpu.memref_slice %arg5[%dma_wait3A_862, %dma_wait3A_863] : memref<16384x1152xf32, #tpu.memory_space<hbm>> -> memref<8x1152xf32, #tpu.memory_space<hbm>>
      %dma_wait3A_865 = arith.constant 0 : i32
      %dma_wait3A_866 = arith.constant 0 : i32
      %dma_wait3A_867 = tpu.memref_slice %arg7[%dma_wait3A_857, %dma_wait3A_865, %dma_wait3A_866] : memref<2x8x1152xf32, #tpu.memory_space<vmem>> -> memref<1x8x1152xf32, #tpu.memory_space<vmem>>
      %dma_wait3A_868 = tpu.memref_squeeze %dma_wait3A_867 : memref<1x8x1152xf32, #tpu.memory_space<vmem>> -> memref<8x1152xf32, #tpu.memory_space<vmem>>
      %dma_wait3A_869 = arith.constant 0 : i32
      %dma_wait3A_870 = arith.constant 0 : i32
      %dma_wait3A_871 = tpu.memref_slice %arg5[%dma_wait3A_869, %dma_wait3A_870] : memref<16384x1152xf32, #tpu.memory_space<hbm>> -> memref<8x1152xf32, #tpu.memory_space<hbm>>
      tpu.wait_dma2 semaphore(%arg10 : memref<!tpu.dma_semaphore, #tpu.memory_space<semaphore_mem>>) src(%dma_wait3A_871 : memref<8x1152xf32, #tpu.memory_space<hbm>>) dst(%dma_wait3A_868 : memref<8x1152xf32, #tpu.memory_space<vmem>>)
      %mul3A_872 = arith.constant 8 : i32
      %mul3A_873 = arith.muli %add3A_725, %mul3A_872 : i32
      %add3A_874 = arith.addi %multiple_of3A, %mul3A_873 : i32
      %dma_start3A_875 = arith.constant 1 : i32
      %dma_start3A_876 = arith.constant 0 : i32
      %dma_start3A_877 = arith.constant 0 : i32
      %dma_start3A_878 = tpu.memref_slice %arg7[%dma_start3A_875, %dma_start3A_876, %dma_start3A_877] : memref<2x8x1152xf32, #tpu.memory_space<vmem>> -> memref<1x8x1152xf32, #tpu.memory_space<vmem>>
      %dma_start3A_879 = tpu.memref_squeeze %dma_start3A_878 : memref<1x8x1152xf32, #tpu.memory_space<vmem>> -> memref<8x1152xf32, #tpu.memory_space<vmem>>
      %dma_start3A_880 = arith.constant 0 : i32
      %dma_start3A_881 = tpu.memref_slice %arg5[%add3A_874, %dma_start3A_880] : memref<16384x1152xf32, #tpu.memory_space<hbm>> -> memref<8x1152xf32, #tpu.memory_space<hbm>>
      %dma_start3A_882 = arith.constant 0 : i32
      %dma_start3A_883 = tpu.memref_slice %arg5[%add3A_874, %dma_start3A_882] : memref<16384x1152xf32, #tpu.memory_space<hbm>> -> memref<8x1152xf32, #tpu.memory_space<hbm>>
      %dma_start3A_884 = arith.constant 0 : i32
      %dma_start3A_885 = arith.constant 0 : i32
      %dma_start3A_886 = tpu.memref_slice %arg7[%dma_start3A_875, %dma_start3A_884, %dma_start3A_885] : memref<2x8x1152xf32, #tpu.memory_space<vmem>> -> memref<1x8x1152xf32, #tpu.memory_space<vmem>>
      %dma_start3A_887 = tpu.memref_squeeze %dma_start3A_886 : memref<1x8x1152xf32, #tpu.memory_space<vmem>> -> memref<8x1152xf32, #tpu.memory_space<vmem>>
      tpu.enqueue_dma source(%dma_start3A_887 : memref<8x1152xf32, #tpu.memory_space<vmem>>) target(%dma_start3A_883 : memref<8x1152xf32, #tpu.memory_space<hbm>>) target_semaphore(%arg11 : memref<!tpu.dma_semaphore, #tpu.memory_space<semaphore_mem>>)
    }
    %scan3A_529 = arith.constant 32 : i32
    %dma_wait3A = arith.constant 0 : i32
    %dma_wait3A_530 = arith.constant 0 : i32
    %dma_wait3A_531 = arith.constant 0 : i32
    %dma_wait3A_532 = tpu.memref_slice %arg7[%dma_wait3A, %dma_wait3A_530, %dma_wait3A_531] : memref<2x8x1152xf32, #tpu.memory_space<vmem>> -> memref<1x8x1152xf32, #tpu.memory_space<vmem>>
    %dma_wait3A_533 = tpu.memref_squeeze %dma_wait3A_532 : memref<1x8x1152xf32, #tpu.memory_space<vmem>> -> memref<8x1152xf32, #tpu.memory_space<vmem>>
    %dma_wait3A_534 = arith.constant 0 : i32
    %dma_wait3A_535 = arith.constant 0 : i32
    %dma_wait3A_536 = tpu.memref_slice %arg5[%dma_wait3A_534, %dma_wait3A_535] : memref<16384x1152xf32, #tpu.memory_space<hbm>> -> memref<8x1152xf32, #tpu.memory_space<hbm>>
    %dma_wait3A_537 = arith.constant 0 : i32
    %dma_wait3A_538 = arith.constant 0 : i32
    %dma_wait3A_539 = tpu.memref_slice %arg7[%dma_wait3A, %dma_wait3A_537, %dma_wait3A_538] : memref<2x8x1152xf32, #tpu.memory_space<vmem>> -> memref<1x8x1152xf32, #tpu.memory_space<vmem>>
    %dma_wait3A_540 = tpu.memref_squeeze %dma_wait3A_539 : memref<1x8x1152xf32, #tpu.memory_space<vmem>> -> memref<8x1152xf32, #tpu.memory_space<vmem>>
    %dma_wait3A_541 = arith.constant 0 : i32
    %dma_wait3A_542 = arith.constant 0 : i32
    %dma_wait3A_543 = tpu.memref_slice %arg5[%dma_wait3A_541, %dma_wait3A_542] : memref<16384x1152xf32, #tpu.memory_space<hbm>> -> memref<8x1152xf32, #tpu.memory_space<hbm>>
    tpu.wait_dma2 semaphore(%arg11 : memref<!tpu.dma_semaphore, #tpu.memory_space<semaphore_mem>>) src(%dma_wait3A_543 : memref<8x1152xf32, #tpu.memory_space<hbm>>) dst(%dma_wait3A_540 : memref<8x1152xf32, #tpu.memory_space<vmem>>)
    %dma_wait3A_544 = arith.constant 1 : i32
    %dma_wait3A_545 = arith.constant 0 : i32
    %dma_wait3A_546 = arith.constant 0 : i32
    %dma_wait3A_547 = tpu.memref_slice %arg7[%dma_wait3A_544, %dma_wait3A_545, %dma_wait3A_546] : memref<2x8x1152xf32, #tpu.memory_space<vmem>> -> memref<1x8x1152xf32, #tpu.memory_space<vmem>>
    %dma_wait3A_548 = tpu.memref_squeeze %dma_wait3A_547 : memref<1x8x1152xf32, #tpu.memory_space<vmem>> -> memref<8x1152xf32, #tpu.memory_space<vmem>>
    %dma_wait3A_549 = arith.constant 0 : i32
    %dma_wait3A_550 = arith.constant 0 : i32
    %dma_wait3A_551 = tpu.memref_slice %arg5[%dma_wait3A_549, %dma_wait3A_550] : memref<16384x1152xf32, #tpu.memory_space<hbm>> -> memref<8x1152xf32, #tpu.memory_space<hbm>>
    %dma_wait3A_552 = arith.constant 0 : i32
    %dma_wait3A_553 = arith.constant 0 : i32
    %dma_wait3A_554 = tpu.memref_slice %arg7[%dma_wait3A_544, %dma_wait3A_552, %dma_wait3A_553] : memref<2x8x1152xf32, #tpu.memory_space<vmem>> -> memref<1x8x1152xf32, #tpu.memory_space<vmem>>
    %dma_wait3A_555 = tpu.memref_squeeze %dma_wait3A_554 : memref<1x8x1152xf32, #tpu.memory_space<vmem>> -> memref<8x1152xf32, #tpu.memory_space<vmem>>
    %dma_wait3A_556 = arith.constant 0 : i32
    %dma_wait3A_557 = arith.constant 0 : i32
    %dma_wait3A_558 = tpu.memref_slice %arg5[%dma_wait3A_556, %dma_wait3A_557] : memref<16384x1152xf32, #tpu.memory_space<hbm>> -> memref<8x1152xf32, #tpu.memory_space<hbm>>
    tpu.wait_dma2 semaphore(%arg11 : memref<!tpu.dma_semaphore, #tpu.memory_space<semaphore_mem>>) src(%dma_wait3A_558 : memref<8x1152xf32, #tpu.memory_space<hbm>>) dst(%dma_wait3A_555 : memref<8x1152xf32, #tpu.memory_space<vmem>>)
    return
  }
}

</mosaic_0001>

<sc_bundles>
// kernel: kernel.3.cloned.1.call-start
scs
__scs_entry_jumppad:
0x0: {  	(pc) =	sbr.rel $0x88, $3  }
0x1: {  	(tag) =	ssettag $0x0;
	lr =	simm.s32 $0x1  }
0x2: {  	[smem:$0x3F9E] =	sst lr;
	_ =	strace $0xD0000000  }
0x3: {  	_ = 	snop  }
0x4: {  	_ = 	snop  }
0x5: {  	_ = 	snop  }
0x6: {  	_ = 	snop  }
0x7: {  	_ = 	snop  }
__scs_overlays_trampoline_lowered:
0x8: {  	[smem:$0x3FAD] =	sst s0  }
0x9: {  	[smem:$0x3FAE] =	sst s1  }
0xa: {  	[smem:$0x3FAF] =	sst s2  }
0xb: {  	[smem:$0x3FB0] =	sst s3  }
0xc: {  	[smem:$0x3FB1] =	sst s4  }
0xd: {  	[smem:$0x3FB2] =	sst s5  }
0xe: {  	[smem:$0x3FB3] =	sst s6  }
0xf: {  	[smem:$0x3FB4] =	sst s7  }
0x10: {  	[smem:$0x3FB5] =	sst s8  }
0x11: {  	[smem:$0x3FB6] =	sst s9;
	s0 =	simm.s32 @!p0 $0x0  }
0x12: {  	s1 =	sld [smem:$0x3F9C];
	s0 =	simm.s32 @p0 $0x1  }
0x13: {  	[smem:$0x3FB7] =	sst s0;
	s0 =	simm.s32 @!p1 $0x0  }
0x14: {  	s2 =	sld [smem:$0x3F9B];
	s0 =	simm.s32 @p1 $0x1  }
0x15: {  	[smem:$0x3FB8] =	sst s0;
	s0 =	simm.s32 @!p2 $0x0  }
0x16: {  	s3 =	sld [smem:$0x3FDB];
	s0 =	simm.s32 @p2 $0x1  }
0x17: {  	s4 =	simm.s32 $0x1BF5;
	[smem:$0x3FBA] =	sst s0  }
0x18: {  	s0 =	sld [smem:$0x3F9D];
	_ =	swait.ge [sflag:s4], $0x0  }
0x19: {  	s7 =	sld [smem:$0x3F9E]  }
0x1a: {  	s8 =	sadd.s32 $0xFFFFE003, lr  }
0x1b: {  	s9 =	sadd.s32 $0xFFFFFEF7, lr;
	s5 =	simm.s32 $0xFFFFFFFF;
	p2 =	slt.u32 s8, $0xFFFFF086  }
0x1c: {  	p1 =	slt.u32 s9, $0xF7A;
	s5 =	simm.s32 @!p2 $0x0  }
0x1d: {  	s5 =	simm.s32 @p1 $0x1;
	p0 =	seq.s32 s7, s2  }
0x1e: {  	s7 =	smul.u32 @!p0 $0xF7A, s2;
	p2 =	seq.s32 @!p0 s5, $0x0  }
0x1f: {  	s9 =	smul.u32 $0xF7A, s1;
	s8 =	simm.s32 @!p0 $0x1BF5;
	p2 =	por !p2, p0  }
0x20: {  	[sflag:s8] =	ssyncset.s32 @!p0 $0xFFFFF086;
	s6 =	sadd.s32 @!p0 s3, s7;
	s7 =	simm.s32 @!p0 $0x108  }
0x21: {  	s3 =	sadd.s32 s3, s9;
	s6 =	sadd.s32 @!p0 $0x88, s6;
	s7 =	simm.s32 @p2 $0x1082  }
0x22: {  	[simem:s7], [sflag:s8] =	dma.local @!p0 [hbm:s6], $0xF7A  }
0x23: {  	s9 =	sor.u32 $0xD0000000, s2;
	s6 =	simm.s32 $0x108;
	_ =	swait.ge @!p0 [sflag:s8], $0x0  }
0x24: {  	s3 =	sadd.s32 $0x88, s3;
	s6 =	simm.s32 @!p1 $0x1082;
	[sflag:s4] =	ssyncset.s32 $0xFFFFF086  }
0x25: {  	[simem:s6], [sflag:s4] =	dma.local [hbm:s3], $0xF7A  }
0x26: {  	[smem:$0x3F9E] =	sst s1;
	(tag) =	ssettag s2;
	_ =	strace s9  }
0x27: {  	s1 =	sld [smem:$0x3FAE]  }
0x28: {  	s2 =	sld [smem:$0x3FAF]  }
0x29: {  	s4 =	sld [smem:$0x3FB1]  }
0x2a: {  	p0 =	seq.s32 s5, $0x0;
	s5 =	sld [smem:$0x3FB2]  }
0x2b: {  	s6 =	sld [smem:$0x3FB3]  }
0x2c: {  	s7 =	sld [smem:$0x3FB4]  }
0x2d: {  	s3 =	simm.s32 $0x108;
	s8 =	sld [smem:$0x3FB5]  }
0x2e: {  	s3 =	simm.s32 @!p0 $0x1082;
	s9 =	sld [smem:$0x3FB6]  }
0x2f: {  	lr =	sadd.s32 s0, s3;
	s0 =	sld [smem:$0x3FAD]  }
0x30: {  	s3 =	sld [smem:$0x3FB0]  }
0x31: {  	[smem:$0x3FB9] =	sst s10  }
0x32: {  	s10 =	sld [smem:$0x3FB7];
	_ =	sdelay $0x3  }
0x33: {  	p0 =	seq.s32 s10, $0x1;
	s10 =	sld [smem:$0x3FB9];
	_ =	sdelay $0x3  }
0x34: {  	[smem:$0x3FB9] =	sst s10  }
0x35: {  	s10 =	sld [smem:$0x3FB8];
	_ =	sdelay $0x3  }
0x36: {  	p1 =	seq.s32 s10, $0x1;
	s10 =	sld [smem:$0x3FB9];
	_ =	sdelay $0x3  }
0x37: {  	[smem:$0x3FB9] =	sst s10  }
0x38: {  	s10 =	sld [smem:$0x3FBA]  }
0x39: {  	_ = 	snop;
	(pc) =	sbr.ind lr, $3  }
0x3a: {  	_ = 	snop  }
0x3b: {  	_ = 	snop  }
0x3c: {  	p2 =	seq.s32 s10, $0x1;
	s10 =	sld [smem:$0x3FB9]  }
0x3d: {  	_ =	shalt  }
0x3e: {  	_ =	shalt  }
0x3f: {  	_ =	shalt  }
0x40: {  	_ =	shalt  }
0x41: {  	_ =	shalt  }
0x42: {  	_ =	shalt  }
0x43: {  	_ =	shalt  }
0x44: {  	_ =	shalt  }
0x45: {  	_ =	shalt  }
0x46: {  	_ =	shalt  }
0x47: {  	_ =	shalt  }
0x48: {  	_ =	shalt  }
0x49: {  	_ =	shalt  }
0x4a: {  	_ =	shalt  }
0x4b: {  	_ =	shalt  }
0x4c: {  	_ =	shalt  }
0x4d: {  	_ =	shalt  }
0x4e: {  	_ =	shalt  }
0x4f: {  	_ =	shalt  }
0x50: {  	_ =	shalt  }
0x51: {  	_ =	shalt  }
0x52: {  	_ =	shalt  }
0x53: {  	_ =	shalt  }
0x54: {  	_ =	shalt  }
0x55: {  	_ =	shalt  }
0x56: {  	_ =	shalt  }
0x57: {  	_ =	shalt  }
0x58: {  	_ =	shalt  }
0x59: {  	_ =	shalt  }
0x5a: {  	_ =	shalt  }
0x5b: {  	_ =	shalt  }
0x5c: {  	_ =	shalt  }
0x5d: {  	_ =	shalt  }
0x5e: {  	_ =	shalt  }
0x5f: {  	_ =	shalt  }
0x60: {  	_ =	shalt  }
0x61: {  	_ =	shalt  }
0x62: {  	_ =	shalt  }
0x63: {  	_ =	shalt  }
0x64: {  	_ =	shalt  }
0x65: {  	_ =	shalt  }
0x66: {  	_ =	shalt  }
0x67: {  	_ =	shalt  }
0x68: {  	_ =	shalt  }
0x69: {  	_ =	shalt  }
0x6a: {  	_ =	shalt  }
0x6b: {  	_ =	shalt  }
0x6c: {  	_ =	shalt  }
0x6d: {  	_ =	shalt  }
0x6e: {  	_ =	shalt  }
0x6f: {  	_ =	shalt  }
0x70: {  	_ =	shalt  }
0x71: {  	_ =	shalt  }
0x72: {  	_ =	shalt  }
0x73: {  	_ =	shalt  }
0x74: {  	_ =	shalt  }
0x75: {  	_ =	shalt  }
0x76: {  	_ =	shalt  }
0x77: {  	_ =	shalt  }
0x78: {  	_ =	shalt  }
0x79: {  	_ =	shalt  }
0x7a: {  	_ =	shalt  }
0x7b: {  	_ =	shalt  }
0x7c: {  	_ =	shalt  }
0x7d: {  	_ =	shalt  }
0x7e: {  	_ =	shalt  }
0x7f: {  	_ =	shalt  }
0x80: {  	_ =	shalt  }
0x81: {  	_ =	shalt  }
0x82: {  	_ =	shalt  }
0x83: {  	_ =	shalt  }
0x84: {  	_ =	shalt  }
0x85: {  	_ =	shalt  }
0x86: {  	_ =	shalt  }
0x87: {  	_ =	shalt  }
.Lfunc_end0:
.L_simem_size_0:
called_computation_lowered:
.L_overlay_start_0:
0x88: {  	s2 =	sld [smem:$0x3FD9]  }
0x89: {  	s3 =	sld [smem:$0x3FFE];
	_ =	sdelay $0x1  }
0x8a: {  	s1 =	srdreg.scid  }
0x8b: {  	s0 =	sand.u32 $0x1, s1  }
0x8c: {  	s17 =	sshll.u32 s0, $0xA;
	s2 =	sadd.s32 s3, s2  }
0x8d: {  	s2 =	sadd.s32 s2, s17  }
0x8e: {  	[smem:$0x3FC5] =	sst s2  }
0x8f: {  	_ = 	snop  }
0x90: {  	s2 =	sld [smem:$0x3FC9]  }
0x91: {  	s18 =	sld [smem:$0x3FC8]  }
0x92: {  	s4 =	sld [smem:$0x3FD0];
	(tm) =	ssettm $0x1  }
0x93: {  	s5 =	sld [smem:$0x3FFB];
	_ =	sdelay $0x3  }
0x94: {  	_ =	strace s5  }
0x95: {  	s5 =	sld [smem:$0x3FFC];
	_ =	sdelay $0x3  }
0x96: {  	_ =	strace s5  }
0x97: {  	s5 =	sld [smem:$0x3FFD];
	_ =	sdelay $0x3  }
0x98: {  	_ =	strace s5  }
0x99: {  	_ =	strace $0x8FFFFFFF  }
0x9a: {  	s19 =	sld [smem:$0x3FDB];
	_ =	sdelay $0x1  }
0x9b: {  	s6 =	simm.s32 $_scs_section_size  }
0x9c: {  	s7 =	simm.s32 $_size__tile_overlayer_lowered;
	s8 =	simm.s32 $_tile_overlayer_lowered  }
0x9d: {  	s22 =	simm.s32 $0x1BFF;
	s21 =	sshll.u32 s8, $0x1;
	s5 =	sadd.s32 s6, s19  }
0x9e: {  	s9 =	simm.s32 $0x0;
	s20 =	sshll.u32 s7, $0x1;
	s7 =	sadd.s32 s21, s5  }
0x9f: {  	[timem:s9], [sflag:s22] =	dma.local [hbm:s7], s20  }
0xa0: {  	_ =	swait.ge [sflag:s22], s20  }
0xa1: {  	s6 =	ssub.s32 $0x0, s20;
	[sflag:s22] =	ssyncset.done $0x0  }
0xa2: {  	[sflag:s22] =	ssyncadd.s32 s6;
	_ =	sdelay $0x1  }
0xa3: {  	s23 =	simm.s32 $0x1B8B  }
0xa4: {  	_ =	swait.ge [sflag:s23], $0x1  }
0xa5: {  	[sflag:s23] =	ssyncset.done $0x0  }
0xa6: {  	s25 =	simm.s32 $0x1B8E;
	s24 =	sld [smem:$0x3FFE];
	[sflag:s23] =	ssyncadd.s32 $0xFFFFFFFF  }
0xa7: {  	s26 =	simm.s32 $execute0_lowered;
	[smem:$0x3FD2] =	sst s25  }
0xa8: {  	s7 =	sshll.u32 s26, $0x1;
	_ =	strace $0x80000046;
	[dreg:$0x1] =	wrdreg $0xFFFFFFFF  }
0xa9: {  	s28 =	simm.s32 $_size_execute0_lowered;
	s5 =	sadd.s32 s5, s7;
	[dreg:$0x0] =	wrdreg $0x0  }
0xaa: {  	s7 =	sshll.u32 s28, $0x1;
	[dreg:$0x2] =	wrdreg s5  }
0xab: {  	[dreg:$0x3] =	wrdreg s7  }
0xac: {  	[dreg:$0x4] =	wrdreg $0xC0  }
0xad: {  	_ =	task [dreg:s9], $0x5FFFF  }
0xae: {  	[dreg:$0x1] =	wrdreg $0xFFFFFFFF  }
0xaf: {  	[dreg:$0x0] =	wrdreg $0x60  }
0xb0: {  	[dreg:$0x2] =	wrdreg s2  }
0xb1: {  	[dreg:$0x3] =	wrdreg s18  }
0xb2: {  	[dreg:$0x4] =	wrdreg s24  }
0xb3: {  	[dreg:$0x5] =	wrdreg s4  }
0xb4: {  	[dreg:$0x6] =	wrdreg $0x0  }
0xb5: {  	[dreg:$0x7] =	wrdreg $0x9  }
0xb6: {  	_ =	task.clear_ibuf [dreg:s9], $0x8FFFF;
	_ =	strace $0x90000046  }
0xb7: {  	s29 =	simm.s32 $0x9;
	_ =	strace $0x80000048  }
0xb8: {  	_ =	swait.ge [sflag:s29], $0x1  }
0xb9: {  	[sflag:s29] =	ssyncadd.s32 $0xFFFFFFFF  }
0xba: {  	_ =	strace $0x90000048  }
0xbb: {  	_ =	sfence  }
0xbc: {  	s30 =	sld [smem:$0x0];
	_ =	sdelay $0x2  }
0xbd: {  	s31 =	sshll.u32 s1, $0xD;
	s1 =	sshrl.u32 s1, $0x2  }
0xbe: {  	s3 =	sand.u32 $0x4000, s31;
	s1 =	sadd.s32 s1, s30  }
0xbf: {  	s0 =	sor.u32 s3, s0;
	s1 =	sshll.u32 s1, $0x11  }
0xc0: {  	s0 =	sor.u32 s1, s0  }
0xc1: {  	s0 =	sadd.s32 $0x8F2B, s0  }
0xc2: {  	[sflag:s0] =	ssyncadd.remote.s32 $0x1  }
0xc3: {  	_ =	sfence.sel $0xFFFF  }
0xc4: {  	[dreg:$0x0] =	wrdreg $0xFFFFFFFF;
	(pc) =	sbr.abs _section_cstart, $3  }
0xc5: {  	[dreg:$0x1] =	wrdreg $0xFFFFFFFF  }
0xc6: {  	_ =	task.clear_ibuf [dreg:s9], $0x2FFFF;
	_ =	strace $0x9FFFFFFF  }
0xc7: {  	(tm) =	ssettm $0x7FFFFFFF  }
tec
execute0_lowered:
.L_overlay_start_1:
0x0: {  	(tag) =	ssettag $0x1  }
0x1: {  	s6 =	rddreg [dreg:$0x0];
	s1 =	srdreg.scid  }
0x2: {  	s7 =	rddreg [dreg:$0x1];
	s0 =	stileid.u32;
	s4 =	sand.u32 $0x1, s1  }
0x3: {  	s5 =	rddreg [dreg:$0x2];
	s16 =	sshll.u32 s0, $0xA;
	s2 =	sshll.u32 s4, $0x9  }
0x4: {  	s9 =	rddreg [dreg:$0x3];
	s8 =	sor.u32 s2, s16  }
0x5: {  	s1 =	rddreg [dreg:$0x5];
	s3 =	sor.u32 $0x8, s8  }
0x6: {  	s2 =	rddreg [dreg:$0x4];
	s10 =	sshrl.u32 s3, $0x3;
	s3 =	simm.s32 $0x0  }
0x7: {  	s17 =	simm.s32 $0x11D88;
	[smem:$0x7FF] =	sst s3  }
0x8: {  	s18 =	simm.s32 $0x12188;
	_ =	strace $0x80000047;
	[dreg:$0x8] =	wrdreg s17  }
0x9: {  	s19 =	simm.s32 $0x12588;
	[dreg:$0x9] =	wrdreg s18  }
0xa: {  	s20 =	simm.s32 $0x12988;
	[dreg:$0xa] =	wrdreg s19  }
0xb: {  	s21 =	simm.s32 $0x12D88;
	[dreg:$0xb] =	wrdreg s20  }
0xc: {  	s22 =	simm.s32 $0x13188;
	[dreg:$0xc] =	wrdreg s21  }
0xd: {  	s23 =	simm.s32 $0x13588;
	[dreg:$0xd] =	wrdreg s22  }
0xe: {  	s24 =	simm.s32 $0x13988;
	[dreg:$0xe] =	wrdreg s23  }
0xf: {  	s25 =	simm.s32 $0x11A08;
	[dreg:$0xf] =	wrdreg s24  }
0x10: {  	s26 =	simm.s32 $0x11E08;
	[dreg:$0x10] =	wrdreg s25  }
0x11: {  	s28 =	simm.s32 $0x12208;
	[dreg:$0x11] =	wrdreg s26  }
0x12: {  	s29 =	simm.s32 $0x12608;
	[dreg:$0x12] =	wrdreg s28  }
0x13: {  	s30 =	simm.s32 $0x12A08;
	[dreg:$0x13] =	wrdreg s29  }
0x14: {  	s31 =	simm.s32 $0x12E08;
	[dreg:$0x14] =	wrdreg s30  }
0x15: {  	s12 =	simm.s32 $0x13A08;
	[dreg:$0x15] =	wrdreg s31  }
0x16: {  	s13 =	simm.s32 $0x11A88;
	[dreg:$0x18] =	wrdreg s12  }
0x17: {  	s14 =	simm.s32 $0x11E88;
	[dreg:$0x19] =	wrdreg s13  }
0x18: {  	s15 =	simm.s32 $0x12288;
	[dreg:$0x1a] =	wrdreg s14  }
0x19: {  	s16 =	simm.s32 $0x12688;
	[dreg:$0x1b] =	wrdreg s15  }
0x1a: {  	[dreg:$0x1c] =	wrdreg s16;
	s17 =	simm.s32 $0x12A88  }
0x1b: {  	s18 =	simm.s32 $0x12E88;
	[dreg:$0x1d] =	wrdreg s17  }
0x1c: {  	s19 =	simm.s32 $0x13288;
	[dreg:$0x1e] =	wrdreg s18  }
0x1d: {  	s20 =	simm.s32 $0x13688;
	[dreg:$0x1f] =	wrdreg s19  }
0x1e: {  	s21 =	simm.s32 $0x13A88;
	[smem:$0x788] =	sst s20  }
0x1f: {  	s22 =	simm.s32 $0x11B08;
	[smem:$0x789] =	sst s21  }
0x20: {  	s23 =	simm.s32 $0x11F08;
	[smem:$0x78A] =	sst s22  }
0x21: {  	s24 =	simm.s32 $0x12308;
	[smem:$0x78B] =	sst s23  }
0x22: {  	s25 =	simm.s32 $0x12708;
	[smem:$0x78C] =	sst s24  }
0x23: {  	s26 =	simm.s32 $0x12B08;
	[smem:$0x78D] =	sst s25  }
0x24: {  	s28 =	simm.s32 $0x12F08;
	[smem:$0x78E] =	sst s26  }
0x25: {  	s29 =	simm.s32 $0x13308;
	[smem:$0x78F] =	sst s28  }
0x26: {  	s30 =	simm.s32 $0x13708;
	[smem:$0x790] =	sst s29  }
0x27: {  	s31 =	simm.s32 $0x13B08;
	[smem:$0x791] =	sst s30  }
0x28: {  	s12 =	simm.s32 $0x12388;
	[smem:$0x792] =	sst s31  }
0x29: {  	s13 =	simm.s32 $0x12788;
	[smem:$0x795] =	sst s12  }
0x2a: {  	s8 =	sshrl.u32 s8, $0x3;
	s14 =	simm.s32 $0x12B88;
	[smem:$0x796] =	sst s13  }
0x2b: {  	s10 =	smul.u32 $0x480, s10;
	s15 =	simm.s32 $0x12F88;
	[smem:$0x797] =	sst s14  }
0x2c: {  	s11 =	smul.u32 $0x480, s8;
	s16 =	simm.s32 $0x13388;
	[smem:$0x798] =	sst s15  }
0x2d: {  	s10 =	sadd.s32 s10, s9;
	[smem:$0x799] =	sst s16  }
0x2e: {  	s9 =	sadd.s32 s11, s9;
	[dreg:$0x6] =	wrdreg s10  }
0x2f: {  	s11 =	simm.s32 $0x13608;
	[dreg:$0x7] =	wrdreg s9  }
0x30: {  	s17 =	simm.s32 $0x13788;
	[dreg:$0x17] =	wrdreg s11  }
0x31: {  	s18 =	simm.s32 $0x13B88;
	[smem:$0x79A] =	sst s17  }
0x32: {  	s19 =	simm.s32 $0x11C08;
	[smem:$0x79B] =	sst s18  }
0x33: {  	s20 =	simm.s32 $0x12008;
	[smem:$0x79C] =	sst s19  }
0x34: {  	s21 =	simm.s32 $0x12408;
	[smem:$0x79D] =	sst s20  }
0x35: {  	s22 =	simm.s32 $0x12808;
	[smem:$0x79E] =	sst s21  }
0x36: {  	s23 =	simm.s32 $0x12C08;
	[smem:$0x79F] =	sst s22  }
0x37: {  	s24 =	simm.s32 $0x13008;
	[smem:$0x7A0] =	sst s23  }
0x38: {  	s25 =	simm.s32 $0x13408;
	[smem:$0x7A1] =	sst s24  }
0x39: {  	s26 =	simm.s32 $0x13808;
	[smem:$0x7A2] =	sst s25  }
0x3a: {  	s28 =	simm.s32 $0x13C08;
	[smem:$0x7A3] =	sst s26  }
0x3b: {  	s29 =	simm.s32 $0x11C88;
	[smem:$0x7A4] =	sst s28  }
0x3c: {  	s30 =	simm.s32 $0x12088;
	[smem:$0x7A5] =	sst s29  }
0x3d: {  	s31 =	simm.s32 $0x12488;
	[smem:$0x7A6] =	sst s30  }
0x3e: {  	s12 =	simm.s32 $0x13088;
	[smem:$0x7A7] =	sst s31  }
0x3f: {  	s13 =	simm.s32 $0x13488;
	[smem:$0x7AA] =	sst s12  }
0x40: {  	s14 =	simm.s32 $0x13888;
	[smem:$0x7AB] =	sst s13  }
0x41: {  	s15 =	simm.s32 $0x13C88;
	[smem:$0x7AC] =	sst s14  }
0x42: {  	s16 =	simm.s32 $0x11D08;
	[smem:$0x7AD] =	sst s15  }
0x43: {  	s10 =	simm.s32 $0x13208;
	[smem:$0x7AE] =	sst s16  }
0x44: {  	s11 =	simm.s32 $0x11F88;
	[dreg:$0x16] =	wrdreg s10  }
0x45: {  	s17 =	simm.s32 $0x12108;
	[smem:$0x794] =	sst s11  }
0x46: {  	s18 =	simm.s32 $0x12508;
	[smem:$0x7AF] =	sst s17  }
0x47: {  	s19 =	simm.s32 $0x12908;
	[smem:$0x7B0] =	sst s18  }
0x48: {  	s20 =	simm.s32 $0x12D08;
	[smem:$0x7B1] =	sst s19  }
0x49: {  	s21 =	simm.s32 $0x13108;
	[smem:$0x7B2] =	sst s20  }
0x4a: {  	s22 =	simm.s32 $0x13508;
	[smem:$0x7B3] =	sst s21  }
0x4b: {  	s23 =	simm.s32 $0x13908;
	[smem:$0x7B4] =	sst s22  }
0x4c: {  	s24 =	simm.s32 $0x13D08;
	[smem:$0x7B5] =	sst s23  }
0x4d: {  	s25 =	simm.s32 $0x14188;
	[smem:$0x7B6] =	sst s24  }
0x4e: {  	s26 =	simm.s32 $0x14588;
	[smem:$0x7B7] =	sst s25  }
0x4f: {  	s28 =	simm.s32 $0x14988;
	[smem:$0x7B8] =	sst s26  }
0x50: {  	s29 =	simm.s32 $0x14D88;
	[smem:$0x7B9] =	sst s28  }
0x51: {  	s30 =	simm.s32 $0x15188;
	[smem:$0x7BA] =	sst s29  }
0x52: {  	s31 =	simm.s32 $0x15588;
	[smem:$0x7BB] =	sst s30  }
0x53: {  	s12 =	simm.s32 $0x13E08;
	[smem:$0x7BC] =	sst s31  }
0x54: {  	s13 =	simm.s32 $0x14208;
	[smem:$0x7BF] =	sst s12  }
0x55: {  	s14 =	simm.s32 $0x14608;
	[smem:$0x7C0] =	sst s13  }
0x56: {  	s15 =	simm.s32 $0x14A08;
	[smem:$0x7C1] =	sst s14  }
0x57: {  	s16 =	simm.s32 $0x14E08;
	[smem:$0x7C2] =	sst s15  }
0x58: {  	s10 =	simm.s32 $0x11B88;
	[smem:$0x7C3] =	sst s16  }
0x59: {  	s11 =	simm.s32 $0x12C88;
	[smem:$0x793] =	sst s10  }
0x5a: {  	s17 =	simm.s32 $0x15208;
	[smem:$0x7A9] =	sst s11  }
0x5b: {  	s18 =	simm.s32 $0x15608;
	[smem:$0x7C4] =	sst s17  }
0x5c: {  	s19 =	simm.s32 $0x15A08;
	[smem:$0x7C5] =	sst s18  }
0x5d: {  	s20 =	simm.s32 $0x15E08;
	[smem:$0x7C6] =	sst s19  }
0x5e: {  	s21 =	simm.s32 $0x13E88;
	[smem:$0x7C7] =	sst s20  }
0x5f: {  	s22 =	simm.s32 $0x14288;
	[smem:$0x7C8] =	sst s21  }
0x60: {  	s23 =	simm.s32 $0x14688;
	[smem:$0x7C9] =	sst s22  }
0x61: {  	s24 =	simm.s32 $0x14A88;
	[smem:$0x7CA] =	sst s23  }
0x62: {  	s25 =	simm.s32 $0x14E88;
	[smem:$0x7CB] =	sst s24  }
0x63: {  	s26 =	simm.s32 $0x15288;
	[smem:$0x7CC] =	sst s25  }
0x64: {  	s28 =	simm.s32 $0x15688;
	[smem:$0x7CD] =	sst s26  }
0x65: {  	s29 =	simm.s32 $0x15A88;
	[smem:$0x7CE] =	sst s28  }
0x66: {  	s30 =	simm.s32 $0x15E88;
	[smem:$0x7CF] =	sst s29  }
0x67: {  	s31 =	simm.s32 $0x13F08;
	[smem:$0x7D0] =	sst s30  }
0x68: {  	s12 =	simm.s32 $0x14B08;
	[smem:$0x7D1] =	sst s31  }
0x69: {  	s13 =	simm.s32 $0x14F08;
	[smem:$0x7D4] =	sst s12  }
0x6a: {  	s14 =	simm.s32 $0x15308;
	[smem:$0x7D5] =	sst s13  }
0x6b: {  	s15 =	simm.s32 $0x15708;
	[smem:$0x7D6] =	sst s14  }
0x6c: {  	s16 =	simm.s32 $0x15B08;
	[smem:$0x7D7] =	sst s15  }
0x6d: {  	s10 =	simm.s32 $0x12888;
	[smem:$0x7D8] =	sst s16  }
0x6e: {  	s11 =	simm.s32 $0x15D88;
	[smem:$0x7A8] =	sst s10  }
0x6f: {  	s17 =	simm.s32 $0x15F08;
	[smem:$0x7BE] =	sst s11  }
0x70: {  	s18 =	simm.s32 $0x13F88;
	[smem:$0x7D9] =	sst s17  }
0x71: {  	s19 =	simm.s32 $0x14388;
	[smem:$0x7DA] =	sst s18  }
0x72: {  	s20 =	simm.s32 $0x14788;
	[smem:$0x7DB] =	sst s19  }
0x73: {  	s21 =	simm.s32 $0x14B88;
	[smem:$0x7DC] =	sst s20  }
0x74: {  	s22 =	simm.s32 $0x14F88;
	[smem:$0x7DD] =	sst s21  }
0x75: {  	s23 =	simm.s32 $0x15388;
	[smem:$0x7DE] =	sst s22  }
0x76: {  	s24 =	simm.s32 $0x15788;
	[smem:$0x7DF] =	sst s23  }
0x77: {  	s25 =	simm.s32 $0x15B88;
	[smem:$0x7E0] =	sst s24  }
0x78: {  	s26 =	simm.s32 $0x15F88;
	[smem:$0x7E1] =	sst s25  }
0x79: {  	s28 =	simm.s32 $0x14008;
	[smem:$0x7E2] =	sst s26  }
0x7a: {  	s29 =	simm.s32 $0x14408;
	[smem:$0x7E3] =	sst s28  }
0x7b: {  	s31 =	simm.s32 $0x14808;
	[smem:$0x7E4] =	sst s29  }
0x7c: {  	s13 =	simm.s32 $0x15008;
	[smem:$0x7E5] =	sst s31  }
0x7d: {  	s14 =	simm.s32 $0x15408;
	[smem:$0x7E7] =	sst s13  }
0x7e: {  	s15 =	simm.s32 $0x15808;
	[smem:$0x7E8] =	sst s14  }
0x7f: {  	s16 =	simm.s32 $0x15C08;
	[smem:$0x7E9] =	sst s15  }
0x80: {  	s10 =	simm.s32 $0x15988;
	[smem:$0x7EA] =	sst s16  }
0x81: {  	s11 =	simm.s32 $0x14708;
	[smem:$0x7BD] =	sst s10  }
0x82: {  	s17 =	simm.s32 $0x16008;
	[smem:$0x7D3] =	sst s11  }
0x83: {  	s18 =	simm.s32 $0x14088;
	[smem:$0x7EB] =	sst s17  }
0x84: {  	s19 =	simm.s32 $0x14488;
	[smem:$0x7EC] =	sst s18  }
0x85: {  	s20 =	simm.s32 $0x14888;
	[smem:$0x7ED] =	sst s19  }
0x86: {  	s21 =	simm.s32 $0x14C88;
	[smem:$0x7EE] =	sst s20  }
0x87: {  	s22 =	simm.s32 $0x15088;
	[smem:$0x7EF] =	sst s21  }
0x88: {  	p0 =	seq.s32 s0, $0xF;
	s23 =	simm.s32 $0x15488;
	[smem:$0x7F0] =	sst s22  }
0x89: {  	s4 =	ssub.s32 $0x2, s4;
	s24 =	simm.s32 $0x15888;
	[smem:$0x7F1] =	sst s23  }
0x8a: {  	s6 =	sadd.s32 s6, s8;
	s25 =	simm.s32 $0x15C88;
	[smem:$0x7F2] =	sst s24  }
0x8b: {  	s7 =	sadd.s32 s7, s8;
	s26 =	simm.s32 $0x16088;
	[smem:$0x7F3] =	sst s25  }
0x8c: {  	s30 =	smul.u32 $0x12000, s0;
	s28 =	simm.s32 $0x14108;
	[smem:$0x7F4] =	sst s26  }
0x8d: {  	s29 =	simm.s32 $0x14508;
	s14 =	simm.s32 $0x14D08;
	[smem:$0x7F5] =	sst s28  }
0x8e: {  	s15 =	simm.s32 $0x15108;
	s16 =	simm.s32 $0x15508;
	[smem:$0x7F6] =	sst s29  }
0x8f: {  	s31 =	simm.s32 $0x16108;
	s10 =	simm.s32 $0x14308;
	[smem:$0x7F8] =	sst s14  }
0x90: {  	s11 =	simm.s32 $0x14C08;
	s12 =	sshrl.u32 s30, $0x3;
	[smem:$0x7F9] =	sst s15  }
0x91: {  	s13 =	sadd.s32 s30, s2;
	s30 =	simm.s32 $0x14908;
	[smem:$0x7FA] =	sst s16  }
0x92: {  	s14 =	simm.s32 $0x16388;
	s15 =	simm.s32 $0x11988;
	[smem:$0x7FD] =	sst s31  }
0x93: {  	s17 =	simm.s32 $0x15908;
	s16 =	simm.s32 $0x1;
	[smem:$0x7D2] =	sst s10  }
0x94: {  	s18 =	simm.s32 $0x15D08;
	s19 =	simm.s32 $0x0;
	[smem:$0x7E6] =	sst s11  }
0x95: {  	s11 =	sadd.s32 s12, s5;
	s12 =	sshrl.u32 s4, $0x1;
	[smem:$0x7F7] =	sst s30  }
0x96: {  	s10 =	sadd.s32 $0x10E000, s2;
	s5 =	sadd.s32 $0x22000, s5;
	[smem:$0x7FB] =	sst s17  }
0x97: {  	s17 =	simm.s32 $0x13D88;
	[smem:$0x7FC] =	sst s18;
	s18 =	simm.s32 $0x2  }
0x98: {  	s12 =	ssub.s32 s4, s12;
	s4 =	sadd.s32 $0x400, s11;
	s11 =	sshll.u32 @!p0 s0, $0x6  }
0x99: {  	s9 =	sshrl.u32 @p0 s10, $0x3;
	s8 =	smax.u32 s12, $0x1;
	s10 =	sor.u32 @!p0 $0x1C03, s11  }
0x9a: {  	s11 =	sshrl.u32 @!p0 s13, $0x3;
	s12 =	simm.s32 $0x16188;
	s13 =	simm.s32 $0x4  }
.LBB2_1:
0x9b: {  	s20 =	simm.s32 @p0 $0x1FC3  }
0x9c: {  	[spmem:s9], [sflag:s20] =	dma.local @p0 [hbm:s5], $0x1710  }
0x9d: {  	[spmem:s11], [sflag:s10] =	dma.local @!p0 [hbm:s4], $0x2400  }
0x9e: {  	[tilespmem:s12], [sflag:$0x4] =	stream.linear.gather [hbm4b:s6+s3], $0x200, $0x38;
	[tilespmem:$0x16588] =	vst v63  }
0x9f: {  	_ =	swait.ge [sflag:s13], $0x200  }
0xa0: {  	[sflag:s13] =	ssyncset.done $0x0  }
0xa1: {  	[sflag:s13] =	ssyncadd.s32 $0xFFFFFE00  }
0xa2: {  	[tilespmem:s14], [sflag:$0x4] =	stream.linear.gather [hbm4b:s7+s3], $0x200, $0x38;
	[tilespmem:$0x16588] =	vst v63  }
0xa3: {  	_ =	swait.ge [sflag:s13], $0x200  }
0xa4: {  	[sflag:s13] =	ssyncset.done $0x0  }
0xa5: {  	[sflag:s13] =	ssyncadd.s32 $0xFFFFFE00  }
0xa6: {  	v0 =	vld [tilespmem:$0x16388]  }
0xa7: {  	v1 =	vld [tilespmem:$0x16188]  }
0xa8: {  	v2 =	vld [tilespmem:$0x16398]  }
0xa9: {  	v3 =	vld [tilespmem:$0x16198]  }
0xaa: {  	v4 =	vld [tilespmem:$0x163A8]  }
0xab: {  	v5 =	vld [tilespmem:$0x161A8]  }
0xac: {  	v6 =	vld [tilespmem:$0x163B8]  }
0xad: {  	v7 =	vld [tilespmem:$0x161B8]  }
0xae: {  	v8 =	vld [tilespmem:$0x163C8]  }
0xaf: {  	v9 =	vld [tilespmem:$0x161C8]  }
0xb0: {  	v10 =	vld [tilespmem:$0x163D8]  }
0xb1: {  	v11 =	vld [tilespmem:$0x161D8]  }
0xb2: {  	v12 =	vld [tilespmem:$0x163E8]  }
0xb3: {  	v13 =	vld [tilespmem:$0x161E8]  }
0xb4: {  	v14 =	vld [tilespmem:$0x163F8]  }
0xb5: {  	v15 =	vld [tilespmem:$0x161F8]  }
0xb6: {  	v16 =	vld [tilespmem:$0x16408]  }
0xb7: {  	v17 =	vld [tilespmem:$0x16208]  }
0xb8: {  	v18 =	vld [tilespmem:$0x16418]  }
0xb9: {  	v19 =	vld [tilespmem:$0x16218]  }
0xba: {  	v20 =	vld [tilespmem:$0x16428]  }
0xbb: {  	v21 =	vld [tilespmem:$0x16228]  }
0xbc: {  	v22 =	vld [tilespmem:$0x16438]  }
0xbd: {  	v23 =	vld [tilespmem:$0x16238]  }
0xbe: {  	v24 =	vld [tilespmem:$0x16448]  }
0xbf: {  	v25 =	vld [tilespmem:$0x16248]  }
0xc0: {  	v26 =	vld [tilespmem:$0x16458]  }
0xc1: {  	v27 =	vld [tilespmem:$0x16258]  }
0xc2: {  	v28 =	vld [tilespmem:$0x16468]  }
0xc3: {  	v29 =	vld [tilespmem:$0x16268]  }
0xc4: {  	v30 =	vld [tilespmem:$0x16478]  }
0xc5: {  	v31 =	vld [tilespmem:$0x16278]  }
0xc6: {  	v32 =	vld [tilespmem:$0x16488]  }
0xc7: {  	v33 =	vld [tilespmem:$0x16288]  }
0xc8: {  	v34 =	vld [tilespmem:$0x16498]  }
0xc9: {  	v35 =	vld [tilespmem:$0x16298]  }
0xca: {  	v44 =	vld [tilespmem:$0x164A8];
	vm0 =	veq.s32 v0, $0x1  }
0xcb: {  	v45 =	vld [tilespmem:$0x162A8];
	vm9 =	veq.s32 v2, $0x1;
	v1 =	vsel vm0, $0x3E8, v1  }
0xcc: {  	v47 =	vld [tilespmem:$0x164B8];
	vm10 =	veq.s32 v4, $0x1;
	v46 =	vsel vm9, $0x3E8, v3;
	[tilespmem:$0x16188] =	vst v1  }
0xcd: {  	v49 =	vld [tilespmem:$0x162B8];
	vm11 =	veq.s32 v6, $0x1;
	v48 =	vsel vm10, $0x3E8, v5;
	[tilespmem:$0x16198] =	vst v46  }
0xce: {  	v51 =	vld [tilespmem:$0x164C8];
	vm12 =	veq.s32 v8, $0x1;
	v50 =	vsel vm11, $0x3E8, v7;
	[tilespmem:$0x161A8] =	vst v48  }
0xcf: {  	v53 =	vld [tilespmem:$0x162C8];
	vm13 =	veq.s32 v10, $0x1;
	v52 =	vsel vm12, $0x3E8, v9;
	[tilespmem:$0x161B8] =	vst v50  }
0xd0: {  	v55 =	vld [tilespmem:$0x164D8];
	vm14 =	veq.s32 v12, $0x1;
	v54 =	vsel vm13, $0x3E8, v11;
	[tilespmem:$0x161C8] =	vst v52  }
0xd1: {  	v57 =	vld [tilespmem:$0x162D8];
	vm15 =	veq.s32 v14, $0x1;
	v56 =	vsel vm14, $0x3E8, v13;
	[tilespmem:$0x161D8] =	vst v54  }
0xd2: {  	v59 =	vld [tilespmem:$0x164E8];
	vm4 =	veq.s32 v16, $0x1;
	v58 =	vsel vm15, $0x3E8, v15;
	[tilespmem:$0x161E8] =	vst v56  }
0xd3: {  	v61 =	vld [tilespmem:$0x162E8];
	vm5 =	veq.s32 v18, $0x1;
	v60 =	vsel vm4, $0x3E8, v17;
	[tilespmem:$0x161F8] =	vst v58  }
0xd4: {  	v63 =	vld [tilespmem:$0x164F8];
	vm6 =	veq.s32 v20, $0x1;
	v62 =	vsel vm5, $0x3E8, v19;
	[tilespmem:$0x16208] =	vst v60  }
0xd5: {  	v37 =	vld [tilespmem:$0x16328];
	vm7 =	veq.s32 v22, $0x1;
	v21 =	vsel vm6, $0x3E8, v21;
	[tilespmem:$0x16218] =	vst v62  }
0xd6: {  	v39 =	vld [tilespmem:$0x16538];
	vm8 =	veq.s32 v24, $0x1;
	v23 =	vsel vm7, $0x3E8, v23;
	[tilespmem:$0x16228] =	vst v21  }
0xd7: {  	v41 =	vld [tilespmem:$0x16338];
	v25 =	vsel vm8, $0x3E8, v25;
	vm9 =	veq.s32 v26, $0x1;
	[tilespmem:$0x16238] =	vst v23  }
0xd8: {  	v43 =	vld [tilespmem:$0x16548];
	vm10 =	veq.s32 v28, $0x1;
	[tilespmem:$0x16248] =	vst v25;
	v27 =	vsel vm9, $0x3E8, v27  }
0xd9: {  	v22 =	vld [tilespmem:$0x162F8];
	vm11 =	veq.s32 v30, $0x1;
	v29 =	vsel vm10, $0x3E8, v29;
	[tilespmem:$0x16258] =	vst v27  }
0xda: {  	v24 =	vld [tilespmem:$0x16508];
	vm12 =	veq.s32 v32, $0x1;
	v31 =	vsel vm11, $0x3E8, v31;
	[tilespmem:$0x16268] =	vst v29  }
0xdb: {  	v26 =	vld [tilespmem:$0x16308];
	vm13 =	veq.s32 v34, $0x1;
	v36 =	vsel vm12, $0x3E8, v33;
	[tilespmem:$0x16278] =	vst v31  }
0xdc: {  	v28 =	vld [tilespmem:$0x16518];
	vm14 =	veq.s32 v44, $0x1;
	v38 =	vsel vm13, $0x3E8, v35;
	[tilespmem:$0x16288] =	vst v36  }
0xdd: {  	v30 =	vld [tilespmem:$0x16318];
	vm15 =	veq.s32 v47, $0x1;
	v40 =	vsel vm14, $0x3E8, v45;
	[tilespmem:$0x16298] =	vst v38  }
0xde: {  	v32 =	vld [tilespmem:$0x16528];
	vm4 =	veq.s32 v51, $0x1;
	v42 =	vsel vm15, $0x3E8, v49;
	[tilespmem:$0x162A8] =	vst v40  }
0xdf: {  	vm5 =	veq.s32 v55, $0x1;
	v47 =	vld [tilespmem:$0x16558];
	v44 =	vsel vm4, $0x3E8, v53;
	[tilespmem:$0x162B8] =	vst v42  }
0xe0: {  	vm6 =	veq.s32 v59, $0x1;
	v51 =	vld [tilespmem:$0x16568];
	v46 =	vsel vm5, $0x3E8, v57;
	[tilespmem:$0x162C8] =	vst v44  }
0xe1: {  	v55 =	vld [tilespmem:$0x16578];
	v48 =	vsel vm6, $0x3E8, v61;
	vm11 =	veq.s32 v39, $0x1;
	[tilespmem:$0x162D8] =	vst v46  }
0xe2: {  	vm7 =	veq.s32 v63, $0x1;
	v45 =	vld [tilespmem:$0x16348];
	[tilespmem:$0x162E8] =	vst v48;
	v58 =	vsel vm11, $0x3E8, v41  }
0xe3: {  	v49 =	vld [tilespmem:$0x16358];
	[tilespmem:$0x16338] =	vst v58;
	v50 =	vsel vm7, $0x3E8, v22;
	vm8 =	veq.s32 v24, $0x1  }
0xe4: {  	v53 =	vld [tilespmem:$0x16368];
	[tilespmem:$0x162F8] =	vst v50;
	v52 =	vsel vm8, $0x3E8, v26;
	vm9 =	veq.s32 v28, $0x1  }
0xe5: {  	v57 =	vld [tilespmem:$0x16378];
	vm10 =	veq.s32 v32, $0x1;
	[tilespmem:$0x16308] =	vst v52;
	v54 =	vsel vm9, $0x3E8, v30  }
0xe6: {  	vm12 =	veq.s32 v43, $0x1;
	v56 =	vsel vm10, $0x3E8, v37;
	[tilespmem:$0x16318] =	vst v54  }
0xe7: {  	vm13 =	veq.s32 v47, $0x1;
	v59 =	vsel vm12, $0x3E8, v45;
	[tilespmem:$0x16328] =	vst v56  }
0xe8: {  	vm14 =	veq.s32 v51, $0x1;
	v60 =	vsel vm13, $0x3E8, v49;
	[tilespmem:$0x16348] =	vst v59  }
0xe9: {  	vm15 =	veq.s32 v55, $0x1;
	v61 =	vsel vm14, $0x3E8, v53;
	[tilespmem:$0x16358] =	vst v60  }
0xea: {  	v0 =	vsel vm15, $0x3E8, v57;
	[tilespmem:$0x16368] =	vst v61  }
0xeb: {  	s20 =	simm.s32 @p0 $0x3;
	[tilespmem:$0x16378] =	vst v0  }
0xec: {  	_ =	swait.ge @p0 [sflag:s20], $0x1710  }
0xed: {  	[sflag:s20] =	ssyncset.done @p0 $0x0  }
0xee: {  	[sflag:s20] =	ssyncadd.s32 @p0 $0xFFFFE8F0;
	s20 =	simm.s32 @!p0 $0x3  }
0xef: {  	_ =	swait.ge @!p0 [sflag:s20], $0x2400  }
0xf0: {  	p1 =	por $0x1, $0x1;
	[sflag:s20] =	ssyncset.done @!p0 $0x0  }
0xf1: {  	p1 =	por p1, p1;
	[sflag:s20] =	ssyncadd.s32 @!p0 $0xFFFFDC00  }
0xf2: {  	s20 =	simm.s32 @!p1 $0x2;
	[bflag:$0x0] =	sbarrier.arrive $0xFFFF  }
0xf3: {  	_ =	swait.ge @!p1 [sflag:s20], $0x2400  }
0xf4: {  	[sflag:s20] =	ssyncset.done @!p1 $0x0  }
0xf5: {  	s21 =	simm.s32 $0x16190;
	[sflag:s20] =	ssyncadd.s32 @!p1 $0xFFFFDC00  }
0xf6: {  	v62 =	vld.msk [tilespmem:s21+$0xFFFFFFF8], $0xff;
	_ =	sdelay $0x4  }
0xf7: {  	v0 =	vmul.u32 $0x1200, v62;
	_ =	sdelay $0x1  }
0xf8: {  	v0 =	vshra.s32 v0, $0x2  }
0xf9: {  	v0 =	vadd.s32 s2, v0  }
0xfa: {  	(v2sf) =	vpush v0, $0x0;
	_ =	sdelay $0xe  }
0xfb: {  	s22 =	rddreg [dreg:$0x8];
	s23 =	spop (v2sf)  }
0xfc: {  	[tilespmem:s15], [sflag:$0x1] =	stream.linear.gather [spmem:s23], $0x80, $0x38;
	[tilespmem:$0x16588] =	vst v63  }
0xfd: {  	s25 =	rddreg [dreg:$0x9];
	s24 =	sadd.s32 $0x80, s23  }
0xfe: {  	(v2sf) =	vpush v0, $0x1;
	[tilespmem:s22], [sflag:$0x1] =	stream.linear.gather [spmem:s24], $0x80, $0x38;
	[tilespmem:$0x16588] =	vst v63  }
0xff: {  	s31 =	rddreg [dreg:$0xa];
	s30 =	sadd.s32 $0x100, s23  }
0x100: {  	[tilespmem:s25], [sflag:$0x1] =	stream.linear.gather [spmem:s30], $0x80, $0x38;
	[tilespmem:$0x16588] =	vst v63  }
0x101: {  	s26 =	rddreg [dreg:$0xb];
	s25 =	sadd.s32 $0x180, s23  }
0x102: {  	[tilespmem:s31], [sflag:$0x1] =	stream.linear.gather [spmem:s25], $0x80, $0x38;
	[tilespmem:$0x16588] =	vst v63  }
0x103: {  	s29 =	rddreg [dreg:$0xc];
	s28 =	sadd.s32 $0x200, s23  }
0x104: {  	[tilespmem:s26], [sflag:$0x1] =	stream.linear.gather [spmem:s28], $0x80, $0x38;
	[tilespmem:$0x16588] =	vst v63  }
0x105: {  	s30 =	sadd.s32 $0x280, s23;
	s31 =	rddreg [dreg:$0xd]  }
0x106: {  	[tilespmem:s29], [sflag:$0x1] =	stream.linear.gather [spmem:s30], $0x80, $0x38;
	[tilespmem:$0x16588] =	vst v63  }
0x107: {  	s24 =	sadd.s32 $0x300, s23;
	s26 =	rddreg [dreg:$0xe]  }
0x108: {  	[tilespmem:s31], [sflag:$0x1] =	stream.linear.gather [spmem:s24], $0x80, $0x38;
	[tilespmem:$0x16588] =	vst v63  }
0x109: {  	s28 =	sadd.s32 $0x380, s23;
	s29 =	rddreg [dreg:$0xf]  }
0x10a: {  	[tilespmem:s26], [sflag:$0x1] =	stream.linear.gather [spmem:s28], $0x80, $0x38;
	[tilespmem:$0x16588] =	vst v63  }
0x10b: {  	s30 =	sadd.s32 $0x400, s23;
	s31 =	rddreg [dreg:$0x10]  }
0x10c: {  	[tilespmem:s29], [sflag:$0x1] =	stream.linear.gather [spmem:s30], $0x80, $0x38;
	[tilespmem:$0x16588] =	vst v63  }
0x10d: {  	s26 =	rddreg [dreg:$0x11];
	s24 =	spop (v2sf)  }
0x10e: {  	[tilespmem:s31], [sflag:$0x1] =	stream.linear.gather [spmem:s24], $0x80, $0x38;
	[tilespmem:$0x16588] =	vst v63  }
0x10f: {  	s28 =	sadd.s32 $0x80, s24;
	s29 =	rddreg [dreg:$0x12]  }
0x110: {  	(v2sf) =	vpush v0, $0x2;
	[tilespmem:s26], [sflag:$0x1] =	stream.linear.gather [spmem:s28], $0x80, $0x38;
	[tilespmem:$0x16588] =	vst v63  }
0x111: {  	s30 =	sadd.s32 $0x100, s24;
	s31 =	rddreg [dreg:$0x13]  }
0x112: {  	[tilespmem:s29], [sflag:$0x1] =	stream.linear.gather [spmem:s30], $0x80, $0x38;
	[tilespmem:$0x16588] =	vst v63  }
0x113: {  	s25 =	sadd.s32 $0x180, s24;
	s26 =	rddreg [dreg:$0x14]  }
0x114: {  	[tilespmem:s31], [sflag:$0x1] =	stream.linear.gather [spmem:s25], $0x80, $0x38;
	[tilespmem:$0x16588] =	vst v63  }
0x115: {  	s28 =	sadd.s32 $0x200, s24;
	s29 =	rddreg [dreg:$0x15]  }
0x116: {  	[tilespmem:s26], [sflag:$0x1] =	stream.linear.gather [spmem:s28], $0x80, $0x38;
	[tilespmem:$0x16588] =	vst v63  }
0x117: {  	s30 =	sadd.s32 $0x280, s24;
	s31 =	rddreg [dreg:$0x16]  }
0x118: {  	[tilespmem:s29], [sflag:$0x1] =	stream.linear.gather [spmem:s30], $0x80, $0x38;
	[tilespmem:$0x16588] =	vst v63  }
0x119: {  	s23 =	sadd.s32 $0x300, s24;
	s26 =	rddreg [dreg:$0x17]  }
0x11a: {  	[tilespmem:s31], [sflag:$0x1] =	stream.linear.gather [spmem:s23], $0x80, $0x38;
	[tilespmem:$0x16588] =	vst v63  }
0x11b: {  	s28 =	sadd.s32 $0x380, s24;
	s29 =	rddreg [dreg:$0x18]  }
0x11c: {  	[tilespmem:s26], [sflag:$0x1] =	stream.linear.gather [spmem:s28], $0x80, $0x38;
	[tilespmem:$0x16588] =	vst v63  }
0x11d: {  	s30 =	sadd.s32 $0x400, s24;
	s31 =	rddreg [dreg:$0x19]  }
0x11e: {  	[tilespmem:s29], [sflag:$0x1] =	stream.linear.gather [spmem:s30], $0x80, $0x38;
	[tilespmem:$0x16588] =	vst v63  }
0x11f: {  	s24 =	spop (v2sf);
	s26 =	rddreg [dreg:$0x1a]  }
0x120: {  	[tilespmem:s31], [sflag:$0x1] =	stream.linear.gather [spmem:s24], $0x80, $0x38;
	[tilespmem:$0x16588] =	vst v63  }
0x121: {  	s28 =	sadd.s32 $0x80, s24;
	s29 =	rddreg [dreg:$0x1b]  }
0x122: {  	(v2sf) =	vpush v0, $0x3;
	[tilespmem:s26], [sflag:$0x1] =	stream.linear.gather [spmem:s28], $0x80, $0x38;
	[tilespmem:$0x16588] =	vst v63  }
0x123: {  	s30 =	sadd.s32 $0x100, s24;
	s31 =	rddreg [dreg:$0x1c]  }
0x124: {  	[tilespmem:s29], [sflag:$0x1] =	stream.linear.gather [spmem:s30], $0x80, $0x38;
	[tilespmem:$0x16588] =	vst v63  }
0x125: {  	s25 =	sadd.s32 $0x180, s24;
	s26 =	rddreg [dreg:$0x1d]  }
0x126: {  	[tilespmem:s31], [sflag:$0x1] =	stream.linear.gather [spmem:s25], $0x80, $0x38;
	[tilespmem:$0x16588] =	vst v63  }
0x127: {  	s28 =	sadd.s32 $0x200, s24;
	s29 =	rddreg [dreg:$0x1e]  }
0x128: {  	[tilespmem:s26], [sflag:$0x1] =	stream.linear.gather [spmem:s28], $0x80, $0x38;
	[tilespmem:$0x16588] =	vst v63  }
0x129: {  	s30 =	sadd.s32 $0x280, s24;
	s31 =	rddreg [dreg:$0x1f]  }
0x12a: {  	[tilespmem:s29], [sflag:$0x1] =	stream.linear.gather [spmem:s30], $0x80, $0x38;
	[tilespmem:$0x16588] =	vst v63  }
0x12b: {  	s23 =	sadd.s32 $0x300, s24;
	s26 =	sld [smem:$0x788]  }
0x12c: {  	[tilespmem:s31], [sflag:$0x1] =	stream.linear.gather [spmem:s23], $0x80, $0x38;
	[tilespmem:$0x16588] =	vst v63  }
0x12d: {  	s28 =	sadd.s32 $0x380, s24;
	s29 =	sld [smem:$0x789]  }
0x12e: {  	[tilespmem:s26], [sflag:$0x1] =	stream.linear.gather [spmem:s28], $0x80, $0x38;
	[tilespmem:$0x16588] =	vst v63  }
0x12f: {  	s30 =	sadd.s32 $0x400, s24;
	s31 =	sld [smem:$0x78A]  }
0x130: {  	[tilespmem:s29], [sflag:$0x1] =	stream.linear.gather [spmem:s30], $0x80, $0x38;
	[tilespmem:$0x16588] =	vst v63  }
0x131: {  	s24 =	spop (v2sf);
	s26 =	sld [smem:$0x78B]  }
0x132: {  	[tilespmem:s31], [sflag:$0x1] =	stream.linear.gather [spmem:s24], $0x80, $0x38;
	[tilespmem:$0x16588] =	vst v63  }
0x133: {  	s28 =	sadd.s32 $0x80, s24;
	s29 =	sld [smem:$0x78C]  }
0x134: {  	(v2sf) =	vpush v0, $0x4;
	[tilespmem:s26], [sflag:$0x1] =	stream.linear.gather [spmem:s28], $0x80, $0x38;
	[tilespmem:$0x16588] =	vst v63  }
0x135: {  	s30 =	sadd.s32 $0x100, s24;
	s31 =	sld [smem:$0x78D]  }
0x136: {  	[tilespmem:s29], [sflag:$0x1] =	stream.linear.gather [spmem:s30], $0x80, $0x38;
	[tilespmem:$0x16588] =	vst v63  }
0x137: {  	s25 =	sadd.s32 $0x180, s24;
	s26 =	sld [smem:$0x78E]  }
0x138: {  	[tilespmem:s31], [sflag:$0x1] =	stream.linear.gather [spmem:s25], $0x80, $0x38;
	[tilespmem:$0x16588] =	vst v63  }
0x139: {  	s28 =	sadd.s32 $0x200, s24;
	s29 =	sld [smem:$0x78F]  }
0x13a: {  	[tilespmem:s26], [sflag:$0x1] =	stream.linear.gather [spmem:s28], $0x80, $0x38;
	[tilespmem:$0x16588] =	vst v63  }
0x13b: {  	s30 =	sadd.s32 $0x280, s24;
	s31 =	sld [smem:$0x790]  }
0x13c: {  	[tilespmem:s29], [sflag:$0x1] =	stream.linear.gather [spmem:s30], $0x80, $0x38;
	[tilespmem:$0x16588] =	vst v63  }
0x13d: {  	s23 =	sadd.s32 $0x300, s24;
	s26 =	sld [smem:$0x791]  }
0x13e: {  	[tilespmem:s31], [sflag:$0x1] =	stream.linear.gather [spmem:s23], $0x80, $0x38;
	[tilespmem:$0x16588] =	vst v63  }
0x13f: {  	s28 =	sadd.s32 $0x380, s24;
	s29 =	sld [smem:$0x792]  }
0x140: {  	[tilespmem:s26], [sflag:$0x1] =	stream.linear.gather [spmem:s28], $0x80, $0x38;
	[tilespmem:$0x16588] =	vst v63  }
0x141: {  	s30 =	sadd.s32 $0x400, s24;
	s31 =	sld [smem:$0x793]  }
0x142: {  	[tilespmem:s29], [sflag:$0x1] =	stream.linear.gather [spmem:s30], $0x80, $0x38;
	[tilespmem:$0x16588] =	vst v63  }
0x143: {  	s24 =	spop (v2sf);
	s26 =	sld [smem:$0x794]  }
0x144: {  	[tilespmem:s31], [sflag:$0x1] =	stream.linear.gather [spmem:s24], $0x80, $0x38;
	[tilespmem:$0x16588] =	vst v63  }
0x145: {  	s28 =	sadd.s32 $0x80, s24;
	s29 =	sld [smem:$0x795]  }
0x146: {  	(v2sf) =	vpush v0, $0x5;
	[tilespmem:s26], [sflag:$0x1] =	stream.linear.gather [spmem:s28], $0x80, $0x38;
	[tilespmem:$0x16588] =	vst v63  }
0x147: {  	s30 =	sadd.s32 $0x100, s24;
	s31 =	sld [smem:$0x796]  }
0x148: {  	[tilespmem:s29], [sflag:$0x1] =	stream.linear.gather [spmem:s30], $0x80, $0x38;
	[tilespmem:$0x16588] =	vst v63  }
0x149: {  	s25 =	sadd.s32 $0x180, s24;
	s26 =	sld [smem:$0x797]  }
0x14a: {  	[tilespmem:s31], [sflag:$0x1] =	stream.linear.gather [spmem:s25], $0x80, $0x38;
	[tilespmem:$0x16588] =	vst v63  }
0x14b: {  	s28 =	sadd.s32 $0x200, s24;
	s29 =	sld [smem:$0x798]  }
0x14c: {  	[tilespmem:s26], [sflag:$0x1] =	stream.linear.gather [spmem:s28], $0x80, $0x38;
	[tilespmem:$0x16588] =	vst v63  }
0x14d: {  	s30 =	sadd.s32 $0x280, s24;
	s31 =	sld [smem:$0x799]  }
0x14e: {  	[tilespmem:s29], [sflag:$0x1] =	stream.linear.gather [spmem:s30], $0x80, $0x38;
	[tilespmem:$0x16588] =	vst v63  }
0x14f: {  	s23 =	sadd.s32 $0x300, s24;
	s26 =	sld [smem:$0x79A]  }
0x150: {  	[tilespmem:s31], [sflag:$0x1] =	stream.linear.gather [spmem:s23], $0x80, $0x38;
	[tilespmem:$0x16588] =	vst v63  }
0x151: {  	s28 =	sadd.s32 $0x380, s24;
	s29 =	sld [smem:$0x79B]  }
0x152: {  	[tilespmem:s26], [sflag:$0x1] =	stream.linear.gather [spmem:s28], $0x80, $0x38;
	[tilespmem:$0x16588] =	vst v63  }
0x153: {  	s30 =	sadd.s32 $0x400, s24;
	s31 =	sld [smem:$0x79C]  }
0x154: {  	[tilespmem:s29], [sflag:$0x1] =	stream.linear.gather [spmem:s30], $0x80, $0x38;
	[tilespmem:$0x16588] =	vst v63  }
0x155: {  	s24 =	spop (v2sf);
	s26 =	sld [smem:$0x79D]  }
0x156: {  	[tilespmem:s31], [sflag:$0x1] =	stream.linear.gather [spmem:s24], $0x80, $0x38;
	[tilespmem:$0x16588] =	vst v63  }
0x157: {  	s28 =	sadd.s32 $0x80, s24;
	s29 =	sld [smem:$0x79E]  }
0x158: {  	(v2sf) =	vpush v0, $0x6;
	[tilespmem:s26], [sflag:$0x1] =	stream.linear.gather [spmem:s28], $0x80, $0x38;
	[tilespmem:$0x16588] =	vst v63  }
0x159: {  	s30 =	sadd.s32 $0x100, s24;
	s31 =	sld [smem:$0x79F]  }
0x15a: {  	[tilespmem:s29], [sflag:$0x1] =	stream.linear.gather [spmem:s30], $0x80, $0x38;
	[tilespmem:$0x16588] =	vst v63  }
0x15b: {  	s25 =	sadd.s32 $0x180, s24;
	s26 =	sld [smem:$0x7A0]  }
0x15c: {  	[tilespmem:s31], [sflag:$0x1] =	stream.linear.gather [spmem:s25], $0x80, $0x38;
	[tilespmem:$0x16588] =	vst v63  }
0x15d: {  	s28 =	sadd.s32 $0x200, s24;
	s29 =	sld [smem:$0x7A1]  }
0x15e: {  	[tilespmem:s26], [sflag:$0x1] =	stream.linear.gather [spmem:s28], $0x80, $0x38;
	[tilespmem:$0x16588] =	vst v63  }
0x15f: {  	s30 =	sadd.s32 $0x280, s24;
	s31 =	sld [smem:$0x7A2]  }
0x160: {  	[tilespmem:s29], [sflag:$0x1] =	stream.linear.gather [spmem:s30], $0x80, $0x38;
	[tilespmem:$0x16588] =	vst v63  }
0x161: {  	s23 =	sadd.s32 $0x300, s24;
	s26 =	sld [smem:$0x7A3]  }
0x162: {  	[tilespmem:s31], [sflag:$0x1] =	stream.linear.gather [spmem:s23], $0x80, $0x38;
	[tilespmem:$0x16588] =	vst v63  }
0x163: {  	s28 =	sadd.s32 $0x380, s24;
	s29 =	sld [smem:$0x7A4]  }
0x164: {  	[tilespmem:s26], [sflag:$0x1] =	stream.linear.gather [spmem:s28], $0x80, $0x38;
	[tilespmem:$0x16588] =	vst v63  }
0x165: {  	s30 =	sadd.s32 $0x400, s24;
	s31 =	sld [smem:$0x7A5]  }
0x166: {  	[tilespmem:s29], [sflag:$0x1] =	stream.linear.gather [spmem:s30], $0x80, $0x38;
	[tilespmem:$0x16588] =	vst v63  }
0x167: {  	s24 =	spop (v2sf);
	s26 =	sld [smem:$0x7A6]  }
0x168: {  	[tilespmem:s31], [sflag:$0x1] =	stream.linear.gather [spmem:s24], $0x80, $0x38;
	[tilespmem:$0x16588] =	vst v63  }
0x169: {  	s28 =	sadd.s32 $0x80, s24;
	s29 =	sld [smem:$0x7A7]  }
0x16a: {  	(v2sf) =	vpush v0, $0x7;
	[tilespmem:s26], [sflag:$0x1] =	stream.linear.gather [spmem:s28], $0x80, $0x38;
	[tilespmem:$0x16588] =	vst v63  }
0x16b: {  	s30 =	sadd.s32 $0x100, s24;
	s31 =	sld [smem:$0x7A8]  }
0x16c: {  	[tilespmem:s29], [sflag:$0x1] =	stream.linear.gather [spmem:s30], $0x80, $0x38;
	[tilespmem:$0x16588] =	vst v63  }
0x16d: {  	s25 =	sadd.s32 $0x180, s24;
	s26 =	sld [smem:$0x7A9]  }
0x16e: {  	[tilespmem:s31], [sflag:$0x1] =	stream.linear.gather [spmem:s25], $0x80, $0x38;
	[tilespmem:$0x16588] =	vst v63  }
0x16f: {  	s28 =	sadd.s32 $0x200, s24;
	s29 =	sld [smem:$0x7AA]  }
0x170: {  	[tilespmem:s26], [sflag:$0x1] =	stream.linear.gather [spmem:s28], $0x80, $0x38;
	[tilespmem:$0x16588] =	vst v63  }
0x171: {  	s30 =	sadd.s32 $0x280, s24;
	s31 =	sld [smem:$0x7AB]  }
0x172: {  	[tilespmem:s29], [sflag:$0x1] =	stream.linear.gather [spmem:s30], $0x80, $0x38;
	[tilespmem:$0x16588] =	vst v63  }
0x173: {  	s23 =	sadd.s32 $0x300, s24;
	s26 =	sld [smem:$0x7AC]  }
0x174: {  	[tilespmem:s31], [sflag:$0x1] =	stream.linear.gather [spmem:s23], $0x80, $0x38;
	[tilespmem:$0x16588] =	vst v63  }
0x175: {  	s28 =	sadd.s32 $0x380, s24;
	s29 =	sld [smem:$0x7AD]  }
0x176: {  	[tilespmem:s26], [sflag:$0x1] =	stream.linear.gather [spmem:s28], $0x80, $0x38;
	[tilespmem:$0x16588] =	vst v63  }
0x177: {  	s30 =	sadd.s32 $0x400, s24;
	s31 =	sld [smem:$0x7AE]  }
0x178: {  	[tilespmem:s29], [sflag:$0x1] =	stream.linear.gather [spmem:s30], $0x80, $0x38;
	[tilespmem:$0x16588] =	vst v63  }
0x179: {  	s24 =	spop (v2sf);
	s26 =	sld [smem:$0x7AF]  }
0x17a: {  	[tilespmem:s31], [sflag:$0x1] =	stream.linear.gather [spmem:s24], $0x80, $0x38;
	[tilespmem:$0x16588] =	vst v63  }
0x17b: {  	s28 =	sadd.s32 $0x80, s24;
	s29 =	sld [smem:$0x7B0]  }
0x17c: {  	[tilespmem:s26], [sflag:$0x1] =	stream.linear.gather [spmem:s28], $0x80, $0x38;
	[tilespmem:$0x16588] =	vst v63  }
0x17d: {  	s30 =	sadd.s32 $0x100, s24;
	s31 =	sld [smem:$0x7B1]  }
0x17e: {  	[tilespmem:s29], [sflag:$0x1] =	stream.linear.gather [spmem:s30], $0x80, $0x38;
	[tilespmem:$0x16588] =	vst v63  }
0x17f: {  	s25 =	sadd.s32 $0x180, s24;
	s26 =	sld [smem:$0x7B2]  }
0x180: {  	[tilespmem:s31], [sflag:$0x1] =	stream.linear.gather [spmem:s25], $0x80, $0x38;
	[tilespmem:$0x16588] =	vst v63  }
0x181: {  	s28 =	sadd.s32 $0x200, s24;
	s29 =	sld [smem:$0x7B3]  }
0x182: {  	[tilespmem:s26], [sflag:$0x1] =	stream.linear.gather [spmem:s28], $0x80, $0x38;
	[tilespmem:$0x16588] =	vst v63  }
0x183: {  	s30 =	sadd.s32 $0x280, s24;
	s31 =	sld [smem:$0x7B4]  }
0x184: {  	[tilespmem:s29], [sflag:$0x1] =	stream.linear.gather [spmem:s30], $0x80, $0x38;
	[tilespmem:$0x16588] =	vst v63  }
0x185: {  	s26 =	sadd.s32 $0x300, s24;
	s28 =	sld [smem:$0x7B5]  }
0x186: {  	[tilespmem:s31], [sflag:$0x1] =	stream.linear.gather [spmem:s26], $0x80, $0x38;
	[tilespmem:$0x16588] =	vst v63  }
0x187: {  	s29 =	sadd.s32 $0x380, s24;
	s30 =	sld [smem:$0x7B6]  }
0x188: {  	[tilespmem:s28], [sflag:$0x1] =	stream.linear.gather [spmem:s29], $0x80, $0x38;
	[tilespmem:$0x16588] =	vst v63  }
0x189: {  	s31 =	sadd.s32 $0x400, s24  }
0x18a: {  	[tilespmem:s30], [sflag:$0x1] =	stream.linear.gather [spmem:s31], $0x80, $0x38;
	[tilespmem:$0x16588] =	vst v63  }
0x18b: {  	_ =	swait.ge [sflag:s16], $0x2400  }
0x18c: {  	s23 =	rddreg [dreg:$0x7];
	[sflag:s16] =	ssyncset.done $0x0  }
0x18d: {  	[sflag:s16] =	ssyncadd.s32 $0xFFFFDC00;
	s22 =	sadd.s32 $0x0, s23  }
0x18e: {  	[hbm4b:s22+s3] =	stream.linear.scatter [tilespmem:s15], [sflag:$0x2], $0x2400, $0x38;
	[tilespmem:$0x16588] =	vst v63  }
0x18f: {  	_ =	swait.ge @!p1 [sflag:s20], $0x2400  }
0x190: {  	[sflag:s20] =	ssyncset.done @!p1 $0x0  }
0x191: {  	[sflag:s20] =	ssyncadd.s32 @!p1 $0xFFFFDC00  }
0x192: {  	v63 =	vld.msk [tilespmem:s21+$0x0], $0xff;
	_ =	sdelay $0x4  }
0x193: {  	v0 =	vmul.u32 $0x1200, v63;
	_ =	sdelay $0x1  }
0x194: {  	v0 =	vshra.s32 v0, $0x2  }
0x195: {  	v0 =	vadd.s32 s2, v0  }
0x196: {  	(v2sf) =	vpush v0, $0x0;
	_ =	sdelay $0xe  }
0x197: {  	s24 =	sld [smem:$0x7B7];
	s21 =	spop (v2sf)  }
0x198: {  	[tilespmem:s17], [sflag:$0x1] =	stream.linear.gather [spmem:s21], $0x80, $0x38;
	[tilespmem:$0x16588] =	vst v63  }
0x199: {  	s26 =	sld [smem:$0x7B8];
	s25 =	sadd.s32 $0x80, s21  }
0x19a: {  	(v2sf) =	vpush v0, $0x1;
	[tilespmem:s24], [sflag:$0x1] =	stream.linear.gather [spmem:s25], $0x80, $0x38;
	[tilespmem:$0x16588] =	vst v63  }
0x19b: {  	s29 =	sld [smem:$0x7B9];
	s28 =	sadd.s32 $0x100, s21  }
0x19c: {  	[tilespmem:s26], [sflag:$0x1] =	stream.linear.gather [spmem:s28], $0x80, $0x38;
	[tilespmem:$0x16588] =	vst v63  }
0x19d: {  	s31 =	sld [smem:$0x7BA];
	s30 =	sadd.s32 $0x180, s21  }
0x19e: {  	[tilespmem:s29], [sflag:$0x1] =	stream.linear.gather [spmem:s30], $0x80, $0x38;
	[tilespmem:$0x16588] =	vst v63  }
0x19f: {  	s22 =	sadd.s32 $0x200, s21;
	s24 =	sld [smem:$0x7BB]  }
0x1a0: {  	[tilespmem:s31], [sflag:$0x1] =	stream.linear.gather [spmem:s22], $0x80, $0x38;
	[tilespmem:$0x16588] =	vst v63  }
0x1a1: {  	s25 =	sadd.s32 $0x280, s21;
	s26 =	sld [smem:$0x7BC]  }
0x1a2: {  	[tilespmem:s24], [sflag:$0x1] =	stream.linear.gather [spmem:s25], $0x80, $0x38;
	[tilespmem:$0x16588] =	vst v63  }
0x1a3: {  	s28 =	sadd.s32 $0x300, s21;
	s29 =	sld [smem:$0x7BD]  }
0x1a4: {  	[tilespmem:s26], [sflag:$0x1] =	stream.linear.gather [spmem:s28], $0x80, $0x38;
	[tilespmem:$0x16588] =	vst v63  }
0x1a5: {  	s30 =	sadd.s32 $0x380, s21;
	s31 =	sld [smem:$0x7BE]  }
0x1a6: {  	[tilespmem:s29], [sflag:$0x1] =	stream.linear.gather [spmem:s30], $0x80, $0x38;
	[tilespmem:$0x16588] =	vst v63  }
0x1a7: {  	s24 =	sadd.s32 $0x400, s21;
	s25 =	sld [smem:$0x7BF]  }
0x1a8: {  	[tilespmem:s31], [sflag:$0x1] =	stream.linear.gather [spmem:s24], $0x80, $0x38;
	[tilespmem:$0x16588] =	vst v63  }
0x1a9: {  	s26 =	sld [smem:$0x7C0];
	s22 =	spop (v2sf)  }
0x1aa: {  	[tilespmem:s25], [sflag:$0x1] =	stream.linear.gather [spmem:s22], $0x80, $0x38;
	[tilespmem:$0x16588] =	vst v63  }
0x1ab: {  	s29 =	sld [smem:$0x7C1];
	s28 =	sadd.s32 $0x80, s22  }
0x1ac: {  	(v2sf) =	vpush v0, $0x2;
	[tilespmem:s26], [sflag:$0x1] =	stream.linear.gather [spmem:s28], $0x80, $0x38;
	[tilespmem:$0x16588] =	vst v63  }
0x1ad: {  	s30 =	sadd.s32 $0x100, s22;
	s31 =	sld [smem:$0x7C2]  }
0x1ae: {  	[tilespmem:s29], [sflag:$0x1] =	stream.linear.gather [spmem:s30], $0x80, $0x38;
	[tilespmem:$0x16588] =	vst v63  }
0x1af: {  	s23 =	sadd.s32 $0x180, s22;
	s24 =	sld [smem:$0x7C3]  }
0x1b0: {  	[tilespmem:s31], [sflag:$0x1] =	stream.linear.gather [spmem:s23], $0x80, $0x38;
	[tilespmem:$0x16588] =	vst v63  }
0x1b1: {  	s25 =	sadd.s32 $0x200, s22;
	s26 =	sld [smem:$0x7C4]  }
0x1b2: {  	[tilespmem:s24], [sflag:$0x1] =	stream.linear.gather [spmem:s25], $0x80, $0x38;
	[tilespmem:$0x16588] =	vst v63  }
0x1b3: {  	s28 =	sadd.s32 $0x280, s22;
	s29 =	sld [smem:$0x7C5]  }
0x1b4: {  	[tilespmem:s26], [sflag:$0x1] =	stream.linear.gather [spmem:s28], $0x80, $0x38;
	[tilespmem:$0x16588] =	vst v63  }
0x1b5: {  	s30 =	sadd.s32 $0x300, s22;
	s31 =	sld [smem:$0x7C6]  }
0x1b6: {  	[tilespmem:s29], [sflag:$0x1] =	stream.linear.gather [spmem:s30], $0x80, $0x38;
	[tilespmem:$0x16588] =	vst v63  }
0x1b7: {  	s24 =	sadd.s32 $0x380, s22;
	s25 =	sld [smem:$0x7C7]  }
0x1b8: {  	[tilespmem:s31], [sflag:$0x1] =	stream.linear.gather [spmem:s24], $0x80, $0x38;
	[tilespmem:$0x16588] =	vst v63  }
0x1b9: {  	s26 =	sadd.s32 $0x400, s22;
	s28 =	sld [smem:$0x7C8]  }
0x1ba: {  	[tilespmem:s25], [sflag:$0x1] =	stream.linear.gather [spmem:s26], $0x80, $0x38;
	[tilespmem:$0x16588] =	vst v63  }
0x1bb: {  	s22 =	spop (v2sf);
	s29 =	sld [smem:$0x7C9]  }
0x1bc: {  	[tilespmem:s28], [sflag:$0x1] =	stream.linear.gather [spmem:s22], $0x80, $0x38;
	[tilespmem:$0x16588] =	vst v63  }
0x1bd: {  	s30 =	sadd.s32 $0x80, s22;
	s31 =	sld [smem:$0x7CA]  }
0x1be: {  	(v2sf) =	vpush v0, $0x3;
	[tilespmem:s29], [sflag:$0x1] =	stream.linear.gather [spmem:s30], $0x80, $0x38;
	[tilespmem:$0x16588] =	vst v63  }
0x1bf: {  	s21 =	sadd.s32 $0x100, s22;
	s24 =	sld [smem:$0x7CB]  }
0x1c0: {  	[tilespmem:s31], [sflag:$0x1] =	stream.linear.gather [spmem:s21], $0x80, $0x38;
	[tilespmem:$0x16588] =	vst v63  }
0x1c1: {  	s25 =	sadd.s32 $0x180, s22;
	s26 =	sld [smem:$0x7CC]  }
0x1c2: {  	[tilespmem:s24], [sflag:$0x1] =	stream.linear.gather [spmem:s25], $0x80, $0x38;
	[tilespmem:$0x16588] =	vst v63  }
0x1c3: {  	s28 =	sadd.s32 $0x200, s22;
	s29 =	sld [smem:$0x7CD]  }
0x1c4: {  	[tilespmem:s26], [sflag:$0x1] =	stream.linear.gather [spmem:s28], $0x80, $0x38;
	[tilespmem:$0x16588] =	vst v63  }
0x1c5: {  	s30 =	sadd.s32 $0x280, s22;
	s31 =	sld [smem:$0x7CE]  }
0x1c6: {  	[tilespmem:s29], [sflag:$0x1] =	stream.linear.gather [spmem:s30], $0x80, $0x38;
	[tilespmem:$0x16588] =	vst v63  }
0x1c7: {  	s24 =	sadd.s32 $0x300, s22;
	s25 =	sld [smem:$0x7CF]  }
0x1c8: {  	[tilespmem:s31], [sflag:$0x1] =	stream.linear.gather [spmem:s24], $0x80, $0x38;
	[tilespmem:$0x16588] =	vst v63  }
0x1c9: {  	s26 =	sadd.s32 $0x380, s22;
	s28 =	sld [smem:$0x7D0]  }
0x1ca: {  	[tilespmem:s25], [sflag:$0x1] =	stream.linear.gather [spmem:s26], $0x80, $0x38;
	[tilespmem:$0x16588] =	vst v63  }
0x1cb: {  	s29 =	sadd.s32 $0x400, s22;
	s30 =	sld [smem:$0x7D1]  }
0x1cc: {  	[tilespmem:s28], [sflag:$0x1] =	stream.linear.gather [spmem:s29], $0x80, $0x38;
	[tilespmem:$0x16588] =	vst v63  }
0x1cd: {  	s22 =	spop (v2sf);
	s31 =	sld [smem:$0x7D2]  }
0x1ce: {  	[tilespmem:s30], [sflag:$0x1] =	stream.linear.gather [spmem:s22], $0x80, $0x38;
	[tilespmem:$0x16588] =	vst v63  }
0x1cf: {  	s23 =	sadd.s32 $0x80, s22;
	s24 =	sld [smem:$0x7D3]  }
0x1d0: {  	(v2sf) =	vpush v0, $0x4;
	[tilespmem:s31], [sflag:$0x1] =	stream.linear.gather [spmem:s23], $0x80, $0x38;
	[tilespmem:$0x16588] =	vst v63  }
0x1d1: {  	s25 =	sadd.s32 $0x100, s22;
	s26 =	sld [smem:$0x7D4]  }
0x1d2: {  	[tilespmem:s24], [sflag:$0x1] =	stream.linear.gather [spmem:s25], $0x80, $0x38;
	[tilespmem:$0x16588] =	vst v63  }
0x1d3: {  	s28 =	sadd.s32 $0x180, s22;
	s29 =	sld [smem:$0x7D5]  }
0x1d4: {  	[tilespmem:s26], [sflag:$0x1] =	stream.linear.gather [spmem:s28], $0x80, $0x38;
	[tilespmem:$0x16588] =	vst v63  }
0x1d5: {  	s30 =	sadd.s32 $0x200, s22;
	s31 =	sld [smem:$0x7D6]  }
0x1d6: {  	[tilespmem:s29], [sflag:$0x1] =	stream.linear.gather [spmem:s30], $0x80, $0x38;
	[tilespmem:$0x16588] =	vst v63  }
0x1d7: {  	s23 =	sadd.s32 $0x280, s22;
	s24 =	sld [smem:$0x7D7]  }
0x1d8: {  	[tilespmem:s31], [sflag:$0x1] =	stream.linear.gather [spmem:s23], $0x80, $0x38;
	[tilespmem:$0x16588] =	vst v63  }
0x1d9: {  	s25 =	sadd.s32 $0x300, s22;
	s26 =	sld [smem:$0x7D8]  }
0x1da: {  	[tilespmem:s24], [sflag:$0x1] =	stream.linear.gather [spmem:s25], $0x80, $0x38;
	[tilespmem:$0x16588] =	vst v63  }
0x1db: {  	s28 =	sadd.s32 $0x380, s22;
	s29 =	sld [smem:$0x7D9]  }
0x1dc: {  	[tilespmem:s26], [sflag:$0x1] =	stream.linear.gather [spmem:s28], $0x80, $0x38;
	[tilespmem:$0x16588] =	vst v63  }
0x1dd: {  	s30 =	sadd.s32 $0x400, s22;
	s31 =	sld [smem:$0x7DA]  }
0x1de: {  	[tilespmem:s29], [sflag:$0x1] =	stream.linear.gather [spmem:s30], $0x80, $0x38;
	[tilespmem:$0x16588] =	vst v63  }
0x1df: {  	s22 =	spop (v2sf);
	s24 =	sld [smem:$0x7DB]  }
0x1e0: {  	[tilespmem:s31], [sflag:$0x1] =	stream.linear.gather [spmem:s22], $0x80, $0x38;
	[tilespmem:$0x16588] =	vst v63  }
0x1e1: {  	s25 =	sadd.s32 $0x80, s22;
	s26 =	sld [smem:$0x7DC]  }
0x1e2: {  	(v2sf) =	vpush v0, $0x5;
	[tilespmem:s24], [sflag:$0x1] =	stream.linear.gather [spmem:s25], $0x80, $0x38;
	[tilespmem:$0x16588] =	vst v63  }
0x1e3: {  	s28 =	sadd.s32 $0x100, s22;
	s29 =	sld [smem:$0x7DD]  }
0x1e4: {  	[tilespmem:s26], [sflag:$0x1] =	stream.linear.gather [spmem:s28], $0x80, $0x38;
	[tilespmem:$0x16588] =	vst v63  }
0x1e5: {  	s30 =	sadd.s32 $0x180, s22;
	s31 =	sld [smem:$0x7DE]  }
0x1e6: {  	[tilespmem:s29], [sflag:$0x1] =	stream.linear.gather [spmem:s30], $0x80, $0x38;
	[tilespmem:$0x16588] =	vst v63  }
0x1e7: {  	s21 =	sadd.s32 $0x200, s22;
	s24 =	sld [smem:$0x7DF]  }
0x1e8: {  	[tilespmem:s31], [sflag:$0x1] =	stream.linear.gather [spmem:s21], $0x80, $0x38;
	[tilespmem:$0x16588] =	vst v63  }
0x1e9: {  	s25 =	sadd.s32 $0x280, s22;
	s26 =	sld [smem:$0x7E0]  }
0x1ea: {  	[tilespmem:s24], [sflag:$0x1] =	stream.linear.gather [spmem:s25], $0x80, $0x38;
	[tilespmem:$0x16588] =	vst v63  }
0x1eb: {  	s28 =	sadd.s32 $0x300, s22;
	s29 =	sld [smem:$0x7E1]  }
0x1ec: {  	[tilespmem:s26], [sflag:$0x1] =	stream.linear.gather [spmem:s28], $0x80, $0x38;
	[tilespmem:$0x16588] =	vst v63  }
0x1ed: {  	s30 =	sadd.s32 $0x380, s22;
	s31 =	sld [smem:$0x7E2]  }
0x1ee: {  	[tilespmem:s29], [sflag:$0x1] =	stream.linear.gather [spmem:s30], $0x80, $0x38;
	[tilespmem:$0x16588] =	vst v63  }
0x1ef: {  	s24 =	sadd.s32 $0x400, s22;
	s25 =	sld [smem:$0x7E3]  }
0x1f0: {  	[tilespmem:s31], [sflag:$0x1] =	stream.linear.gather [spmem:s24], $0x80, $0x38;
	[tilespmem:$0x16588] =	vst v63  }
0x1f1: {  	s22 =	spop (v2sf);
	s26 =	sld [smem:$0x7E4]  }
0x1f2: {  	[tilespmem:s25], [sflag:$0x1] =	stream.linear.gather [spmem:s22], $0x80, $0x38;
	[tilespmem:$0x16588] =	vst v63  }
0x1f3: {  	s28 =	sadd.s32 $0x80, s22;
	s29 =	sld [smem:$0x7E5]  }
0x1f4: {  	(v2sf) =	vpush v0, $0x6;
	[tilespmem:s26], [sflag:$0x1] =	stream.linear.gather [spmem:s28], $0x80, $0x38;
	[tilespmem:$0x16588] =	vst v63  }
0x1f5: {  	s30 =	sadd.s32 $0x100, s22;
	s31 =	sld [smem:$0x7E6]  }
0x1f6: {  	[tilespmem:s29], [sflag:$0x1] =	stream.linear.gather [spmem:s30], $0x80, $0x38;
	[tilespmem:$0x16588] =	vst v63  }
0x1f7: {  	s23 =	sadd.s32 $0x180, s22;
	s24 =	sld [smem:$0x7E7]  }
0x1f8: {  	[tilespmem:s31], [sflag:$0x1] =	stream.linear.gather [spmem:s23], $0x80, $0x38;
	[tilespmem:$0x16588] =	vst v63  }
0x1f9: {  	s25 =	sadd.s32 $0x200, s22;
	s26 =	sld [smem:$0x7E8]  }
0x1fa: {  	[tilespmem:s24], [sflag:$0x1] =	stream.linear.gather [spmem:s25], $0x80, $0x38;
	[tilespmem:$0x16588] =	vst v63  }
0x1fb: {  	s28 =	sadd.s32 $0x280, s22;
	s29 =	sld [smem:$0x7E9]  }
0x1fc: {  	[tilespmem:s26], [sflag:$0x1] =	stream.linear.gather [spmem:s28], $0x80, $0x38;
	[tilespmem:$0x16588] =	vst v63  }
0x1fd: {  	s30 =	sadd.s32 $0x300, s22;
	s31 =	sld [smem:$0x7EA]  }
0x1fe: {  	[tilespmem:s29], [sflag:$0x1] =	stream.linear.gather [spmem:s30], $0x80, $0x38;
	[tilespmem:$0x16588] =	vst v63  }
0x1ff: {  	s24 =	sadd.s32 $0x380, s22;
	s25 =	sld [smem:$0x7EB]  }
0x200: {  	[tilespmem:s31], [sflag:$0x1] =	stream.linear.gather [spmem:s24], $0x80, $0x38;
	[tilespmem:$0x16588] =	vst v63  }
0x201: {  	s26 =	sadd.s32 $0x400, s22;
	s28 =	sld [smem:$0x7EC]  }
0x202: {  	[tilespmem:s25], [sflag:$0x1] =	stream.linear.gather [spmem:s26], $0x80, $0x38;
	[tilespmem:$0x16588] =	vst v63  }
0x203: {  	s22 =	spop (v2sf);
	s29 =	sld [smem:$0x7ED]  }
0x204: {  	[tilespmem:s28], [sflag:$0x1] =	stream.linear.gather [spmem:s22], $0x80, $0x38;
	[tilespmem:$0x16588] =	vst v63  }
0x205: {  	s30 =	sadd.s32 $0x80, s22;
	s31 =	sld [smem:$0x7EE]  }
0x206: {  	(v2sf) =	vpush v0, $0x7;
	[tilespmem:s29], [sflag:$0x1] =	stream.linear.gather [spmem:s30], $0x80, $0x38;
	[tilespmem:$0x16588] =	vst v63  }
0x207: {  	s21 =	sadd.s32 $0x100, s22;
	s24 =	sld [smem:$0x7EF]  }
0x208: {  	[tilespmem:s31], [sflag:$0x1] =	stream.linear.gather [spmem:s21], $0x80, $0x38;
	[tilespmem:$0x16588] =	vst v63  }
0x209: {  	s25 =	sadd.s32 $0x180, s22;
	s26 =	sld [smem:$0x7F0]  }
0x20a: {  	[tilespmem:s24], [sflag:$0x1] =	stream.linear.gather [spmem:s25], $0x80, $0x38;
	[tilespmem:$0x16588] =	vst v63  }
0x20b: {  	s28 =	sadd.s32 $0x200, s22;
	s29 =	sld [smem:$0x7F1]  }
0x20c: {  	[tilespmem:s26], [sflag:$0x1] =	stream.linear.gather [spmem:s28], $0x80, $0x38;
	[tilespmem:$0x16588] =	vst v63  }
0x20d: {  	s30 =	sadd.s32 $0x280, s22;
	s31 =	sld [smem:$0x7F2]  }
0x20e: {  	[tilespmem:s29], [sflag:$0x1] =	stream.linear.gather [spmem:s30], $0x80, $0x38;
	[tilespmem:$0x16588] =	vst v63  }
0x20f: {  	s24 =	sadd.s32 $0x300, s22;
	s25 =	sld [smem:$0x7F3]  }
0x210: {  	[tilespmem:s31], [sflag:$0x1] =	stream.linear.gather [spmem:s24], $0x80, $0x38;
	[tilespmem:$0x16588] =	vst v63  }
0x211: {  	s26 =	sadd.s32 $0x380, s22;
	s28 =	sld [smem:$0x7F4]  }
0x212: {  	[tilespmem:s25], [sflag:$0x1] =	stream.linear.gather [spmem:s26], $0x80, $0x38;
	[tilespmem:$0x16588] =	vst v63  }
0x213: {  	s29 =	sadd.s32 $0x400, s22;
	s30 =	sld [smem:$0x7F5]  }
0x214: {  	[tilespmem:s28], [sflag:$0x1] =	stream.linear.gather [spmem:s29], $0x80, $0x38;
	[tilespmem:$0x16588] =	vst v63  }
0x215: {  	s22 =	spop (v2sf);
	s31 =	sld [smem:$0x7F6]  }
0x216: {  	[tilespmem:s30], [sflag:$0x1] =	stream.linear.gather [spmem:s22], $0x80, $0x38;
	[tilespmem:$0x16588] =	vst v63  }
0x217: {  	s23 =	sadd.s32 $0x80, s22;
	s24 =	sld [smem:$0x7F7]  }
0x218: {  	[tilespmem:s31], [sflag:$0x1] =	stream.linear.gather [spmem:s23], $0x80, $0x38;
	[tilespmem:$0x16588] =	vst v63  }
0x219: {  	s25 =	sadd.s32 $0x100, s22;
	s26 =	sld [smem:$0x7F8]  }
0x21a: {  	[tilespmem:s24], [sflag:$0x1] =	stream.linear.gather [spmem:s25], $0x80, $0x38;
	[tilespmem:$0x16588] =	vst v63  }
0x21b: {  	s28 =	sadd.s32 $0x180, s22;
	s29 =	sld [smem:$0x7F9]  }
0x21c: {  	[tilespmem:s26], [sflag:$0x1] =	stream.linear.gather [spmem:s28], $0x80, $0x38;
	[tilespmem:$0x16588] =	vst v63  }
0x21d: {  	s30 =	sadd.s32 $0x200, s22;
	s31 =	sld [smem:$0x7FA]  }
0x21e: {  	[tilespmem:s29], [sflag:$0x1] =	stream.linear.gather [spmem:s30], $0x80, $0x38;
	[tilespmem:$0x16588] =	vst v63  }
0x21f: {  	s23 =	sadd.s32 $0x280, s22;
	s24 =	sld [smem:$0x7FB]  }
0x220: {  	[tilespmem:s31], [sflag:$0x1] =	stream.linear.gather [spmem:s23], $0x80, $0x38;
	[tilespmem:$0x16588] =	vst v63  }
0x221: {  	s25 =	sadd.s32 $0x300, s22;
	s26 =	sld [smem:$0x7FC]  }
0x222: {  	[tilespmem:s24], [sflag:$0x1] =	stream.linear.gather [spmem:s25], $0x80, $0x38;
	[tilespmem:$0x16588] =	vst v63  }
0x223: {  	s28 =	sadd.s32 $0x380, s22;
	s29 =	sld [smem:$0x7FD]  }
0x224: {  	[tilespmem:s26], [sflag:$0x1] =	stream.linear.gather [spmem:s28], $0x80, $0x38;
	[tilespmem:$0x16588] =	vst v63  }
0x225: {  	p6 =	por $0x0, $0x0;
	s30 =	sadd.s32 $0x400, s22  }
0x226: {  	[tilespmem:s29], [sflag:$0x1] =	stream.linear.gather [spmem:s30], $0x80, $0x38;
	[tilespmem:$0x16588] =	vst v63  }
0x227: {  	s20 =	simm.s32 $0x900;
	p1 =	por p6, p6;
	_ =	swait.ge [sflag:s16], $0x2400  }
0x228: {  	s21 =	simm.s32 $0x161A0;
	s31 =	rddreg [dreg:$0x6];
	[sflag:s16] =	ssyncset.done $0x0  }
0x229: {  	s22 =	simm.s32 $0x1200;
	[sflag:s16] =	ssyncadd.s32 $0xFFFFDC00;
	s24 =	sadd.s32 $0x0, s31  }
.LBB2_2:
0x22a: {  	[hbm4b:s24+s3] =	stream.linear.scatter [tilespmem:s17], [sflag:$0x2], $0x2400, $0x38;
	[tilespmem:$0x16588] =	vst v63  }
0x22b: {  	s24 =	simm.s32 @!p1 $0x2  }
0x22c: {  	_ =	swait.ge @!p1 [sflag:s24], $0x2400  }
0x22d: {  	[sflag:s24] =	ssyncset.done @!p1 $0x0  }
0x22e: {  	[sflag:s24] =	ssyncadd.s32 @!p1 $0xFFFFDC00  }
0x22f: {  	v0 =	vld.msk [tilespmem:s21+$0xFFFFFFF8], $0xff;
	_ =	sdelay $0x4  }
0x230: {  	v0 =	vmul.u32 $0x1200, v0;
	_ =	sdelay $0x1  }
0x231: {  	v0 =	vshra.s32 v0, $0x2  }
0x232: {  	v0 =	vadd.s32 s2, v0  }
0x233: {  	(v2sf) =	vpush v0, $0x0;
	_ =	sdelay $0xe  }
0x234: {  	s25 =	rddreg [dreg:$0x8];
	s26 =	spop (v2sf)  }
0x235: {  	[tilespmem:s15], [sflag:$0x1] =	stream.linear.gather [spmem:s26], $0x80, $0x38;
	[tilespmem:$0x16588] =	vst v63  }
0x236: {  	s29 =	rddreg [dreg:$0x9];
	s28 =	sadd.s32 $0x80, s26  }
0x237: {  	(v2sf) =	vpush v0, $0x1;
	[tilespmem:s25], [sflag:$0x1] =	stream.linear.gather [spmem:s28], $0x80, $0x38;
	[tilespmem:$0x16588] =	vst v63  }
0x238: {  	s31 =	sadd.s32 $0x100, s26;
	s28 =	rddreg [dreg:$0xa]  }
0x239: {  	[tilespmem:s29], [sflag:$0x1] =	stream.linear.gather [spmem:s31], $0x80, $0x38;
	[tilespmem:$0x16588] =	vst v63  }
0x23a: {  	s30 =	sadd.s32 $0x180, s26;
	s25 =	rddreg [dreg:$0x11]  }
0x23b: {  	[tilespmem:s28], [sflag:$0x1] =	stream.linear.gather [spmem:s30], $0x80, $0x38;
	[tilespmem:$0x16588] =	vst v63  }
0x23c: {  	s31 =	rddreg [dreg:$0xb];
	s30 =	sadd.s32 $0x200, s26  }
0x23d: {  	[tilespmem:s31], [sflag:$0x1] =	stream.linear.gather [spmem:s30], $0x80, $0x38;
	[tilespmem:$0x16588] =	vst v63  }
0x23e: {  	s28 =	rddreg [dreg:$0xc];
	s31 =	sadd.s32 $0x280, s26  }
0x23f: {  	[tilespmem:s28], [sflag:$0x1] =	stream.linear.gather [spmem:s31], $0x80, $0x38;
	[tilespmem:$0x16588] =	vst v63  }
0x240: {  	s30 =	rddreg [dreg:$0xd];
	s31 =	sadd.s32 $0x300, s26  }
0x241: {  	[tilespmem:s30], [sflag:$0x1] =	stream.linear.gather [spmem:s31], $0x80, $0x38;
	[tilespmem:$0x16588] =	vst v63  }
0x242: {  	s28 =	rddreg [dreg:$0xe];
	s30 =	sadd.s32 $0x380, s26  }
0x243: {  	[tilespmem:s28], [sflag:$0x1] =	stream.linear.gather [spmem:s30], $0x80, $0x38;
	[tilespmem:$0x16588] =	vst v63  }
0x244: {  	s31 =	rddreg [dreg:$0xf];
	s28 =	sadd.s32 $0x400, s26  }
0x245: {  	[tilespmem:s31], [sflag:$0x1] =	stream.linear.gather [spmem:s28], $0x80, $0x38;
	[tilespmem:$0x16588] =	vst v63  }
0x246: {  	s30 =	rddreg [dreg:$0x10];
	s28 =	spop (v2sf)  }
0x247: {  	[tilespmem:s30], [sflag:$0x1] =	stream.linear.gather [spmem:s28], $0x80, $0x38;
	[tilespmem:$0x16588] =	vst v63  }
0x248: {  	s26 =	rddreg [dreg:$0x13];
	s31 =	sadd.s32 $0x80, s28  }
0x249: {  	(v2sf) =	vpush v0, $0x2;
	[tilespmem:s25], [sflag:$0x1] =	stream.linear.gather [spmem:s31], $0x80, $0x38;
	[tilespmem:$0x16588] =	vst v63  }
0x24a: {  	s30 =	rddreg [dreg:$0x12];
	s31 =	sadd.s32 $0x100, s28  }
0x24b: {  	[tilespmem:s30], [sflag:$0x1] =	stream.linear.gather [spmem:s31], $0x80, $0x38;
	[tilespmem:$0x16588] =	vst v63  }
0x24c: {  	s25 =	rddreg [dreg:$0x1a];
	s30 =	sadd.s32 $0x180, s28  }
0x24d: {  	[tilespmem:s26], [sflag:$0x1] =	stream.linear.gather [spmem:s30], $0x80, $0x38;
	[tilespmem:$0x16588] =	vst v63  }
0x24e: {  	s31 =	rddreg [dreg:$0x14];
	s30 =	sadd.s32 $0x200, s28  }
0x24f: {  	[tilespmem:s31], [sflag:$0x1] =	stream.linear.gather [spmem:s30], $0x80, $0x38;
	[tilespmem:$0x16588] =	vst v63  }
0x250: {  	s26 =	rddreg [dreg:$0x15];
	s31 =	sadd.s32 $0x280, s28  }
0x251: {  	[tilespmem:s26], [sflag:$0x1] =	stream.linear.gather [spmem:s31], $0x80, $0x38;
	[tilespmem:$0x16588] =	vst v63  }
0x252: {  	s30 =	rddreg [dreg:$0x16];
	s31 =	sadd.s32 $0x300, s28  }
0x253: {  	[tilespmem:s30], [sflag:$0x1] =	stream.linear.gather [spmem:s31], $0x80, $0x38;
	[tilespmem:$0x16588] =	vst v63  }
0x254: {  	s26 =	rddreg [dreg:$0x17];
	s30 =	sadd.s32 $0x380, s28  }
0x255: {  	[tilespmem:s26], [sflag:$0x1] =	stream.linear.gather [spmem:s30], $0x80, $0x38;
	[tilespmem:$0x16588] =	vst v63  }
0x256: {  	s31 =	rddreg [dreg:$0x18];
	s28 =	sadd.s32 $0x400, s28  }
0x257: {  	[tilespmem:s31], [sflag:$0x1] =	stream.linear.gather [spmem:s28], $0x80, $0x38;
	[tilespmem:$0x16588] =	vst v63  }
0x258: {  	s30 =	rddreg [dreg:$0x19];
	s28 =	spop (v2sf)  }
0x259: {  	[tilespmem:s30], [sflag:$0x1] =	stream.linear.gather [spmem:s28], $0x80, $0x38;
	[tilespmem:$0x16588] =	vst v63  }
0x25a: {  	s26 =	rddreg [dreg:$0x1c];
	s31 =	sadd.s32 $0x80, s28  }
0x25b: {  	(v2sf) =	vpush v0, $0x3;
	[tilespmem:s25], [sflag:$0x1] =	stream.linear.gather [spmem:s31], $0x80, $0x38;
	[tilespmem:$0x16588] =	vst v63  }
0x25c: {  	s30 =	rddreg [dreg:$0x1b];
	s31 =	sadd.s32 $0x100, s28  }
0x25d: {  	[tilespmem:s30], [sflag:$0x1] =	stream.linear.gather [spmem:s31], $0x80, $0x38;
	[tilespmem:$0x16588] =	vst v63  }
0x25e: {  	s30 =	sadd.s32 $0x180, s28;
	s31 =	rddreg [dreg:$0x1d]  }
0x25f: {  	[tilespmem:s26], [sflag:$0x1] =	stream.linear.gather [spmem:s30], $0x80, $0x38;
	[tilespmem:$0x16588] =	vst v63  }
0x260: {  	s30 =	sadd.s32 $0x200, s28;
	s26 =	rddreg [dreg:$0x1e]  }
0x261: {  	[tilespmem:s31], [sflag:$0x1] =	stream.linear.gather [spmem:s30], $0x80, $0x38;
	[tilespmem:$0x16588] =	vst v63  }
0x262: {  	s31 =	sadd.s32 $0x280, s28;
	s30 =	rddreg [dreg:$0x1f]  }
0x263: {  	[tilespmem:s26], [sflag:$0x1] =	stream.linear.gather [spmem:s31], $0x80, $0x38;
	[tilespmem:$0x16588] =	vst v63  }
0x264: {  	s31 =	sadd.s32 $0x300, s28;
	s26 =	sld [smem:$0x788]  }
0x265: {  	[tilespmem:s30], [sflag:$0x1] =	stream.linear.gather [spmem:s31], $0x80, $0x38;
	[tilespmem:$0x16588] =	vst v63  }
0x266: {  	s30 =	sadd.s32 $0x380, s28;
	s31 =	sld [smem:$0x789]  }
0x267: {  	[tilespmem:s26], [sflag:$0x1] =	stream.linear.gather [spmem:s30], $0x80, $0x38;
	[tilespmem:$0x16588] =	vst v63  }
0x268: {  	s28 =	sadd.s32 $0x400, s28;
	s30 =	sld [smem:$0x78A]  }
0x269: {  	[tilespmem:s31], [sflag:$0x1] =	stream.linear.gather [spmem:s28], $0x80, $0x38;
	[tilespmem:$0x16588] =	vst v63  }
0x26a: {  	s25 =	sld [smem:$0x78B];
	s28 =	spop (v2sf)  }
0x26b: {  	[tilespmem:s30], [sflag:$0x1] =	stream.linear.gather [spmem:s28], $0x80, $0x38;
	[tilespmem:$0x16588] =	vst v63  }
0x26c: {  	s31 =	sadd.s32 $0x80, s28;
	s30 =	sld [smem:$0x78C]  }
0x26d: {  	(v2sf) =	vpush v0, $0x4;
	[tilespmem:s25], [sflag:$0x1] =	stream.linear.gather [spmem:s31], $0x80, $0x38;
	[tilespmem:$0x16588] =	vst v63  }
0x26e: {  	s26 =	sld [smem:$0x78D];
	s31 =	sadd.s32 $0x100, s28  }
0x26f: {  	[tilespmem:s30], [sflag:$0x1] =	stream.linear.gather [spmem:s31], $0x80, $0x38;
	[tilespmem:$0x16588] =	vst v63  }
0x270: {  	s30 =	sadd.s32 $0x180, s28;
	s31 =	sld [smem:$0x78E]  }
0x271: {  	[tilespmem:s26], [sflag:$0x1] =	stream.linear.gather [spmem:s30], $0x80, $0x38;
	[tilespmem:$0x16588] =	vst v63  }
0x272: {  	s30 =	sadd.s32 $0x200, s28;
	s26 =	sld [smem:$0x78F]  }
0x273: {  	[tilespmem:s31], [sflag:$0x1] =	stream.linear.gather [spmem:s30], $0x80, $0x38;
	[tilespmem:$0x16588] =	vst v63  }
0x274: {  	s31 =	sadd.s32 $0x280, s28;
	s30 =	sld [smem:$0x790]  }
0x275: {  	[tilespmem:s26], [sflag:$0x1] =	stream.linear.gather [spmem:s31], $0x80, $0x38;
	[tilespmem:$0x16588] =	vst v63  }
0x276: {  	s31 =	sadd.s32 $0x300, s28;
	s26 =	sld [smem:$0x791]  }
0x277: {  	[tilespmem:s30], [sflag:$0x1] =	stream.linear.gather [spmem:s31], $0x80, $0x38;
	[tilespmem:$0x16588] =	vst v63  }
0x278: {  	s30 =	sadd.s32 $0x380, s28;
	s31 =	sld [smem:$0x792]  }
0x279: {  	[tilespmem:s26], [sflag:$0x1] =	stream.linear.gather [spmem:s30], $0x80, $0x38;
	[tilespmem:$0x16588] =	vst v63  }
0x27a: {  	s28 =	sadd.s32 $0x400, s28;
	s30 =	sld [smem:$0x793]  }
0x27b: {  	[tilespmem:s31], [sflag:$0x1] =	stream.linear.gather [spmem:s28], $0x80, $0x38;
	[tilespmem:$0x16588] =	vst v63  }
0x27c: {  	s25 =	sld [smem:$0x794];
	s28 =	spop (v2sf)  }
0x27d: {  	[tilespmem:s30], [sflag:$0x1] =	stream.linear.gather [spmem:s28], $0x80, $0x38;
	[tilespmem:$0x16588] =	vst v63  }
0x27e: {  	s31 =	sadd.s32 $0x80, s28;
	s30 =	sld [smem:$0x795]  }
0x27f: {  	(v2sf) =	vpush v0, $0x5;
	[tilespmem:s25], [sflag:$0x1] =	stream.linear.gather [spmem:s31], $0x80, $0x38;
	[tilespmem:$0x16588] =	vst v63  }
0x280: {  	s26 =	sld [smem:$0x796];
	s31 =	sadd.s32 $0x100, s28  }
0x281: {  	[tilespmem:s30], [sflag:$0x1] =	stream.linear.gather [spmem:s31], $0x80, $0x38;
	[tilespmem:$0x16588] =	vst v63  }
0x282: {  	s30 =	sadd.s32 $0x180, s28;
	s31 =	sld [smem:$0x797]  }
0x283: {  	[tilespmem:s26], [sflag:$0x1] =	stream.linear.gather [spmem:s30], $0x80, $0x38;
	[tilespmem:$0x16588] =	vst v63  }
0x284: {  	s30 =	sadd.s32 $0x200, s28;
	s26 =	sld [smem:$0x798]  }
0x285: {  	[tilespmem:s31], [sflag:$0x1] =	stream.linear.gather [spmem:s30], $0x80, $0x38;
	[tilespmem:$0x16588] =	vst v63  }
0x286: {  	s31 =	sadd.s32 $0x280, s28;
	s30 =	sld [smem:$0x799]  }
0x287: {  	[tilespmem:s26], [sflag:$0x1] =	stream.linear.gather [spmem:s31], $0x80, $0x38;
	[tilespmem:$0x16588] =	vst v63  }
0x288: {  	s31 =	sadd.s32 $0x300, s28;
	s26 =	sld [smem:$0x79A]  }
0x289: {  	[tilespmem:s30], [sflag:$0x1] =	stream.linear.gather [spmem:s31], $0x80, $0x38;
	[tilespmem:$0x16588] =	vst v63  }
0x28a: {  	s30 =	sadd.s32 $0x380, s28;
	s31 =	sld [smem:$0x79B]  }
0x28b: {  	[tilespmem:s26], [sflag:$0x1] =	stream.linear.gather [spmem:s30], $0x80, $0x38;
	[tilespmem:$0x16588] =	vst v63  }
0x28c: {  	s28 =	sadd.s32 $0x400, s28;
	s30 =	sld [smem:$0x79C]  }
0x28d: {  	[tilespmem:s31], [sflag:$0x1] =	stream.linear.gather [spmem:s28], $0x80, $0x38;
	[tilespmem:$0x16588] =	vst v63  }
0x28e: {  	s25 =	sld [smem:$0x79D];
	s28 =	spop (v2sf)  }
0x28f: {  	[tilespmem:s30], [sflag:$0x1] =	stream.linear.gather [spmem:s28], $0x80, $0x38;
	[tilespmem:$0x16588] =	vst v63  }
0x290: {  	s31 =	sadd.s32 $0x80, s28;
	s30 =	sld [smem:$0x79E]  }
0x291: {  	(v2sf) =	vpush v0, $0x6;
	[tilespmem:s25], [sflag:$0x1] =	stream.linear.gather [spmem:s31], $0x80, $0x38;
	[tilespmem:$0x16588] =	vst v63  }
0x292: {  	s26 =	sld [smem:$0x79F];
	s31 =	sadd.s32 $0x100, s28  }
0x293: {  	[tilespmem:s30], [sflag:$0x1] =	stream.linear.gather [spmem:s31], $0x80, $0x38;
	[tilespmem:$0x16588] =	vst v63  }
0x294: {  	s30 =	sadd.s32 $0x180, s28;
	s31 =	sld [smem:$0x7A0]  }
0x295: {  	[tilespmem:s26], [sflag:$0x1] =	stream.linear.gather [spmem:s30], $0x80, $0x38;
	[tilespmem:$0x16588] =	vst v63  }
0x296: {  	s30 =	sadd.s32 $0x200, s28;
	s26 =	sld [smem:$0x7A1]  }
0x297: {  	[tilespmem:s31], [sflag:$0x1] =	stream.linear.gather [spmem:s30], $0x80, $0x38;
	[tilespmem:$0x16588] =	vst v63  }
0x298: {  	s31 =	sadd.s32 $0x280, s28;
	s30 =	sld [smem:$0x7A2]  }
0x299: {  	[tilespmem:s26], [sflag:$0x1] =	stream.linear.gather [spmem:s31], $0x80, $0x38;
	[tilespmem:$0x16588] =	vst v63  }
0x29a: {  	s31 =	sadd.s32 $0x300, s28;
	s26 =	sld [smem:$0x7A3]  }
0x29b: {  	[tilespmem:s30], [sflag:$0x1] =	stream.linear.gather [spmem:s31], $0x80, $0x38;
	[tilespmem:$0x16588] =	vst v63  }
0x29c: {  	s30 =	sadd.s32 $0x380, s28;
	s31 =	sld [smem:$0x7A4]  }
0x29d: {  	[tilespmem:s26], [sflag:$0x1] =	stream.linear.gather [spmem:s30], $0x80, $0x38;
	[tilespmem:$0x16588] =	vst v63  }
0x29e: {  	s28 =	sadd.s32 $0x400, s28;
	s30 =	sld [smem:$0x7A5]  }
0x29f: {  	[tilespmem:s31], [sflag:$0x1] =	stream.linear.gather [spmem:s28], $0x80, $0x38;
	[tilespmem:$0x16588] =	vst v63  }
0x2a0: {  	s25 =	sld [smem:$0x7A6];
	s28 =	spop (v2sf)  }
0x2a1: {  	[tilespmem:s30], [sflag:$0x1] =	stream.linear.gather [spmem:s28], $0x80, $0x38;
	[tilespmem:$0x16588] =	vst v63  }
0x2a2: {  	s31 =	sadd.s32 $0x80, s28;
	s30 =	sld [smem:$0x7A7]  }
0x2a3: {  	(v2sf) =	vpush v0, $0x7;
	[tilespmem:s25], [sflag:$0x1] =	stream.linear.gather [spmem:s31], $0x80, $0x38;
	[tilespmem:$0x16588] =	vst v63  }
0x2a4: {  	s26 =	sld [smem:$0x7A8];
	s31 =	sadd.s32 $0x100, s28  }
0x2a5: {  	[tilespmem:s30], [sflag:$0x1] =	stream.linear.gather [spmem:s31], $0x80, $0x38;
	[tilespmem:$0x16588] =	vst v63  }
0x2a6: {  	s30 =	sadd.s32 $0x180, s28;
	s31 =	sld [smem:$0x7A9]  }
0x2a7: {  	[tilespmem:s26], [sflag:$0x1] =	stream.linear.gather [spmem:s30], $0x80, $0x38;
	[tilespmem:$0x16588] =	vst v63  }
0x2a8: {  	s30 =	sadd.s32 $0x200, s28;
	s26 =	sld [smem:$0x7AA]  }
0x2a9: {  	[tilespmem:s31], [sflag:$0x1] =	stream.linear.gather [spmem:s30], $0x80, $0x38;
	[tilespmem:$0x16588] =	vst v63  }
0x2aa: {  	s31 =	sadd.s32 $0x280, s28;
	s30 =	sld [smem:$0x7AB]  }
0x2ab: {  	[tilespmem:s26], [sflag:$0x1] =	stream.linear.gather [spmem:s31], $0x80, $0x38;
	[tilespmem:$0x16588] =	vst v63  }
0x2ac: {  	s31 =	sadd.s32 $0x300, s28;
	s26 =	sld [smem:$0x7AC]  }
0x2ad: {  	[tilespmem:s30], [sflag:$0x1] =	stream.linear.gather [spmem:s31], $0x80, $0x38;
	[tilespmem:$0x16588] =	vst v63  }
0x2ae: {  	s30 =	sadd.s32 $0x380, s28;
	s31 =	sld [smem:$0x7AD]  }
0x2af: {  	[tilespmem:s26], [sflag:$0x1] =	stream.linear.gather [spmem:s30], $0x80, $0x38;
	[tilespmem:$0x16588] =	vst v63  }
0x2b0: {  	s28 =	sadd.s32 $0x400, s28;
	s30 =	sld [smem:$0x7AE]  }
0x2b1: {  	[tilespmem:s31], [sflag:$0x1] =	stream.linear.gather [spmem:s28], $0x80, $0x38;
	[tilespmem:$0x16588] =	vst v63  }
0x2b2: {  	s25 =	sld [smem:$0x7AF];
	s28 =	spop (v2sf)  }
0x2b3: {  	[tilespmem:s30], [sflag:$0x1] =	stream.linear.gather [spmem:s28], $0x80, $0x38;
	[tilespmem:$0x16588] =	vst v63  }
0x2b4: {  	s31 =	sadd.s32 $0x80, s28;
	s30 =	sld [smem:$0x7B0]  }
0x2b5: {  	[tilespmem:s25], [sflag:$0x1] =	stream.linear.gather [spmem:s31], $0x80, $0x38;
	[tilespmem:$0x16588] =	vst v63  }
0x2b6: {  	s26 =	sld [smem:$0x7B1];
	s31 =	sadd.s32 $0x100, s28  }
0x2b7: {  	[tilespmem:s30], [sflag:$0x1] =	stream.linear.gather [spmem:s31], $0x80, $0x38;
	[tilespmem:$0x16588] =	vst v63  }
0x2b8: {  	s30 =	sadd.s32 $0x180, s28;
	s31 =	sld [smem:$0x7B2]  }
0x2b9: {  	[tilespmem:s26], [sflag:$0x1] =	stream.linear.gather [spmem:s30], $0x80, $0x38;
	[tilespmem:$0x16588] =	vst v63  }
0x2ba: {  	s30 =	sadd.s32 $0x200, s28;
	s26 =	sld [smem:$0x7B3]  }
0x2bb: {  	[tilespmem:s31], [sflag:$0x1] =	stream.linear.gather [spmem:s30], $0x80, $0x38;
	[tilespmem:$0x16588] =	vst v63  }
0x2bc: {  	s31 =	sadd.s32 $0x280, s28;
	s30 =	sld [smem:$0x7B4]  }
0x2bd: {  	[tilespmem:s26], [sflag:$0x1] =	stream.linear.gather [spmem:s31], $0x80, $0x38;
	[tilespmem:$0x16588] =	vst v63  }
0x2be: {  	s31 =	sadd.s32 $0x300, s28;
	s26 =	sld [smem:$0x7B5]  }
0x2bf: {  	[tilespmem:s30], [sflag:$0x1] =	stream.linear.gather [spmem:s31], $0x80, $0x38;
	[tilespmem:$0x16588] =	vst v63  }
0x2c0: {  	s30 =	sadd.s32 $0x380, s28;
	s31 =	sld [smem:$0x7B6]  }
0x2c1: {  	[tilespmem:s26], [sflag:$0x1] =	stream.linear.gather [spmem:s30], $0x80, $0x38;
	[tilespmem:$0x16588] =	vst v63  }
0x2c2: {  	s26 =	sadd.s32 $0x400, s28  }
0x2c3: {  	[tilespmem:s31], [sflag:$0x1] =	stream.linear.gather [spmem:s26], $0x80, $0x38;
	[tilespmem:$0x16588] =	vst v63  }
0x2c4: {  	_ =	swait.ge [sflag:s16], $0x2400  }
0x2c5: {  	s28 =	rddreg [dreg:$0x7];
	[sflag:s16] =	ssyncset.done $0x0  }
0x2c6: {  	[sflag:s16] =	ssyncadd.s32 $0xFFFFDC00;
	s25 =	sadd.s32 s20, s28  }
0x2c7: {  	[hbm4b:s25+s3] =	stream.linear.scatter [tilespmem:s15], [sflag:$0x2], $0x2400, $0x38;
	[tilespmem:$0x16588] =	vst v63  }
0x2c8: {  	_ =	swait.ge @!p1 [sflag:s24], $0x2400  }
0x2c9: {  	[sflag:s24] =	ssyncset.done @!p1 $0x0  }
0x2ca: {  	[sflag:s24] =	ssyncadd.s32 @!p1 $0xFFFFDC00  }
0x2cb: {  	v63 =	vld.msk [tilespmem:s21+$0x0], $0xff;
	_ =	sdelay $0x4  }
0x2cc: {  	v0 =	vmul.u32 $0x1200, v63;
	_ =	sdelay $0x1  }
0x2cd: {  	v0 =	vshra.s32 v0, $0x2  }
0x2ce: {  	v0 =	vadd.s32 s2, v0  }
0x2cf: {  	(v2sf) =	vpush v0, $0x0;
	_ =	sdelay $0xe  }
0x2d0: {  	s29 =	sld [smem:$0x7B7];
	s25 =	spop (v2sf)  }
0x2d1: {  	[tilespmem:s17], [sflag:$0x1] =	stream.linear.gather [spmem:s25], $0x80, $0x38;
	[tilespmem:$0x16588] =	vst v63  }
0x2d2: {  	s31 =	sld [smem:$0x7B8];
	s30 =	sadd.s32 $0x80, s25  }
0x2d3: {  	(v2sf) =	vpush v0, $0x1;
	[tilespmem:s29], [sflag:$0x1] =	stream.linear.gather [spmem:s30], $0x80, $0x38;
	[tilespmem:$0x16588] =	vst v63  }
0x2d4: {  	s26 =	sadd.s32 $0x100, s25;
	s29 =	sld [smem:$0x7B9]  }
0x2d5: {  	[tilespmem:s31], [sflag:$0x1] =	stream.linear.gather [spmem:s26], $0x80, $0x38;
	[tilespmem:$0x16588] =	vst v63  }
0x2d6: {  	s30 =	sadd.s32 $0x180, s25;
	s31 =	sld [smem:$0x7BA]  }
0x2d7: {  	[tilespmem:s29], [sflag:$0x1] =	stream.linear.gather [spmem:s30], $0x80, $0x38;
	[tilespmem:$0x16588] =	vst v63  }
0x2d8: {  	s26 =	sadd.s32 $0x200, s25;
	s29 =	sld [smem:$0x7BB]  }
0x2d9: {  	[tilespmem:s31], [sflag:$0x1] =	stream.linear.gather [spmem:s26], $0x80, $0x38;
	[tilespmem:$0x16588] =	vst v63  }
0x2da: {  	s30 =	sadd.s32 $0x280, s25;
	s31 =	sld [smem:$0x7BC]  }
0x2db: {  	[tilespmem:s29], [sflag:$0x1] =	stream.linear.gather [spmem:s30], $0x80, $0x38;
	[tilespmem:$0x16588] =	vst v63  }
0x2dc: {  	s29 =	sadd.s32 $0x300, s25;
	s30 =	sld [smem:$0x7BD]  }
0x2dd: {  	[tilespmem:s31], [sflag:$0x1] =	stream.linear.gather [spmem:s29], $0x80, $0x38;
	[tilespmem:$0x16588] =	vst v63  }
0x2de: {  	s31 =	sadd.s32 $0x380, s25;
	s29 =	sld [smem:$0x7BE]  }
0x2df: {  	[tilespmem:s30], [sflag:$0x1] =	stream.linear.gather [spmem:s31], $0x80, $0x38;
	[tilespmem:$0x16588] =	vst v63  }
0x2e0: {  	s30 =	sadd.s32 $0x400, s25;
	s31 =	sld [smem:$0x7BF]  }
0x2e1: {  	[tilespmem:s29], [sflag:$0x1] =	stream.linear.gather [spmem:s30], $0x80, $0x38;
	[tilespmem:$0x16588] =	vst v63  }
0x2e2: {  	s26 =	spop (v2sf);
	s29 =	sld [smem:$0x7C0]  }
0x2e3: {  	[tilespmem:s31], [sflag:$0x1] =	stream.linear.gather [spmem:s26], $0x80, $0x38;
	[tilespmem:$0x16588] =	vst v63  }
0x2e4: {  	s30 =	sadd.s32 $0x80, s26;
	s31 =	sld [smem:$0x7C1]  }
0x2e5: {  	(v2sf) =	vpush v0, $0x2;
	[tilespmem:s29], [sflag:$0x1] =	stream.linear.gather [spmem:s30], $0x80, $0x38;
	[tilespmem:$0x16588] =	vst v63  }
0x2e6: {  	s25 =	sadd.s32 $0x100, s26;
	s29 =	sld [smem:$0x7C2]  }
0x2e7: {  	[tilespmem:s31], [sflag:$0x1] =	stream.linear.gather [spmem:s25], $0x80, $0x38;
	[tilespmem:$0x16588] =	vst v63  }
0x2e8: {  	s30 =	sadd.s32 $0x180, s26;
	s31 =	sld [smem:$0x7C3]  }
0x2e9: {  	[tilespmem:s29], [sflag:$0x1] =	stream.linear.gather [spmem:s30], $0x80, $0x38;
	[tilespmem:$0x16588] =	vst v63  }
0x2ea: {  	s25 =	sadd.s32 $0x200, s26;
	s29 =	sld [smem:$0x7C4]  }
0x2eb: {  	[tilespmem:s31], [sflag:$0x1] =	stream.linear.gather [spmem:s25], $0x80, $0x38;
	[tilespmem:$0x16588] =	vst v63  }
0x2ec: {  	s30 =	sadd.s32 $0x280, s26;
	s31 =	sld [smem:$0x7C5]  }
0x2ed: {  	[tilespmem:s29], [sflag:$0x1] =	stream.linear.gather [spmem:s30], $0x80, $0x38;
	[tilespmem:$0x16588] =	vst v63  }
0x2ee: {  	s29 =	sadd.s32 $0x300, s26;
	s30 =	sld [smem:$0x7C6]  }
0x2ef: {  	[tilespmem:s31], [sflag:$0x1] =	stream.linear.gather [spmem:s29], $0x80, $0x38;
	[tilespmem:$0x16588] =	vst v63  }
0x2f0: {  	s31 =	sadd.s32 $0x380, s26;
	s29 =	sld [smem:$0x7C7]  }
0x2f1: {  	[tilespmem:s30], [sflag:$0x1] =	stream.linear.gather [spmem:s31], $0x80, $0x38;
	[tilespmem:$0x16588] =	vst v63  }
0x2f2: {  	s30 =	sadd.s32 $0x400, s26;
	s31 =	sld [smem:$0x7C8]  }
0x2f3: {  	[tilespmem:s29], [sflag:$0x1] =	stream.linear.gather [spmem:s30], $0x80, $0x38;
	[tilespmem:$0x16588] =	vst v63  }
0x2f4: {  	s26 =	spop (v2sf);
	s29 =	sld [smem:$0x7C9]  }
0x2f5: {  	[tilespmem:s31], [sflag:$0x1] =	stream.linear.gather [spmem:s26], $0x80, $0x38;
	[tilespmem:$0x16588] =	vst v63  }
0x2f6: {  	s30 =	sadd.s32 $0x80, s26;
	s31 =	sld [smem:$0x7CA]  }
0x2f7: {  	(v2sf) =	vpush v0, $0x3;
	[tilespmem:s29], [sflag:$0x1] =	stream.linear.gather [spmem:s30], $0x80, $0x38;
	[tilespmem:$0x16588] =	vst v63  }
0x2f8: {  	s25 =	sadd.s32 $0x100, s26;
	s29 =	sld [smem:$0x7CB]  }
0x2f9: {  	[tilespmem:s31], [sflag:$0x1] =	stream.linear.gather [spmem:s25], $0x80, $0x38;
	[tilespmem:$0x16588] =	vst v63  }
0x2fa: {  	s30 =	sadd.s32 $0x180, s26;
	s31 =	sld [smem:$0x7CC]  }
0x2fb: {  	[tilespmem:s29], [sflag:$0x1] =	stream.linear.gather [spmem:s30], $0x80, $0x38;
	[tilespmem:$0x16588] =	vst v63  }
0x2fc: {  	s25 =	sadd.s32 $0x200, s26;
	s29 =	sld [smem:$0x7CD]  }
0x2fd: {  	[tilespmem:s31], [sflag:$0x1] =	stream.linear.gather [spmem:s25], $0x80, $0x38;
	[tilespmem:$0x16588] =	vst v63  }
0x2fe: {  	s30 =	sadd.s32 $0x280, s26;
	s31 =	sld [smem:$0x7CE]  }
0x2ff: {  	[tilespmem:s29], [sflag:$0x1] =	stream.linear.gather [spmem:s30], $0x80, $0x38;
	[tilespmem:$0x16588] =	vst v63  }
0x300: {  	s29 =	sadd.s32 $0x300, s26;
	s30 =	sld [smem:$0x7CF]  }
0x301: {  	[tilespmem:s31], [sflag:$0x1] =	stream.linear.gather [spmem:s29], $0x80, $0x38;
	[tilespmem:$0x16588] =	vst v63  }
0x302: {  	s31 =	sadd.s32 $0x380, s26;
	s29 =	sld [smem:$0x7D0]  }
0x303: {  	[tilespmem:s30], [sflag:$0x1] =	stream.linear.gather [spmem:s31], $0x80, $0x38;
	[tilespmem:$0x16588] =	vst v63  }
0x304: {  	s30 =	sadd.s32 $0x400, s26;
	s31 =	sld [smem:$0x7D1]  }
0x305: {  	[tilespmem:s29], [sflag:$0x1] =	stream.linear.gather [spmem:s30], $0x80, $0x38;
	[tilespmem:$0x16588] =	vst v63  }
0x306: {  	s26 =	spop (v2sf);
	s29 =	sld [smem:$0x7D2]  }
0x307: {  	[tilespmem:s31], [sflag:$0x1] =	stream.linear.gather [spmem:s26], $0x80, $0x38;
	[tilespmem:$0x16588] =	vst v63  }
0x308: {  	s30 =	sadd.s32 $0x80, s26;
	s31 =	sld [smem:$0x7D3]  }
0x309: {  	(v2sf) =	vpush v0, $0x4;
	[tilespmem:s29], [sflag:$0x1] =	stream.linear.gather [spmem:s30], $0x80, $0x38;
	[tilespmem:$0x16588] =	vst v63  }
0x30a: {  	s25 =	sadd.s32 $0x100, s26;
	s29 =	sld [smem:$0x7D4]  }
0x30b: {  	[tilespmem:s31], [sflag:$0x1] =	stream.linear.gather [spmem:s25], $0x80, $0x38;
	[tilespmem:$0x16588] =	vst v63  }
0x30c: {  	s30 =	sadd.s32 $0x180, s26;
	s31 =	sld [smem:$0x7D5]  }
0x30d: {  	[tilespmem:s29], [sflag:$0x1] =	stream.linear.gather [spmem:s30], $0x80, $0x38;
	[tilespmem:$0x16588] =	vst v63  }
0x30e: {  	s25 =	sadd.s32 $0x200, s26;
	s29 =	sld [smem:$0x7D6]  }
0x30f: {  	[tilespmem:s31], [sflag:$0x1] =	stream.linear.gather [spmem:s25], $0x80, $0x38;
	[tilespmem:$0x16588] =	vst v63  }
0x310: {  	s30 =	sadd.s32 $0x280, s26;
	s31 =	sld [smem:$0x7D7]  }
0x311: {  	[tilespmem:s29], [sflag:$0x1] =	stream.linear.gather [spmem:s30], $0x80, $0x38;
	[tilespmem:$0x16588] =	vst v63  }
0x312: {  	s29 =	sadd.s32 $0x300, s26;
	s30 =	sld [smem:$0x7D8]  }
0x313: {  	[tilespmem:s31], [sflag:$0x1] =	stream.linear.gather [spmem:s29], $0x80, $0x38;
	[tilespmem:$0x16588] =	vst v63  }
0x314: {  	s31 =	sadd.s32 $0x380, s26;
	s29 =	sld [smem:$0x7D9]  }
0x315: {  	[tilespmem:s30], [sflag:$0x1] =	stream.linear.gather [spmem:s31], $0x80, $0x38;
	[tilespmem:$0x16588] =	vst v63  }
0x316: {  	s30 =	sadd.s32 $0x400, s26;
	s31 =	sld [smem:$0x7DA]  }
0x317: {  	[tilespmem:s29], [sflag:$0x1] =	stream.linear.gather [spmem:s30], $0x80, $0x38;
	[tilespmem:$0x16588] =	vst v63  }
0x318: {  	s26 =	spop (v2sf);
	s29 =	sld [smem:$0x7DB]  }
0x319: {  	[tilespmem:s31], [sflag:$0x1] =	stream.linear.gather [spmem:s26], $0x80, $0x38;
	[tilespmem:$0x16588] =	vst v63  }
0x31a: {  	s30 =	sadd.s32 $0x80, s26;
	s31 =	sld [smem:$0x7DC]  }
0x31b: {  	(v2sf) =	vpush v0, $0x5;
	[tilespmem:s29], [sflag:$0x1] =	stream.linear.gather [spmem:s30], $0x80, $0x38;
	[tilespmem:$0x16588] =	vst v63  }
0x31c: {  	s25 =	sadd.s32 $0x100, s26;
	s29 =	sld [smem:$0x7DD]  }
0x31d: {  	[tilespmem:s31], [sflag:$0x1] =	stream.linear.gather [spmem:s25], $0x80, $0x38;
	[tilespmem:$0x16588] =	vst v63  }
0x31e: {  	s30 =	sadd.s32 $0x180, s26;
	s31 =	sld [smem:$0x7DE]  }
0x31f: {  	[tilespmem:s29], [sflag:$0x1] =	stream.linear.gather [spmem:s30], $0x80, $0x38;
	[tilespmem:$0x16588] =	vst v63  }
0x320: {  	s25 =	sadd.s32 $0x200, s26;
	s29 =	sld [smem:$0x7DF]  }
0x321: {  	[tilespmem:s31], [sflag:$0x1] =	stream.linear.gather [spmem:s25], $0x80, $0x38;
	[tilespmem:$0x16588] =	vst v63  }
0x322: {  	s30 =	sadd.s32 $0x280, s26;
	s31 =	sld [smem:$0x7E0]  }
0x323: {  	[tilespmem:s29], [sflag:$0x1] =	stream.linear.gather [spmem:s30], $0x80, $0x38;
	[tilespmem:$0x16588] =	vst v63  }
0x324: {  	s29 =	sadd.s32 $0x300, s26;
	s30 =	sld [smem:$0x7E1]  }
0x325: {  	[tilespmem:s31], [sflag:$0x1] =	stream.linear.gather [spmem:s29], $0x80, $0x38;
	[tilespmem:$0x16588] =	vst v63  }
0x326: {  	s31 =	sadd.s32 $0x380, s26;
	s29 =	sld [smem:$0x7E2]  }
0x327: {  	[tilespmem:s30], [sflag:$0x1] =	stream.linear.gather [spmem:s31], $0x80, $0x38;
	[tilespmem:$0x16588] =	vst v63  }
0x328: {  	s30 =	sadd.s32 $0x400, s26;
	s31 =	sld [smem:$0x7E3]  }
0x329: {  	[tilespmem:s29], [sflag:$0x1] =	stream.linear.gather [spmem:s30], $0x80, $0x38;
	[tilespmem:$0x16588] =	vst v63  }
0x32a: {  	s26 =	spop (v2sf);
	s29 =	sld [smem:$0x7E4]  }
0x32b: {  	[tilespmem:s31], [sflag:$0x1] =	stream.linear.gather [spmem:s26], $0x80, $0x38;
	[tilespmem:$0x16588] =	vst v63  }
0x32c: {  	s30 =	sadd.s32 $0x80, s26;
	s31 =	sld [smem:$0x7E5]  }
0x32d: {  	(v2sf) =	vpush v0, $0x6;
	[tilespmem:s29], [sflag:$0x1] =	stream.linear.gather [spmem:s30], $0x80, $0x38;
	[tilespmem:$0x16588] =	vst v63  }
0x32e: {  	s25 =	sadd.s32 $0x100, s26;
	s29 =	sld [smem:$0x7E6]  }
0x32f: {  	[tilespmem:s31], [sflag:$0x1] =	stream.linear.gather [spmem:s25], $0x80, $0x38;
	[tilespmem:$0x16588] =	vst v63  }
0x330: {  	s30 =	sadd.s32 $0x180, s26;
	s31 =	sld [smem:$0x7E7]  }
0x331: {  	[tilespmem:s29], [sflag:$0x1] =	stream.linear.gather [spmem:s30], $0x80, $0x38;
	[tilespmem:$0x16588] =	vst v63  }
0x332: {  	s25 =	sadd.s32 $0x200, s26;
	s29 =	sld [smem:$0x7E8]  }
0x333: {  	[tilespmem:s31], [sflag:$0x1] =	stream.linear.gather [spmem:s25], $0x80, $0x38;
	[tilespmem:$0x16588] =	vst v63  }
0x334: {  	s30 =	sadd.s32 $0x280, s26;
	s31 =	sld [smem:$0x7E9]  }
0x335: {  	[tilespmem:s29], [sflag:$0x1] =	stream.linear.gather [spmem:s30], $0x80, $0x38;
	[tilespmem:$0x16588] =	vst v63  }
0x336: {  	s29 =	sadd.s32 $0x300, s26;
	s30 =	sld [smem:$0x7EA]  }
0x337: {  	[tilespmem:s31], [sflag:$0x1] =	stream.linear.gather [spmem:s29], $0x80, $0x38;
	[tilespmem:$0x16588] =	vst v63  }
0x338: {  	s31 =	sadd.s32 $0x380, s26;
	s29 =	sld [smem:$0x7EB]  }
0x339: {  	[tilespmem:s30], [sflag:$0x1] =	stream.linear.gather [spmem:s31], $0x80, $0x38;
	[tilespmem:$0x16588] =	vst v63  }
0x33a: {  	s30 =	sadd.s32 $0x400, s26;
	s31 =	sld [smem:$0x7EC]  }
0x33b: {  	[tilespmem:s29], [sflag:$0x1] =	stream.linear.gather [spmem:s30], $0x80, $0x38;
	[tilespmem:$0x16588] =	vst v63  }
0x33c: {  	s26 =	spop (v2sf);
	s29 =	sld [smem:$0x7ED]  }
0x33d: {  	[tilespmem:s31], [sflag:$0x1] =	stream.linear.gather [spmem:s26], $0x80, $0x38;
	[tilespmem:$0x16588] =	vst v63  }
0x33e: {  	s30 =	sadd.s32 $0x80, s26;
	s31 =	sld [smem:$0x7EE]  }
0x33f: {  	(v2sf) =	vpush v0, $0x7;
	[tilespmem:s29], [sflag:$0x1] =	stream.linear.gather [spmem:s30], $0x80, $0x38;
	[tilespmem:$0x16588] =	vst v63  }
0x340: {  	s25 =	sadd.s32 $0x100, s26;
	s29 =	sld [smem:$0x7EF]  }
0x341: {  	[tilespmem:s31], [sflag:$0x1] =	stream.linear.gather [spmem:s25], $0x80, $0x38;
	[tilespmem:$0x16588] =	vst v63  }
0x342: {  	s30 =	sadd.s32 $0x180, s26;
	s31 =	sld [smem:$0x7F0]  }
0x343: {  	[tilespmem:s29], [sflag:$0x1] =	stream.linear.gather [spmem:s30], $0x80, $0x38;
	[tilespmem:$0x16588] =	vst v63  }
0x344: {  	s25 =	sadd.s32 $0x200, s26;
	s29 =	sld [smem:$0x7F1]  }
0x345: {  	[tilespmem:s31], [sflag:$0x1] =	stream.linear.gather [spmem:s25], $0x80, $0x38;
	[tilespmem:$0x16588] =	vst v63  }
0x346: {  	s30 =	sadd.s32 $0x280, s26;
	s31 =	sld [smem:$0x7F2]  }
0x347: {  	[tilespmem:s29], [sflag:$0x1] =	stream.linear.gather [spmem:s30], $0x80, $0x38;
	[tilespmem:$0x16588] =	vst v63  }
0x348: {  	s29 =	sadd.s32 $0x300, s26;
	s30 =	sld [smem:$0x7F3]  }
0x349: {  	[tilespmem:s31], [sflag:$0x1] =	stream.linear.gather [spmem:s29], $0x80, $0x38;
	[tilespmem:$0x16588] =	vst v63  }
0x34a: {  	s31 =	sadd.s32 $0x380, s26;
	s29 =	sld [smem:$0x7F4]  }
0x34b: {  	[tilespmem:s30], [sflag:$0x1] =	stream.linear.gather [spmem:s31], $0x80, $0x38;
	[tilespmem:$0x16588] =	vst v63  }
0x34c: {  	s30 =	sadd.s32 $0x400, s26;
	s31 =	sld [smem:$0x7F5]  }
0x34d: {  	[tilespmem:s29], [sflag:$0x1] =	stream.linear.gather [spmem:s30], $0x80, $0x38;
	[tilespmem:$0x16588] =	vst v63  }
0x34e: {  	s26 =	spop (v2sf);
	s29 =	sld [smem:$0x7F6]  }
0x34f: {  	[tilespmem:s31], [sflag:$0x1] =	stream.linear.gather [spmem:s26], $0x80, $0x38;
	[tilespmem:$0x16588] =	vst v63  }
0x350: {  	s30 =	sadd.s32 $0x80, s26;
	s31 =	sld [smem:$0x7F7]  }
0x351: {  	[tilespmem:s29], [sflag:$0x1] =	stream.linear.gather [spmem:s30], $0x80, $0x38;
	[tilespmem:$0x16588] =	vst v63  }
0x352: {  	s25 =	sadd.s32 $0x100, s26;
	s29 =	sld [smem:$0x7F8]  }
0x353: {  	[tilespmem:s31], [sflag:$0x1] =	stream.linear.gather [spmem:s25], $0x80, $0x38;
	[tilespmem:$0x16588] =	vst v63  }
0x354: {  	s30 =	sadd.s32 $0x180, s26;
	s31 =	sld [smem:$0x7F9]  }
0x355: {  	[tilespmem:s29], [sflag:$0x1] =	stream.linear.gather [spmem:s30], $0x80, $0x38;
	[tilespmem:$0x16588] =	vst v63  }
0x356: {  	s25 =	sadd.s32 $0x200, s26;
	s29 =	sld [smem:$0x7FA]  }
0x357: {  	[tilespmem:s31], [sflag:$0x1] =	stream.linear.gather [spmem:s25], $0x80, $0x38;
	[tilespmem:$0x16588] =	vst v63  }
0x358: {  	s23 =	smov.u32 s22;
	s30 =	sadd.s32 $0x280, s26;
	s31 =	sld [smem:$0x7FB]  }
0x359: {  	[tilespmem:s29], [sflag:$0x1] =	stream.linear.gather [spmem:s30], $0x80, $0x38;
	[tilespmem:$0x16588] =	vst v63  }
0x35a: {  	s22 =	sadd.s32 $0x900, s22;
	s29 =	sadd.s32 $0x300, s26;
	s30 =	sld [smem:$0x7FC]  }
0x35b: {  	[tilespmem:s31], [sflag:$0x1] =	stream.linear.gather [spmem:s29], $0x80, $0x38;
	[tilespmem:$0x16588] =	vst v63  }
0x35c: {  	p2 =	sne.s32 s22, $0x12000;
	s31 =	sadd.s32 $0x380, s26;
	s29 =	sld [smem:$0x7FD]  }
0x35d: {  	[tilespmem:s30], [sflag:$0x1] =	stream.linear.gather [spmem:s31], $0x80, $0x38;
	[tilespmem:$0x16588] =	vst v63  }
.Ltmp0:
0x35e: {  	p3 =	seq.s32 s23, $0x0;
	s30 =	sadd.s32 $0x400, s26;
	(pc) =	sbr.rel @p2 .LBB2_2-.Ltmp0, $4  }
0x35f: {  	[tilespmem:s29], [sflag:$0x1] =	stream.linear.gather [spmem:s30], $0x80, $0x38;
	[tilespmem:$0x16588] =	vst v63  }
0x360: {  	p1 =	por p3, p3;
	_ =	swait.ge [sflag:s16], $0x2400  }
0x361: {  	s21 =	sadd.s32 $0x10, s21;
	[sflag:s16] =	ssyncset.done $0x0;
	s31 =	rddreg [dreg:$0x6]  }
0x362: {  	[sflag:s16] =	ssyncadd.s32 $0xFFFFDC00;
	s24 =	sadd.s32 s20, s31;
	s20 =	smov.u32 s23  }
0x363: {  	[hbm4b:s24+s3] =	stream.linear.scatter [tilespmem:s17], [sflag:$0x2], $0x2400, $0x38;
	[tilespmem:$0x16588] =	vst v63  }
0x364: {  	s22 =	simm.s32 @!p1 $0x2  }
0x365: {  	_ =	swait.ge @!p1 [sflag:s22], $0x2400  }
0x366: {  	[sflag:s22] =	ssyncset.done @!p1 $0x0  }
0x367: {  	[sflag:s22] =	ssyncadd.s32 @!p1 $0xFFFFDC00  }
0x368: {  	v0 =	vld.msk [tilespmem:s21+$0xFFFFFFF8], $0xff;
	_ =	sdelay $0x4  }
0x369: {  	v0 =	vmul.u32 $0x1200, v0;
	_ =	sdelay $0x1  }
0x36a: {  	v0 =	vshra.s32 v0, $0x2  }
0x36b: {  	v0 =	vadd.s32 s2, v0  }
0x36c: {  	(v2sf) =	vpush v0, $0x0;
	_ =	sdelay $0xe  }
0x36d: {  	s23 =	rddreg [dreg:$0x8];
	s24 =	spop (v2sf)  }
0x36e: {  	[tilespmem:s15], [sflag:$0x1] =	stream.linear.gather [spmem:s24], $0x80, $0x38;
	[tilespmem:$0x16588] =	vst v63  }
0x36f: {  	s26 =	rddreg [dreg:$0x9];
	s25 =	sadd.s32 $0x80, s24  }
0x370: {  	(v2sf) =	vpush v0, $0x1;
	[tilespmem:s23], [sflag:$0x1] =	stream.linear.gather [spmem:s25], $0x80, $0x38;
	[tilespmem:$0x16588] =	vst v63  }
0x371: {  	s29 =	rddreg [dreg:$0xa];
	s28 =	sadd.s32 $0x100, s24  }
0x372: {  	[tilespmem:s26], [sflag:$0x1] =	stream.linear.gather [spmem:s28], $0x80, $0x38;
	[tilespmem:$0x16588] =	vst v63  }
0x373: {  	s31 =	rddreg [dreg:$0xb];
	s30 =	sadd.s32 $0x180, s24  }
0x374: {  	[tilespmem:s29], [sflag:$0x1] =	stream.linear.gather [spmem:s30], $0x80, $0x38;
	[tilespmem:$0x16588] =	vst v63  }
0x375: {  	s28 =	sadd.s32 $0x200, s24;
	s29 =	rddreg [dreg:$0xc]  }
0x376: {  	[tilespmem:s31], [sflag:$0x1] =	stream.linear.gather [spmem:s28], $0x80, $0x38;
	[tilespmem:$0x16588] =	vst v63  }
0x377: {  	s30 =	sadd.s32 $0x280, s24;
	s31 =	rddreg [dreg:$0xd]  }
0x378: {  	[tilespmem:s29], [sflag:$0x1] =	stream.linear.gather [spmem:s30], $0x80, $0x38;
	[tilespmem:$0x16588] =	vst v63  }
0x379: {  	s28 =	sadd.s32 $0x300, s24;
	s29 =	rddreg [dreg:$0xe]  }
0x37a: {  	[tilespmem:s31], [sflag:$0x1] =	stream.linear.gather [spmem:s28], $0x80, $0x38;
	[tilespmem:$0x16588] =	vst v63  }
0x37b: {  	s30 =	sadd.s32 $0x380, s24;
	s31 =	rddreg [dreg:$0xf]  }
0x37c: {  	[tilespmem:s29], [sflag:$0x1] =	stream.linear.gather [spmem:s30], $0x80, $0x38;
	[tilespmem:$0x16588] =	vst v63  }
0x37d: {  	s25 =	sadd.s32 $0x400, s24;
	s28 =	rddreg [dreg:$0x10]  }
0x37e: {  	[tilespmem:s31], [sflag:$0x1] =	stream.linear.gather [spmem:s25], $0x80, $0x38;
	[tilespmem:$0x16588] =	vst v63  }
0x37f: {  	s29 =	rddreg [dreg:$0x11];
	s25 =	spop (v2sf)  }
0x380: {  	[tilespmem:s28], [sflag:$0x1] =	stream.linear.gather [spmem:s25], $0x80, $0x38;
	[tilespmem:$0x16588] =	vst v63  }
0x381: {  	s31 =	rddreg [dreg:$0x12];
	s30 =	sadd.s32 $0x80, s25  }
0x382: {  	(v2sf) =	vpush v0, $0x2;
	[tilespmem:s29], [sflag:$0x1] =	stream.linear.gather [spmem:s30], $0x80, $0x38;
	[tilespmem:$0x16588] =	vst v63  }
0x383: {  	s28 =	sadd.s32 $0x100, s25;
	s29 =	rddreg [dreg:$0x13]  }
0x384: {  	[tilespmem:s31], [sflag:$0x1] =	stream.linear.gather [spmem:s28], $0x80, $0x38;
	[tilespmem:$0x16588] =	vst v63  }
0x385: {  	s30 =	sadd.s32 $0x180, s25;
	s31 =	rddreg [dreg:$0x14]  }
0x386: {  	[tilespmem:s29], [sflag:$0x1] =	stream.linear.gather [spmem:s30], $0x80, $0x38;
	[tilespmem:$0x16588] =	vst v63  }
0x387: {  	s28 =	sadd.s32 $0x200, s25;
	s29 =	rddreg [dreg:$0x15]  }
0x388: {  	[tilespmem:s31], [sflag:$0x1] =	stream.linear.gather [spmem:s28], $0x80, $0x38;
	[tilespmem:$0x16588] =	vst v63  }
0x389: {  	s30 =	sadd.s32 $0x280, s25;
	s31 =	rddreg [dreg:$0x16]  }
0x38a: {  	[tilespmem:s29], [sflag:$0x1] =	stream.linear.gather [spmem:s30], $0x80, $0x38;
	[tilespmem:$0x16588] =	vst v63  }
0x38b: {  	s28 =	sadd.s32 $0x300, s25;
	s29 =	rddreg [dreg:$0x17]  }
0x38c: {  	[tilespmem:s31], [sflag:$0x1] =	stream.linear.gather [spmem:s28], $0x80, $0x38;
	[tilespmem:$0x16588] =	vst v63  }
0x38d: {  	s30 =	sadd.s32 $0x380, s25;
	s31 =	rddreg [dreg:$0x18]  }
0x38e: {  	[tilespmem:s29], [sflag:$0x1] =	stream.linear.gather [spmem:s30], $0x80, $0x38;
	[tilespmem:$0x16588] =	vst v63  }
0x38f: {  	s25 =	sadd.s32 $0x400, s25;
	s28 =	rddreg [dreg:$0x19]  }
0x390: {  	[tilespmem:s31], [sflag:$0x1] =	stream.linear.gather [spmem:s25], $0x80, $0x38;
	[tilespmem:$0x16588] =	vst v63  }
0x391: {  	s29 =	rddreg [dreg:$0x1a];
	s25 =	spop (v2sf)  }
0x392: {  	[tilespmem:s28], [sflag:$0x1] =	stream.linear.gather [spmem:s25], $0x80, $0x38;
	[tilespmem:$0x16588] =	vst v63  }
0x393: {  	s31 =	rddreg [dreg:$0x1b];
	s30 =	sadd.s32 $0x80, s25  }
0x394: {  	(v2sf) =	vpush v0, $0x3;
	[tilespmem:s29], [sflag:$0x1] =	stream.linear.gather [spmem:s30], $0x80, $0x38;
	[tilespmem:$0x16588] =	vst v63  }
0x395: {  	s28 =	sadd.s32 $0x100, s25;
	s29 =	rddreg [dreg:$0x1c]  }
0x396: {  	[tilespmem:s31], [sflag:$0x1] =	stream.linear.gather [spmem:s28], $0x80, $0x38;
	[tilespmem:$0x16588] =	vst v63  }
0x397: {  	s30 =	sadd.s32 $0x180, s25;
	s31 =	rddreg [dreg:$0x1d]  }
0x398: {  	[tilespmem:s29], [sflag:$0x1] =	stream.linear.gather [spmem:s30], $0x80, $0x38;
	[tilespmem:$0x16588] =	vst v63  }
0x399: {  	s28 =	sadd.s32 $0x200, s25;
	s29 =	rddreg [dreg:$0x1e]  }
0x39a: {  	[tilespmem:s31], [sflag:$0x1] =	stream.linear.gather [spmem:s28], $0x80, $0x38;
	[tilespmem:$0x16588] =	vst v63  }
0x39b: {  	s30 =	sadd.s32 $0x280, s25;
	s31 =	rddreg [dreg:$0x1f]  }
0x39c: {  	[tilespmem:s29], [sflag:$0x1] =	stream.linear.gather [spmem:s30], $0x80, $0x38;
	[tilespmem:$0x16588] =	vst v63  }
0x39d: {  	s28 =	sadd.s32 $0x300, s25;
	s29 =	sld [smem:$0x788]  }
0x39e: {  	[tilespmem:s31], [sflag:$0x1] =	stream.linear.gather [spmem:s28], $0x80, $0x38;
	[tilespmem:$0x16588] =	vst v63  }
0x39f: {  	s30 =	sadd.s32 $0x380, s25;
	s31 =	sld [smem:$0x789]  }
0x3a0: {  	[tilespmem:s29], [sflag:$0x1] =	stream.linear.gather [spmem:s30], $0x80, $0x38;
	[tilespmem:$0x16588] =	vst v63  }
0x3a1: {  	s25 =	sadd.s32 $0x400, s25;
	s28 =	sld [smem:$0x78A]  }
0x3a2: {  	[tilespmem:s31], [sflag:$0x1] =	stream.linear.gather [spmem:s25], $0x80, $0x38;
	[tilespmem:$0x16588] =	vst v63  }
0x3a3: {  	s29 =	sld [smem:$0x78B];
	s25 =	spop (v2sf)  }
0x3a4: {  	[tilespmem:s28], [sflag:$0x1] =	stream.linear.gather [spmem:s25], $0x80, $0x38;
	[tilespmem:$0x16588] =	vst v63  }
0x3a5: {  	s31 =	sld [smem:$0x78C];
	s30 =	sadd.s32 $0x80, s25  }
0x3a6: {  	(v2sf) =	vpush v0, $0x4;
	[tilespmem:s29], [sflag:$0x1] =	stream.linear.gather [spmem:s30], $0x80, $0x38;
	[tilespmem:$0x16588] =	vst v63  }
0x3a7: {  	s28 =	sadd.s32 $0x100, s25;
	s29 =	sld [smem:$0x78D]  }
0x3a8: {  	[tilespmem:s31], [sflag:$0x1] =	stream.linear.gather [spmem:s28], $0x80, $0x38;
	[tilespmem:$0x16588] =	vst v63  }
0x3a9: {  	s30 =	sadd.s32 $0x180, s25;
	s31 =	sld [smem:$0x78E]  }
0x3aa: {  	[tilespmem:s29], [sflag:$0x1] =	stream.linear.gather [spmem:s30], $0x80, $0x38;
	[tilespmem:$0x16588] =	vst v63  }
0x3ab: {  	s28 =	sadd.s32 $0x200, s25;
	s29 =	sld [smem:$0x78F]  }
0x3ac: {  	[tilespmem:s31], [sflag:$0x1] =	stream.linear.gather [spmem:s28], $0x80, $0x38;
	[tilespmem:$0x16588] =	vst v63  }
0x3ad: {  	s30 =	sadd.s32 $0x280, s25;
	s31 =	sld [smem:$0x790]  }
0x3ae: {  	[tilespmem:s29], [sflag:$0x1] =	stream.linear.gather [spmem:s30], $0x80, $0x38;
	[tilespmem:$0x16588] =	vst v63  }
0x3af: {  	s28 =	sadd.s32 $0x300, s25;
	s29 =	sld [smem:$0x791]  }
0x3b0: {  	[tilespmem:s31], [sflag:$0x1] =	stream.linear.gather [spmem:s28], $0x80, $0x38;
	[tilespmem:$0x16588] =	vst v63  }
0x3b1: {  	s30 =	sadd.s32 $0x380, s25;
	s31 =	sld [smem:$0x792]  }
0x3b2: {  	[tilespmem:s29], [sflag:$0x1] =	stream.linear.gather [spmem:s30], $0x80, $0x38;
	[tilespmem:$0x16588] =	vst v63  }
0x3b3: {  	s25 =	sadd.s32 $0x400, s25;
	s28 =	sld [smem:$0x793]  }
0x3b4: {  	[tilespmem:s31], [sflag:$0x1] =	stream.linear.gather [spmem:s25], $0x80, $0x38;
	[tilespmem:$0x16588] =	vst v63  }
0x3b5: {  	s29 =	sld [smem:$0x794];
	s25 =	spop (v2sf)  }
0x3b6: {  	[tilespmem:s28], [sflag:$0x1] =	stream.linear.gather [spmem:s25], $0x80, $0x38;
	[tilespmem:$0x16588] =	vst v63  }
0x3b7: {  	s31 =	sld [smem:$0x795];
	s30 =	sadd.s32 $0x80, s25  }
0x3b8: {  	(v2sf) =	vpush v0, $0x5;
	[tilespmem:s29], [sflag:$0x1] =	stream.linear.gather [spmem:s30], $0x80, $0x38;
	[tilespmem:$0x16588] =	vst v63  }
0x3b9: {  	s28 =	sadd.s32 $0x100, s25;
	s29 =	sld [smem:$0x796]  }
0x3ba: {  	[tilespmem:s31], [sflag:$0x1] =	stream.linear.gather [spmem:s28], $0x80, $0x38;
	[tilespmem:$0x16588] =	vst v63  }
0x3bb: {  	s30 =	sadd.s32 $0x180, s25;
	s31 =	sld [smem:$0x797]  }
0x3bc: {  	[tilespmem:s29], [sflag:$0x1] =	stream.linear.gather [spmem:s30], $0x80, $0x38;
	[tilespmem:$0x16588] =	vst v63  }
0x3bd: {  	s28 =	sadd.s32 $0x200, s25;
	s29 =	sld [smem:$0x798]  }
0x3be: {  	[tilespmem:s31], [sflag:$0x1] =	stream.linear.gather [spmem:s28], $0x80, $0x38;
	[tilespmem:$0x16588] =	vst v63  }
0x3bf: {  	s30 =	sadd.s32 $0x280, s25;
	s31 =	sld [smem:$0x799]  }
0x3c0: {  	[tilespmem:s29], [sflag:$0x1] =	stream.linear.gather [spmem:s30], $0x80, $0x38;
	[tilespmem:$0x16588] =	vst v63  }
0x3c1: {  	s28 =	sadd.s32 $0x300, s25;
	s29 =	sld [smem:$0x79A]  }
0x3c2: {  	[tilespmem:s31], [sflag:$0x1] =	stream.linear.gather [spmem:s28], $0x80, $0x38;
	[tilespmem:$0x16588] =	vst v63  }
0x3c3: {  	s30 =	sadd.s32 $0x380, s25;
	s31 =	sld [smem:$0x79B]  }
0x3c4: {  	[tilespmem:s29], [sflag:$0x1] =	stream.linear.gather [spmem:s30], $0x80, $0x38;
	[tilespmem:$0x16588] =	vst v63  }
0x3c5: {  	s25 =	sadd.s32 $0x400, s25;
	s28 =	sld [smem:$0x79C]  }
0x3c6: {  	[tilespmem:s31], [sflag:$0x1] =	stream.linear.gather [spmem:s25], $0x80, $0x38;
	[tilespmem:$0x16588] =	vst v63  }
0x3c7: {  	s29 =	sld [smem:$0x79D];
	s25 =	spop (v2sf)  }
0x3c8: {  	[tilespmem:s28], [sflag:$0x1] =	stream.linear.gather [spmem:s25], $0x80, $0x38;
	[tilespmem:$0x16588] =	vst v63  }
0x3c9: {  	s31 =	sld [smem:$0x79E];
	s30 =	sadd.s32 $0x80, s25  }
0x3ca: {  	(v2sf) =	vpush v0, $0x6;
	[tilespmem:s29], [sflag:$0x1] =	stream.linear.gather [spmem:s30], $0x80, $0x38;
	[tilespmem:$0x16588] =	vst v63  }
0x3cb: {  	s28 =	sadd.s32 $0x100, s25;
	s29 =	sld [smem:$0x79F]  }
0x3cc: {  	[tilespmem:s31], [sflag:$0x1] =	stream.linear.gather [spmem:s28], $0x80, $0x38;
	[tilespmem:$0x16588] =	vst v63  }
0x3cd: {  	s30 =	sadd.s32 $0x180, s25;
	s31 =	sld [smem:$0x7A0]  }
0x3ce: {  	[tilespmem:s29], [sflag:$0x1] =	stream.linear.gather [spmem:s30], $0x80, $0x38;
	[tilespmem:$0x16588] =	vst v63  }
0x3cf: {  	s28 =	sadd.s32 $0x200, s25;
	s29 =	sld [smem:$0x7A1]  }
0x3d0: {  	[tilespmem:s31], [sflag:$0x1] =	stream.linear.gather [spmem:s28], $0x80, $0x38;
	[tilespmem:$0x16588] =	vst v63  }
0x3d1: {  	s30 =	sadd.s32 $0x280, s25;
	s31 =	sld [smem:$0x7A2]  }
0x3d2: {  	[tilespmem:s29], [sflag:$0x1] =	stream.linear.gather [spmem:s30], $0x80, $0x38;
	[tilespmem:$0x16588] =	vst v63  }
0x3d3: {  	s28 =	sadd.s32 $0x300, s25;
	s29 =	sld [smem:$0x7A3]  }
0x3d4: {  	[tilespmem:s31], [sflag:$0x1] =	stream.linear.gather [spmem:s28], $0x80, $0x38;
	[tilespmem:$0x16588] =	vst v63  }
0x3d5: {  	s30 =	sadd.s32 $0x380, s25;
	s31 =	sld [smem:$0x7A4]  }
0x3d6: {  	[tilespmem:s29], [sflag:$0x1] =	stream.linear.gather [spmem:s30], $0x80, $0x38;
	[tilespmem:$0x16588] =	vst v63  }
0x3d7: {  	s25 =	sadd.s32 $0x400, s25;
	s28 =	sld [smem:$0x7A5]  }
0x3d8: {  	[tilespmem:s31], [sflag:$0x1] =	stream.linear.gather [spmem:s25], $0x80, $0x38;
	[tilespmem:$0x16588] =	vst v63  }
0x3d9: {  	s29 =	sld [smem:$0x7A6];
	s25 =	spop (v2sf)  }
0x3da: {  	[tilespmem:s28], [sflag:$0x1] =	stream.linear.gather [spmem:s25], $0x80, $0x38;
	[tilespmem:$0x16588] =	vst v63  }
0x3db: {  	s31 =	sld [smem:$0x7A7];
	s30 =	sadd.s32 $0x80, s25  }
0x3dc: {  	(v2sf) =	vpush v0, $0x7;
	[tilespmem:s29], [sflag:$0x1] =	stream.linear.gather [spmem:s30], $0x80, $0x38;
	[tilespmem:$0x16588] =	vst v63  }
0x3dd: {  	s28 =	sadd.s32 $0x100, s25;
	s29 =	sld [smem:$0x7A8]  }
0x3de: {  	[tilespmem:s31], [sflag:$0x1] =	stream.linear.gather [spmem:s28], $0x80, $0x38;
	[tilespmem:$0x16588] =	vst v63  }
0x3df: {  	s30 =	sadd.s32 $0x180, s25;
	s31 =	sld [smem:$0x7A9]  }
0x3e0: {  	[tilespmem:s29], [sflag:$0x1] =	stream.linear.gather [spmem:s30], $0x80, $0x38;
	[tilespmem:$0x16588] =	vst v63  }
0x3e1: {  	s28 =	sadd.s32 $0x200, s25;
	s29 =	sld [smem:$0x7AA]  }
0x3e2: {  	[tilespmem:s31], [sflag:$0x1] =	stream.linear.gather [spmem:s28], $0x80, $0x38;
	[tilespmem:$0x16588] =	vst v63  }
0x3e3: {  	s30 =	sadd.s32 $0x280, s25;
	s31 =	sld [smem:$0x7AB]  }
0x3e4: {  	[tilespmem:s29], [sflag:$0x1] =	stream.linear.gather [spmem:s30], $0x80, $0x38;
	[tilespmem:$0x16588] =	vst v63  }
0x3e5: {  	s28 =	sadd.s32 $0x300, s25;
	s29 =	sld [smem:$0x7AC]  }
0x3e6: {  	[tilespmem:s31], [sflag:$0x1] =	stream.linear.gather [spmem:s28], $0x80, $0x38;
	[tilespmem:$0x16588] =	vst v63  }
0x3e7: {  	s30 =	sadd.s32 $0x380, s25;
	s31 =	sld [smem:$0x7AD]  }
0x3e8: {  	[tilespmem:s29], [sflag:$0x1] =	stream.linear.gather [spmem:s30], $0x80, $0x38;
	[tilespmem:$0x16588] =	vst v63  }
0x3e9: {  	s25 =	sadd.s32 $0x400, s25;
	s28 =	sld [smem:$0x7AE]  }
0x3ea: {  	[tilespmem:s31], [sflag:$0x1] =	stream.linear.gather [spmem:s25], $0x80, $0x38;
	[tilespmem:$0x16588] =	vst v63  }
0x3eb: {  	s29 =	sld [smem:$0x7AF];
	s25 =	spop (v2sf)  }
0x3ec: {  	[tilespmem:s28], [sflag:$0x1] =	stream.linear.gather [spmem:s25], $0x80, $0x38;
	[tilespmem:$0x16588] =	vst v63  }
0x3ed: {  	s31 =	sld [smem:$0x7B0];
	s30 =	sadd.s32 $0x80, s25  }
0x3ee: {  	[tilespmem:s29], [sflag:$0x1] =	stream.linear.gather [spmem:s30], $0x80, $0x38;
	[tilespmem:$0x16588] =	vst v63  }
0x3ef: {  	s28 =	sadd.s32 $0x100, s25;
	s29 =	sld [smem:$0x7B1]  }
0x3f0: {  	[tilespmem:s31], [sflag:$0x1] =	stream.linear.gather [spmem:s28], $0x80, $0x38;
	[tilespmem:$0x16588] =	vst v63  }
0x3f1: {  	s30 =	sadd.s32 $0x180, s25;
	s31 =	sld [smem:$0x7B2]  }
0x3f2: {  	[tilespmem:s29], [sflag:$0x1] =	stream.linear.gather [spmem:s30], $0x80, $0x38;
	[tilespmem:$0x16588] =	vst v63  }
0x3f3: {  	s28 =	sadd.s32 $0x200, s25;
	s29 =	sld [smem:$0x7B3]  }
0x3f4: {  	[tilespmem:s31], [sflag:$0x1] =	stream.linear.gather [spmem:s28], $0x80, $0x38;
	[tilespmem:$0x16588] =	vst v63  }
0x3f5: {  	s30 =	sadd.s32 $0x280, s25;
	s31 =	sld [smem:$0x7B4]  }
0x3f6: {  	[tilespmem:s29], [sflag:$0x1] =	stream.linear.gather [spmem:s30], $0x80, $0x38;
	[tilespmem:$0x16588] =	vst v63  }
0x3f7: {  	s28 =	sadd.s32 $0x300, s25;
	s29 =	sld [smem:$0x7B5]  }
0x3f8: {  	[tilespmem:s31], [sflag:$0x1] =	stream.linear.gather [spmem:s28], $0x80, $0x38;
	[tilespmem:$0x16588] =	vst v63  }
0x3f9: {  	s30 =	sadd.s32 $0x380, s25;
	s31 =	sld [smem:$0x7B6]  }
0x3fa: {  	[tilespmem:s29], [sflag:$0x1] =	stream.linear.gather [spmem:s30], $0x80, $0x38;
	[tilespmem:$0x16588] =	vst v63  }
0x3fb: {  	s25 =	sadd.s32 $0x400, s25  }
0x3fc: {  	[tilespmem:s31], [sflag:$0x1] =	stream.linear.gather [spmem:s25], $0x80, $0x38;
	[tilespmem:$0x16588] =	vst v63  }
0x3fd: {  	_ =	swait.ge [sflag:s16], $0x2400  }
0x3fe: {  	s28 =	rddreg [dreg:$0x7];
	[sflag:s16] =	ssyncset.done $0x0  }
0x3ff: {  	[sflag:s16] =	ssyncadd.s32 $0xFFFFDC00;
	s23 =	sadd.s32 s20, s28  }
0x400: {  	[hbm4b:s23+s3] =	stream.linear.scatter [tilespmem:s15], [sflag:$0x2], $0x2400, $0x38;
	[tilespmem:$0x16588] =	vst v63  }
0x401: {  	_ =	swait.ge @!p1 [sflag:s22], $0x2400  }
0x402: {  	[sflag:s22] =	ssyncset.done @!p1 $0x0  }
0x403: {  	[sflag:s22] =	ssyncadd.s32 @!p1 $0xFFFFDC00  }
0x404: {  	v63 =	vld.msk [tilespmem:s21+$0x0], $0xff;
	_ =	sdelay $0x4  }
0x405: {  	v0 =	vmul.u32 $0x1200, v63;
	_ =	sdelay $0x1  }
0x406: {  	v0 =	vshra.s32 v0, $0x2  }
0x407: {  	v0 =	vadd.s32 s2, v0  }
0x408: {  	(v2sf) =	vpush v0, $0x0;
	_ =	sdelay $0xe  }
0x409: {  	s29 =	sld [smem:$0x7B7];
	s22 =	spop (v2sf)  }
0x40a: {  	[tilespmem:s17], [sflag:$0x1] =	stream.linear.gather [spmem:s22], $0x80, $0x38;
	[tilespmem:$0x16588] =	vst v63  }
0x40b: {  	s31 =	sld [smem:$0x7B8];
	s30 =	sadd.s32 $0x80, s22  }
0x40c: {  	(v2sf) =	vpush v0, $0x1;
	[tilespmem:s29], [sflag:$0x1] =	stream.linear.gather [spmem:s30], $0x80, $0x38;
	[tilespmem:$0x16588] =	vst v63  }
0x40d: {  	s26 =	sld [smem:$0x7B9];
	s25 =	sadd.s32 $0x100, s22  }
0x40e: {  	[tilespmem:s31], [sflag:$0x1] =	stream.linear.gather [spmem:s25], $0x80, $0x38;
	[tilespmem:$0x16588] =	vst v63  }
0x40f: {  	s28 =	sadd.s32 $0x180, s22;
	s29 =	sld [smem:$0x7BA]  }
0x410: {  	[tilespmem:s26], [sflag:$0x1] =	stream.linear.gather [spmem:s28], $0x80, $0x38;
	[tilespmem:$0x16588] =	vst v63  }
0x411: {  	s30 =	sadd.s32 $0x200, s22;
	s31 =	sld [smem:$0x7BB]  }
0x412: {  	[tilespmem:s29], [sflag:$0x1] =	stream.linear.gather [spmem:s30], $0x80, $0x38;
	[tilespmem:$0x16588] =	vst v63  }
0x413: {  	s25 =	sadd.s32 $0x280, s22;
	s26 =	sld [smem:$0x7BC]  }
0x414: {  	[tilespmem:s31], [sflag:$0x1] =	stream.linear.gather [spmem:s25], $0x80, $0x38;
	[tilespmem:$0x16588] =	vst v63  }
0x415: {  	s28 =	sadd.s32 $0x300, s22;
	s29 =	sld [smem:$0x7BD]  }
0x416: {  	[tilespmem:s26], [sflag:$0x1] =	stream.linear.gather [spmem:s28], $0x80, $0x38;
	[tilespmem:$0x16588] =	vst v63  }
0x417: {  	s30 =	sadd.s32 $0x380, s22;
	s31 =	sld [smem:$0x7BE]  }
0x418: {  	[tilespmem:s29], [sflag:$0x1] =	stream.linear.gather [spmem:s30], $0x80, $0x38;
	[tilespmem:$0x16588] =	vst v63  }
0x419: {  	s23 =	sadd.s32 $0x400, s22;
	s25 =	sld [smem:$0x7BF]  }
0x41a: {  	[tilespmem:s31], [sflag:$0x1] =	stream.linear.gather [spmem:s23], $0x80, $0x38;
	[tilespmem:$0x16588] =	vst v63  }
0x41b: {  	s26 =	sld [smem:$0x7C0];
	s23 =	spop (v2sf)  }
0x41c: {  	[tilespmem:s25], [sflag:$0x1] =	stream.linear.gather [spmem:s23], $0x80, $0x38;
	[tilespmem:$0x16588] =	vst v63  }
0x41d: {  	s29 =	sld [smem:$0x7C1];
	s28 =	sadd.s32 $0x80, s23  }
0x41e: {  	(v2sf) =	vpush v0, $0x2;
	[tilespmem:s26], [sflag:$0x1] =	stream.linear.gather [spmem:s28], $0x80, $0x38;
	[tilespmem:$0x16588] =	vst v63  }
0x41f: {  	s31 =	sld [smem:$0x7C2];
	s30 =	sadd.s32 $0x100, s23  }
0x420: {  	[tilespmem:s29], [sflag:$0x1] =	stream.linear.gather [spmem:s30], $0x80, $0x38;
	[tilespmem:$0x16588] =	vst v63  }
0x421: {  	s25 =	sadd.s32 $0x180, s23;
	s26 =	sld [smem:$0x7C3]  }
0x422: {  	[tilespmem:s31], [sflag:$0x1] =	stream.linear.gather [spmem:s25], $0x80, $0x38;
	[tilespmem:$0x16588] =	vst v63  }
0x423: {  	s28 =	sadd.s32 $0x200, s23;
	s29 =	sld [smem:$0x7C4]  }
0x424: {  	[tilespmem:s26], [sflag:$0x1] =	stream.linear.gather [spmem:s28], $0x80, $0x38;
	[tilespmem:$0x16588] =	vst v63  }
0x425: {  	s30 =	sadd.s32 $0x280, s23;
	s31 =	sld [smem:$0x7C5]  }
0x426: {  	[tilespmem:s29], [sflag:$0x1] =	stream.linear.gather [spmem:s30], $0x80, $0x38;
	[tilespmem:$0x16588] =	vst v63  }
0x427: {  	s25 =	sadd.s32 $0x300, s23;
	s26 =	sld [smem:$0x7C6]  }
0x428: {  	[tilespmem:s31], [sflag:$0x1] =	stream.linear.gather [spmem:s25], $0x80, $0x38;
	[tilespmem:$0x16588] =	vst v63  }
0x429: {  	s28 =	sadd.s32 $0x380, s23;
	s29 =	sld [smem:$0x7C7]  }
0x42a: {  	[tilespmem:s26], [sflag:$0x1] =	stream.linear.gather [spmem:s28], $0x80, $0x38;
	[tilespmem:$0x16588] =	vst v63  }
0x42b: {  	s30 =	sadd.s32 $0x400, s23;
	s31 =	sld [smem:$0x7C8]  }
0x42c: {  	[tilespmem:s29], [sflag:$0x1] =	stream.linear.gather [spmem:s30], $0x80, $0x38;
	[tilespmem:$0x16588] =	vst v63  }
0x42d: {  	s24 =	sld [smem:$0x7C9];
	s23 =	spop (v2sf)  }
0x42e: {  	[tilespmem:s31], [sflag:$0x1] =	stream.linear.gather [spmem:s23], $0x80, $0x38;
	[tilespmem:$0x16588] =	vst v63  }
0x42f: {  	s25 =	sadd.s32 $0x80, s23;
	s26 =	sld [smem:$0x7CA]  }
0x430: {  	(v2sf) =	vpush v0, $0x3;
	[tilespmem:s24], [sflag:$0x1] =	stream.linear.gather [spmem:s25], $0x80, $0x38;
	[tilespmem:$0x16588] =	vst v63  }
0x431: {  	s28 =	sadd.s32 $0x100, s23;
	s29 =	sld [smem:$0x7CB]  }
0x432: {  	[tilespmem:s26], [sflag:$0x1] =	stream.linear.gather [spmem:s28], $0x80, $0x38;
	[tilespmem:$0x16588] =	vst v63  }
0x433: {  	s30 =	sadd.s32 $0x180, s23;
	s31 =	sld [smem:$0x7CC]  }
0x434: {  	[tilespmem:s29], [sflag:$0x1] =	stream.linear.gather [spmem:s30], $0x80, $0x38;
	[tilespmem:$0x16588] =	vst v63  }
0x435: {  	s25 =	sadd.s32 $0x200, s23;
	s26 =	sld [smem:$0x7CD]  }
0x436: {  	[tilespmem:s31], [sflag:$0x1] =	stream.linear.gather [spmem:s25], $0x80, $0x38;
	[tilespmem:$0x16588] =	vst v63  }
0x437: {  	s28 =	sadd.s32 $0x280, s23;
	s29 =	sld [smem:$0x7CE]  }
0x438: {  	[tilespmem:s26], [sflag:$0x1] =	stream.linear.gather [spmem:s28], $0x80, $0x38;
	[tilespmem:$0x16588] =	vst v63  }
0x439: {  	s30 =	sadd.s32 $0x300, s23;
	s31 =	sld [smem:$0x7CF]  }
0x43a: {  	[tilespmem:s29], [sflag:$0x1] =	stream.linear.gather [spmem:s30], $0x80, $0x38;
	[tilespmem:$0x16588] =	vst v63  }
0x43b: {  	s24 =	sadd.s32 $0x380, s23;
	s25 =	sld [smem:$0x7D0]  }
0x43c: {  	[tilespmem:s31], [sflag:$0x1] =	stream.linear.gather [spmem:s24], $0x80, $0x38;
	[tilespmem:$0x16588] =	vst v63  }
0x43d: {  	s26 =	sadd.s32 $0x400, s23;
	s28 =	sld [smem:$0x7D1]  }
0x43e: {  	[tilespmem:s25], [sflag:$0x1] =	stream.linear.gather [spmem:s26], $0x80, $0x38;
	[tilespmem:$0x16588] =	vst v63  }
0x43f: {  	s23 =	spop (v2sf);
	s29 =	sld [smem:$0x7D2]  }
0x440: {  	[tilespmem:s28], [sflag:$0x1] =	stream.linear.gather [spmem:s23], $0x80, $0x38;
	[tilespmem:$0x16588] =	vst v63  }
0x441: {  	s30 =	sadd.s32 $0x80, s23;
	s31 =	sld [smem:$0x7D3]  }
0x442: {  	(v2sf) =	vpush v0, $0x4;
	[tilespmem:s29], [sflag:$0x1] =	stream.linear.gather [spmem:s30], $0x80, $0x38;
	[tilespmem:$0x16588] =	vst v63  }
0x443: {  	s25 =	sadd.s32 $0x100, s23;
	s26 =	sld [smem:$0x7D4]  }
0x444: {  	[tilespmem:s31], [sflag:$0x1] =	stream.linear.gather [spmem:s25], $0x80, $0x38;
	[tilespmem:$0x16588] =	vst v63  }
0x445: {  	s28 =	sadd.s32 $0x180, s23;
	s29 =	sld [smem:$0x7D5]  }
0x446: {  	[tilespmem:s26], [sflag:$0x1] =	stream.linear.gather [spmem:s28], $0x80, $0x38;
	[tilespmem:$0x16588] =	vst v63  }
0x447: {  	s30 =	sadd.s32 $0x200, s23;
	s31 =	sld [smem:$0x7D6]  }
0x448: {  	[tilespmem:s29], [sflag:$0x1] =	stream.linear.gather [spmem:s30], $0x80, $0x38;
	[tilespmem:$0x16588] =	vst v63  }
0x449: {  	s25 =	sadd.s32 $0x280, s23;
	s26 =	sld [smem:$0x7D7]  }
0x44a: {  	[tilespmem:s31], [sflag:$0x1] =	stream.linear.gather [spmem:s25], $0x80, $0x38;
	[tilespmem:$0x16588] =	vst v63  }
0x44b: {  	s28 =	sadd.s32 $0x300, s23;
	s29 =	sld [smem:$0x7D8]  }
0x44c: {  	[tilespmem:s26], [sflag:$0x1] =	stream.linear.gather [spmem:s28], $0x80, $0x38;
	[tilespmem:$0x16588] =	vst v63  }
0x44d: {  	s30 =	sadd.s32 $0x380, s23;
	s31 =	sld [smem:$0x7D9]  }
0x44e: {  	[tilespmem:s29], [sflag:$0x1] =	stream.linear.gather [spmem:s30], $0x80, $0x38;
	[tilespmem:$0x16588] =	vst v63  }
0x44f: {  	s23 =	sadd.s32 $0x400, s23;
	s25 =	sld [smem:$0x7DA]  }
0x450: {  	[tilespmem:s31], [sflag:$0x1] =	stream.linear.gather [spmem:s23], $0x80, $0x38;
	[tilespmem:$0x16588] =	vst v63  }
0x451: {  	s26 =	sld [smem:$0x7DB];
	s23 =	spop (v2sf)  }
0x452: {  	[tilespmem:s25], [sflag:$0x1] =	stream.linear.gather [spmem:s23], $0x80, $0x38;
	[tilespmem:$0x16588] =	vst v63  }
0x453: {  	s29 =	sld [smem:$0x7DC];
	s28 =	sadd.s32 $0x80, s23  }
0x454: {  	(v2sf) =	vpush v0, $0x5;
	[tilespmem:s26], [sflag:$0x1] =	stream.linear.gather [spmem:s28], $0x80, $0x38;
	[tilespmem:$0x16588] =	vst v63  }
0x455: {  	s31 =	sld [smem:$0x7DD];
	s30 =	sadd.s32 $0x100, s23  }
0x456: {  	[tilespmem:s29], [sflag:$0x1] =	stream.linear.gather [spmem:s30], $0x80, $0x38;
	[tilespmem:$0x16588] =	vst v63  }
0x457: {  	s25 =	sadd.s32 $0x180, s23;
	s26 =	sld [smem:$0x7DE]  }
0x458: {  	[tilespmem:s31], [sflag:$0x1] =	stream.linear.gather [spmem:s25], $0x80, $0x38;
	[tilespmem:$0x16588] =	vst v63  }
0x459: {  	s28 =	sadd.s32 $0x200, s23;
	s29 =	sld [smem:$0x7DF]  }
0x45a: {  	[tilespmem:s26], [sflag:$0x1] =	stream.linear.gather [spmem:s28], $0x80, $0x38;
	[tilespmem:$0x16588] =	vst v63  }
0x45b: {  	s30 =	sadd.s32 $0x280, s23;
	s31 =	sld [smem:$0x7E0]  }
0x45c: {  	[tilespmem:s29], [sflag:$0x1] =	stream.linear.gather [spmem:s30], $0x80, $0x38;
	[tilespmem:$0x16588] =	vst v63  }
0x45d: {  	s25 =	sadd.s32 $0x300, s23;
	s26 =	sld [smem:$0x7E1]  }
0x45e: {  	[tilespmem:s31], [sflag:$0x1] =	stream.linear.gather [spmem:s25], $0x80, $0x38;
	[tilespmem:$0x16588] =	vst v63  }
0x45f: {  	s28 =	sadd.s32 $0x380, s23;
	s29 =	sld [smem:$0x7E2]  }
0x460: {  	[tilespmem:s26], [sflag:$0x1] =	stream.linear.gather [spmem:s28], $0x80, $0x38;
	[tilespmem:$0x16588] =	vst v63  }
0x461: {  	s30 =	sadd.s32 $0x400, s23;
	s31 =	sld [smem:$0x7E3]  }
0x462: {  	[tilespmem:s29], [sflag:$0x1] =	stream.linear.gather [spmem:s30], $0x80, $0x38;
	[tilespmem:$0x16588] =	vst v63  }
0x463: {  	s24 =	sld [smem:$0x7E4];
	s23 =	spop (v2sf)  }
0x464: {  	[tilespmem:s31], [sflag:$0x1] =	stream.linear.gather [spmem:s23], $0x80, $0x38;
	[tilespmem:$0x16588] =	vst v63  }
0x465: {  	s25 =	sadd.s32 $0x80, s23;
	s26 =	sld [smem:$0x7E5]  }
0x466: {  	(v2sf) =	vpush v0, $0x6;
	[tilespmem:s24], [sflag:$0x1] =	stream.linear.gather [spmem:s25], $0x80, $0x38;
	[tilespmem:$0x16588] =	vst v63  }
0x467: {  	s28 =	sadd.s32 $0x100, s23;
	s29 =	sld [smem:$0x7E6]  }
0x468: {  	[tilespmem:s26], [sflag:$0x1] =	stream.linear.gather [spmem:s28], $0x80, $0x38;
	[tilespmem:$0x16588] =	vst v63  }
0x469: {  	s30 =	sadd.s32 $0x180, s23;
	s31 =	sld [smem:$0x7E7]  }
0x46a: {  	[tilespmem:s29], [sflag:$0x1] =	stream.linear.gather [spmem:s30], $0x80, $0x38;
	[tilespmem:$0x16588] =	vst v63  }
0x46b: {  	s25 =	sadd.s32 $0x200, s23;
	s26 =	sld [smem:$0x7E8]  }
0x46c: {  	[tilespmem:s31], [sflag:$0x1] =	stream.linear.gather [spmem:s25], $0x80, $0x38;
	[tilespmem:$0x16588] =	vst v63  }
0x46d: {  	s28 =	sadd.s32 $0x280, s23;
	s29 =	sld [smem:$0x7E9]  }
0x46e: {  	[tilespmem:s26], [sflag:$0x1] =	stream.linear.gather [spmem:s28], $0x80, $0x38;
	[tilespmem:$0x16588] =	vst v63  }
0x46f: {  	s30 =	sadd.s32 $0x300, s23;
	s31 =	sld [smem:$0x7EA]  }
0x470: {  	[tilespmem:s29], [sflag:$0x1] =	stream.linear.gather [spmem:s30], $0x80, $0x38;
	[tilespmem:$0x16588] =	vst v63  }
0x471: {  	s24 =	sadd.s32 $0x380, s23;
	s25 =	sld [smem:$0x7EB]  }
0x472: {  	[tilespmem:s31], [sflag:$0x1] =	stream.linear.gather [spmem:s24], $0x80, $0x38;
	[tilespmem:$0x16588] =	vst v63  }
0x473: {  	s26 =	sadd.s32 $0x400, s23;
	s28 =	sld [smem:$0x7EC]  }
0x474: {  	[tilespmem:s25], [sflag:$0x1] =	stream.linear.gather [spmem:s26], $0x80, $0x38;
	[tilespmem:$0x16588] =	vst v63  }
0x475: {  	s23 =	spop (v2sf);
	s29 =	sld [smem:$0x7ED]  }
0x476: {  	[tilespmem:s28], [sflag:$0x1] =	stream.linear.gather [spmem:s23], $0x80, $0x38;
	[tilespmem:$0x16588] =	vst v63  }
0x477: {  	s30 =	sadd.s32 $0x80, s23;
	s31 =	sld [smem:$0x7EE]  }
0x478: {  	(v2sf) =	vpush v0, $0x7;
	[tilespmem:s29], [sflag:$0x1] =	stream.linear.gather [spmem:s30], $0x80, $0x38;
	[tilespmem:$0x16588] =	vst v63  }
0x479: {  	s25 =	sadd.s32 $0x100, s23;
	s26 =	sld [smem:$0x7EF]  }
0x47a: {  	[tilespmem:s31], [sflag:$0x1] =	stream.linear.gather [spmem:s25], $0x80, $0x38;
	[tilespmem:$0x16588] =	vst v63  }
0x47b: {  	s28 =	sadd.s32 $0x180, s23;
	s29 =	sld [smem:$0x7F0]  }
0x47c: {  	[tilespmem:s26], [sflag:$0x1] =	stream.linear.gather [spmem:s28], $0x80, $0x38;
	[tilespmem:$0x16588] =	vst v63  }
0x47d: {  	s30 =	sadd.s32 $0x200, s23;
	s31 =	sld [smem:$0x7F1]  }
0x47e: {  	[tilespmem:s29], [sflag:$0x1] =	stream.linear.gather [spmem:s30], $0x80, $0x38;
	[tilespmem:$0x16588] =	vst v63  }
0x47f: {  	s25 =	sadd.s32 $0x280, s23;
	s26 =	sld [smem:$0x7F2]  }
0x480: {  	[tilespmem:s31], [sflag:$0x1] =	stream.linear.gather [spmem:s25], $0x80, $0x38;
	[tilespmem:$0x16588] =	vst v63  }
0x481: {  	s28 =	sadd.s32 $0x300, s23;
	s29 =	sld [smem:$0x7F3]  }
0x482: {  	[tilespmem:s26], [sflag:$0x1] =	stream.linear.gather [spmem:s28], $0x80, $0x38;
	[tilespmem:$0x16588] =	vst v63  }
0x483: {  	s30 =	sadd.s32 $0x380, s23;
	s31 =	sld [smem:$0x7F4]  }
0x484: {  	[tilespmem:s29], [sflag:$0x1] =	stream.linear.gather [spmem:s30], $0x80, $0x38;
	[tilespmem:$0x16588] =	vst v63  }
0x485: {  	s23 =	sadd.s32 $0x400, s23;
	s25 =	sld [smem:$0x7F5]  }
0x486: {  	[tilespmem:s31], [sflag:$0x1] =	stream.linear.gather [spmem:s23], $0x80, $0x38;
	[tilespmem:$0x16588] =	vst v63  }
0x487: {  	s26 =	sld [smem:$0x7F6];
	s23 =	spop (v2sf)  }
0x488: {  	[tilespmem:s25], [sflag:$0x1] =	stream.linear.gather [spmem:s23], $0x80, $0x38;
	[tilespmem:$0x16588] =	vst v63  }
0x489: {  	s29 =	sld [smem:$0x7F7];
	s28 =	sadd.s32 $0x80, s23  }
0x48a: {  	[tilespmem:s26], [sflag:$0x1] =	stream.linear.gather [spmem:s28], $0x80, $0x38;
	[tilespmem:$0x16588] =	vst v63  }
0x48b: {  	s31 =	sld [smem:$0x7F8];
	s30 =	sadd.s32 $0x100, s23  }
0x48c: {  	[tilespmem:s29], [sflag:$0x1] =	stream.linear.gather [spmem:s30], $0x80, $0x38;
	[tilespmem:$0x16588] =	vst v63  }
0x48d: {  	s25 =	sadd.s32 $0x180, s23;
	s26 =	sld [smem:$0x7F9]  }
0x48e: {  	[tilespmem:s31], [sflag:$0x1] =	stream.linear.gather [spmem:s25], $0x80, $0x38;
	[tilespmem:$0x16588] =	vst v63  }
0x48f: {  	s28 =	sadd.s32 $0x200, s23;
	s29 =	sld [smem:$0x7FA]  }
0x490: {  	[tilespmem:s26], [sflag:$0x1] =	stream.linear.gather [spmem:s28], $0x80, $0x38;
	[tilespmem:$0x16588] =	vst v63  }
0x491: {  	s30 =	sadd.s32 $0x280, s23;
	s31 =	sld [smem:$0x7FB]  }
0x492: {  	[tilespmem:s29], [sflag:$0x1] =	stream.linear.gather [spmem:s30], $0x80, $0x38;
	[tilespmem:$0x16588] =	vst v63  }
0x493: {  	s22 =	sadd.s32 $0x300, s23;
	s25 =	sld [smem:$0x7FC]  }
0x494: {  	[tilespmem:s31], [sflag:$0x1] =	stream.linear.gather [spmem:s22], $0x80, $0x38;
	[tilespmem:$0x16588] =	vst v63  }
0x495: {  	s26 =	sadd.s32 $0x380, s23;
	s28 =	sld [smem:$0x7FD]  }
0x496: {  	[tilespmem:s25], [sflag:$0x1] =	stream.linear.gather [spmem:s26], $0x80, $0x38;
	[tilespmem:$0x16588] =	vst v63  }
0x497: {  	s29 =	sadd.s32 $0x400, s23  }
0x498: {  	[tilespmem:s28], [sflag:$0x1] =	stream.linear.gather [spmem:s29], $0x80, $0x38;
	[tilespmem:$0x16588] =	vst v63  }
0x499: {  	_ =	swait.ge [sflag:s16], $0x2400  }
0x49a: {  	s30 =	rddreg [dreg:$0x6];
	[sflag:s16] =	ssyncset.done $0x0  }
0x49b: {  	s19 =	sadd.s32 $0x1, s19;
	[sflag:s16] =	ssyncadd.s32 $0xFFFFDC00;
	s31 =	sadd.s32 s20, s30  }
0x49c: {  	[hbm4b:s31+s3] =	stream.linear.scatter [tilespmem:s17], [sflag:$0x2], $0x2400, $0x38;
	[tilespmem:$0x16588] =	vst v63  }
0x49d: {  	p1 =	sne.s32 s19, s8;
	_ =	swait.ge [sflag:s18], $0x2400  }
.Ltmp1:
0x49e: {  	[sflag:s18] =	ssyncset.done $0x0;
	(pc) =	sbr.rel @p1 .LBB2_1-.Ltmp1, $4  }
0x49f: {  	[sflag:s18] =	ssyncadd.s32 $0xFFFFDC00  }
0x4a0: {  	_ =	swait.ge [sflag:s18], $0x2400  }
0x4a1: {  	[sflag:s18] =	ssyncset.done $0x0  }
0x4a2: {  	[sflag:s18] =	ssyncadd.s32 $0xFFFFDC00  }
0x4a3: {  	_ =	sfence.sel $0x180000  }
0x4a4: {  	[bflag:$0x0] =	sbarrier.arrive $0xFFFF  }
0x4a5: {  	p0 =	sne.s32 s0, $0x0;
	_ =	strace $0x90000047  }
0x4a6: {  	s0 =	sadd.s32 @!p0 $0x100000, s1;
	[bflag:$0x2] =	sbarrier.arrive $0xFFFF  }
0x4a7: {  	[sflag:s0] =	ssyncadd.tile.s32 @!p0 $0x1;
	_ =	shalt  }
.Lfunc_end2:
_tile_overlayer_lowered:
.L_overlay_start_2:
0x4a8: {  	(tag) =	ssettag $0x2  }
0x4a9: {  	s0 =	rddreg [dreg:$0x0];
	s2 =	stileid.u32  }
0x4aa: {  	s1 =	rddreg [dreg:$0x1];
	p0 =	sne.s32 s2, $0x0  }
0x4ab: {  	s3 =	rddreg [dreg:$0x2];
	[bflag:$0x3] =	sbarrier.arrive $0xFFFF;
	s2 =	simm.s32 @!p0 $0x1C04  }
0x4ac: {  	[timem:s3], [sflag:s2] =	dma.local @!p0 [hbm:s0], s1  }
0x4ad: {  	s0 =	simm.s32 @!p0 $0x4  }
0x4ae: {  	_ =	swait.ge @!p0 [sflag:s0], s1  }
0x4af: {  	s1 =	ssub.s32 @!p0 $0x0, s1;
	[sflag:s0] =	ssyncset.done @!p0 $0x0  }
0x4b0: {  	[sflag:s0] =	ssyncadd.s32 @!p0 s1  }
0x4b1: {  	[bflag:$0x3] =	sbarrier.arrive $0xFFFF  }
0x4b2: {  	_ =	shalt  }

</sc_bundles>
